<compile_context>
chip_gen: v7x
topology: tpu7x:2x2x1
jax: 0.10.2.dev20260603
libtpu: 0.0.44.dev20260713+nightly
codegen_flags: <defaults>
</compile_context>

<pallas_src>
import functools

import jax
import jax.numpy as jnp
from jax import lax
from jax.experimental import pallas as pl
from jax.experimental.pallas import tpu as pltpu
from jax.experimental.pallas import tpu_sc as plsc

N_NODES = 10000
N_EDGES = 160000
IN_DIM = 256
HID_DIM = 256
OUT_DIM = 128

NC = 2
NS = 16
DEG_W = 16
CHUNK = 128
E_PAD = 163840
ROWS2D = E_PAD // CHUNK
ACC_ROWS = 10112
SHARE = ACC_ROWS // NS
PAD_ROW = N_NODES
HALF = HID_DIM // 2

R_BLK = 400
N_RBLK = N_NODES // R_BLK


def _sc_mesh():
    return plsc.VectorSubcoreMesh(core_axis_name="c", subcore_axis_name="s")


def _degree_hist(dst3d, ones_chunk, zeros_share):
    rows_per_tile = dst3d.shape[1] // NS

    @functools.partial(
        pl.kernel,
        out_type=jax.ShapeDtypeStruct((NC, ACC_ROWS, DEG_W), jnp.float32),
        mesh=_sc_mesh(),
        compiler_params=pltpu.CompilerParams(use_tc_tiling_on_sc=False),
        scratch_types=[
            pltpu.VMEM((rows_per_tile, CHUNK), jnp.int32),
            pltpu.VMEM((CHUNK, DEG_W), jnp.float32),
            pltpu.VMEM_SHARED((ACC_ROWS, DEG_W), jnp.float32),
            pltpu.SemaphoreType.DMA,
        ],
    )
    def deg_kernel(dst_hbm, ones_hbm, zeros_hbm, out_hbm, idx_v, ones_v, acc, sem):
        cid = lax.axis_index("c")
        sid = lax.axis_index("s")
        pltpu.sync_copy(zeros_hbm, acc.at[pl.ds(sid * SHARE, SHARE)])
        pltpu.sync_copy(ones_hbm, ones_v)
        pltpu.sync_copy(dst_hbm.at[cid, pl.ds(sid * rows_per_tile, rows_per_tile)], idx_v)
        plsc.subcore_barrier()

        @pl.loop(0, rows_per_tile)
        def _(j):
            pltpu.sync_copy(ones_v, acc.at[idx_v.at[j]], add=True)

        plsc.subcore_barrier()
        pltpu.sync_copy(
            acc.at[pl.ds(sid * SHARE, SHARE)],
            out_hbm.at[cid, pl.ds(sid * SHARE, SHARE)],
        )

    return deg_kernel(dst3d, ones_chunk, zeros_share)


def _edge_aggregate(table, src3d, dst3d, zeros_share, d):
    rows_per_tile = src3d.shape[1] // NS
    idxb = min(rows_per_tile, 40)
    n_pass = rows_per_tile // idxb
    nbuf = 2 if d > 64 else 4

    @functools.partial(
        pl.kernel,
        out_type=jax.ShapeDtypeStruct((NC, ACC_ROWS, d), jnp.float32),
        mesh=_sc_mesh(),
        compiler_params=pltpu.CompilerParams(use_tc_tiling_on_sc=False),
        scratch_types=[
            pltpu.VMEM((idxb, CHUNK), jnp.int32),
            pltpu.VMEM((idxb, CHUNK), jnp.int32),
        ] + [pltpu.VMEM((CHUNK, d), jnp.float32)] * nbuf + [
            pltpu.VMEM_SHARED((ACC_ROWS, d), jnp.float32),
        ] + [pltpu.SemaphoreType.DMA] * nbuf,
    )
    def agg_kernel(tab_hbm, src_hbm, dst_hbm, zeros_hbm, out_hbm,
                   idxs, idxd, *rest):
        bufs = rest[:nbuf]
        acc = rest[nbuf]
        sems = rest[nbuf + 1: 2 * nbuf + 1]
        cid = lax.axis_index("c")
        sid = lax.axis_index("s")
        pltpu.sync_copy(zeros_hbm, acc.at[pl.ds(sid * SHARE, SHARE)])
        plsc.subcore_barrier()

        for p in range(n_pass):
            base = sid * rows_per_tile + p * idxb
            pltpu.sync_copy(src_hbm.at[cid, pl.ds(base, idxb)], idxs)
            pltpu.sync_copy(dst_hbm.at[cid, pl.ds(base, idxb)], idxd)

            for b in range(nbuf - 1):
                pltpu.async_copy(tab_hbm.at[idxs.at[b]], bufs[b], sems[b])

            @pl.loop(0, idxb, step=nbuf)
            def _(j):
                for b in range(nbuf):
                    nxt = j + b + nbuf - 1

                    @pl.when(nxt < idxb)
                    def _():
                        pltpu.async_copy(
                            tab_hbm.at[idxs.at[nxt]],
                            bufs[(b + nbuf - 1) % nbuf],
                            sems[(b + nbuf - 1) % nbuf],
                        )

                    pltpu.make_async_copy(
                        tab_hbm.at[idxs.at[0]], bufs[b], sems[b]).wait()
                    pltpu.sync_copy(bufs[b], acc.at[idxd.at[j + b]], add=True)

        plsc.subcore_barrier()
        pltpu.sync_copy(
            acc.at[pl.ds(sid * SHARE, SHARE)],
            out_hbm.at[cid, pl.ds(sid * SHARE, SHARE)],
        )

    return agg_kernel(table, src3d, dst3d, zeros_share)


def _deg_spec():
    return pl.BlockSpec((NC, R_BLK, DEG_W), lambda i: (0, i, 0))


def _dis_from(deg_ref):
    deg = deg_ref[0, :, 0] + deg_ref[1, :, 0] + 1.0
    return lax.rsqrt(deg)


def _mm1_scale(x, W1, degp):
    def body(x_ref, w_ref, d_ref, o_ref):
        dis = _dis_from(d_ref)
        h = jnp.dot(x_ref[...], w_ref[...], preferred_element_type=jnp.float32)
        h = h * dis[:, None]
        o_ref[0] = h[:, :HALF]
        o_ref[1] = h[:, HALF:]

    return pl.pallas_call(
        body,
        grid=(N_RBLK,),
        in_specs=[
            pl.BlockSpec((R_BLK, IN_DIM), lambda i: (i, 0)),
            pl.BlockSpec((IN_DIM, HID_DIM), lambda i: (0, 0)),
            _deg_spec(),
        ],
        out_specs=pl.BlockSpec((NC, R_BLK, HALF), lambda i: (0, i, 0)),
        out_shape=jax.ShapeDtypeStruct((NC, N_NODES, HALF), jnp.float32),
    )(x, W1, degp)


def _combine_mm2(agg1, h2, degp, W2, b1):
    def body(a_ref, h_ref, d_ref, w_ref, b_ref, o_ref):
        dis = _dis_from(d_ref)
        z = jnp.concatenate([a_ref[0] + h_ref[0], a_ref[1] + h_ref[1]], axis=1)
        h1 = jnp.maximum(z * dis[:, None] + b_ref[...], 0.0)
        t = jnp.dot(h1, w_ref[...], preferred_element_type=jnp.float32)
        t = t * dis[:, None]
        o_ref[0] = t[:, : OUT_DIM // 2]
        o_ref[1] = t[:, OUT_DIM // 2:]

    half_spec = pl.BlockSpec((NC, R_BLK, HALF), lambda i: (0, i, 0))
    return pl.pallas_call(
        body,
        grid=(N_RBLK,),
        in_specs=[
            half_spec,
            half_spec,
            _deg_spec(),
            pl.BlockSpec((HID_DIM, OUT_DIM), lambda i: (0, 0)),
            pl.BlockSpec((1, HID_DIM), lambda i: (0, 0)),
        ],
        out_specs=pl.BlockSpec((NC, R_BLK, OUT_DIM // 2), lambda i: (0, i, 0)),
        out_shape=jax.ShapeDtypeStruct((NC, N_NODES, OUT_DIM // 2), jnp.float32),
    )(agg1, h2, degp, W2, b1)


def _final_softmax(agg2, t2, degp, b2):
    def body(a_ref, t_ref, d_ref, b_ref, o_ref):
        dis = _dis_from(d_ref)
        z = jnp.concatenate([a_ref[0] + t_ref[0], a_ref[1] + t_ref[1]], axis=1)
        o = z * dis[:, None] + b_ref[...]
        m = jnp.max(o, axis=1, keepdims=True)
        e = jnp.exp(o - m)
        s = jnp.sum(e, axis=1, keepdims=True)
        o_ref[...] = (o - m) - jnp.log(s)

    return pl.pallas_call(
        body,
        grid=(N_RBLK,),
        in_specs=[
            pl.BlockSpec((NC, R_BLK, OUT_DIM // 2), lambda i: (0, i, 0)),
            pl.BlockSpec((NC, R_BLK, OUT_DIM // 2), lambda i: (0, i, 0)),
            _deg_spec(),
            pl.BlockSpec((1, OUT_DIM), lambda i: (0, 0)),
        ],
        out_specs=pl.BlockSpec((R_BLK, OUT_DIM), lambda i: (i, 0)),
        out_shape=jax.ShapeDtypeStruct((N_NODES, OUT_DIM), jnp.float32),
    )(agg2, t2, degp, b2)


def kernel(x, edge_index, W1, b1, W2, b2):
    src = edge_index[0].astype(jnp.int32)
    dst = edge_index[1].astype(jnp.int32)
    pad = E_PAD - N_EDGES
    srcp = jnp.concatenate([src, jnp.zeros((pad,), jnp.int32)])
    dstp = jnp.concatenate([dst, jnp.full((pad,), PAD_ROW, jnp.int32)])
    dstF3d = jnp.stack([dstp, dstp]).reshape(NC, ROWS2D, CHUNK)
    srcF3d = jnp.stack([srcp, srcp + N_NODES]).reshape(NC, ROWS2D, CHUNK)
    dstE3d = dstp.reshape(NC, ROWS2D // NC, CHUNK)

    ones_chunk = jnp.ones((CHUNK, DEG_W), jnp.float32)
    zeros16 = jnp.zeros((SHARE, DEG_W), jnp.float32)
    zeros64 = jnp.zeros((SHARE, OUT_DIM // 2), jnp.float32)
    zeros128 = jnp.zeros((SHARE, HALF), jnp.float32)

    degp = _degree_hist(dstE3d, ones_chunk, zeros16)
    h2 = _mm1_scale(x, W1, degp)
    agg1 = _edge_aggregate(h2.reshape(NC * N_NODES, HALF),
                           srcF3d, dstF3d, zeros128, HALF)
    agg1 = agg1[:, :N_NODES, :]
    t2 = _combine_mm2(agg1, h2, degp, W2, b1.reshape(1, -1))
    agg2 = _edge_aggregate(t2.reshape(NC * N_NODES, OUT_DIM // 2),
                           srcF3d, dstF3d, zeros64, OUT_DIM // 2)
    agg2 = agg2[:, :N_NODES, :]
    return _final_softmax(agg2, t2, degp, b2.reshape(1, -1))

# --- scband reference (transcript-rebuilt; emitter-appended) ---
"""Pipeline reference for scband-gcn-25993142075897 (READ-ONLY COPY).

The authoritative reference and input builder live on the scoring server;
editing this copy changes nothing except your own understanding.
"""

import jax, jax.numpy as jnp
import numpy as np

N_NODES = 10000
N_EDGES = 160000
IN_DIM = 256
HID_DIM = 256
OUT_DIM = 128


def setup_inputs(seed: int = 0) -> dict:
    key = jax.random.key(seed)
    ks = jax.random.split(key, 6)
    x = jax.random.normal(ks[0], (N_NODES, IN_DIM), dtype=jnp.float32)
    edge_index = jax.random.randint(ks[1], (2, N_EDGES), 0, N_NODES, dtype=jnp.int64) if jax.config.jax_enable_x64 else jax.random.randint(ks[1], (2, N_EDGES), 0, N_NODES).astype(jnp.int32)
    # Glorot-style init for GCN linear weights
    s1 = (6.0 / (IN_DIM + HID_DIM)) ** 0.5
    s2 = (6.0 / (HID_DIM + OUT_DIM)) ** 0.5
    W1 = jax.random.uniform(ks[2], (IN_DIM, HID_DIM), jnp.float32, -s1, s1)
    b1 = jnp.zeros((HID_DIM,), jnp.float32)
    W2 = jax.random.uniform(ks[3], (HID_DIM, OUT_DIM), jnp.float32, -s2, s2)
    b2 = jnp.zeros((OUT_DIM,), jnp.float32)
    return {"x": x, "edge_index": edge_index, "W1": W1, "b1": b1, "W2": W2, "b2": b2}


def _gcn_conv(x, W, b, src, dst, n_nodes):
    # PyG GCNConv semantics: add self loops, symmetric normalization,
    # linear transform, scatter-add aggregation by destination, bias.
    loop = jnp.arange(n_nodes, dtype=src.dtype)
    src_f = jnp.concatenate([src, loop])
    dst_f = jnp.concatenate([dst, loop])
    deg = jnp.zeros((n_nodes,), jnp.float32).at[dst_f].add(1.0)
    deg_inv_sqrt = jnp.where(deg > 0.0, jax.lax.rsqrt(jnp.maximum(deg, 1e-12)), 0.0)
    norm = deg_inv_sqrt[src_f] * deg_inv_sqrt[dst_f]
    h = x @ W
    msg = h[src_f] * norm[:, None]
    out = jnp.zeros((n_nodes, W.shape[1]), jnp.float32).at[dst_f].add(msg)
    return out + b


def reference(x, edge_index, W1, b1, W2, b2):
    src = edge_index[0]
    dst = edge_index[1]
    h = _gcn_conv(x, W1, b1, src, dst, N_NODES)
    h = jax.nn.relu(h)
    h = _gcn_conv(h, W2, b2, src, dst, N_NODES)
    return jax.nn.log_softmax(h, axis=1)

if __name__ == "__main__":
    import jax
    _d = setup_inputs()
    print(jax.jit(kernel)(*tuple(_d.values())))

</pallas_src>

<mosaic_0001>
#map = affine_map<(d0, d1) -> (0, 0, 0)>
#map1 = affine_map<(d0, d1) -> (0, 0)>
module attributes {stable_mosaic.version = 14 : i64} {
  func.func @deg_kernel(%arg0: i32, %arg1: i32, %arg2: memref<2x640x128xi32, #tpu.memory_space<hbm>>, %arg3: memref<128x16xf32, #tpu.memory_space<hbm>>, %arg4: memref<632x16xf32, #tpu.memory_space<hbm>>, %arg5: memref<2x10112x16xf32, #tpu.memory_space<hbm>>, %arg6: memref<40x128xi32, #tpu.memory_space<vmem>>, %arg7: memref<128x16xf32, #tpu.memory_space<vmem>>, %arg8: memref<10112x16xf32, #tpu.memory_space<vmem_shared>>, %arg9: memref<!tpu.dma_semaphore, #tpu.memory_space<semaphore_mem>>) attributes {dimension_semantics = [#tpu.dimension_semantics<core_parallel>, #tpu.dimension_semantics<subcore_parallel>], iteration_bounds = array<i64: 2, 16>, scalar_prefetch = 0 : i64, scratch_operands = 4 : i64, tpu.core_type = #tpu.core_type<sc_vector_subcore>, window_params = [{transform_indices = #map}, {transform_indices = #map1}, {transform_indices = #map1}, {transform_indices = #map}]} {
    %mul3A = arith.constant 632 : i32
    %mul3A_0 = arith.muli %arg1, %mul3A : i32
    "tpu.region"() ({
      %run_scoped3A = tpu.sem_alloc : memref<!tpu.dma_semaphore, #tpu.memory_space<semaphore_mem>>
      %dma_start3A = arith.constant 0 : i32
      %dma_start3A_12 = tpu.memref_slice %arg8[%mul3A_0, %dma_start3A] : memref<10112x16xf32, #tpu.memory_space<vmem_shared>> -> memref<632x16xf32, #tpu.memory_space<vmem_shared>>
      tpu.enqueue_dma source(%arg4 : memref<632x16xf32, #tpu.memory_space<hbm>>) target(%dma_start3A_12 : memref<632x16xf32, #tpu.memory_space<vmem_shared>>) target_semaphore(%run_scoped3A : memref<!tpu.dma_semaphore, #tpu.memory_space<semaphore_mem>>)
      %dma_wait3A = arith.constant 0 : i32
      %dma_wait3A_13 = tpu.memref_slice %arg8[%mul3A_0, %dma_wait3A] : memref<10112x16xf32, #tpu.memory_space<vmem_shared>> -> memref<632x16xf32, #tpu.memory_space<vmem_shared>>
      tpu.wait_dma2 semaphore(%run_scoped3A : memref<!tpu.dma_semaphore, #tpu.memory_space<semaphore_mem>>) src(%arg4 : memref<632x16xf32, #tpu.memory_space<hbm>>) dst(%dma_wait3A_13 : memref<632x16xf32, #tpu.memory_space<vmem_shared>>)
      tpu.yield
    }) : () -> ()
    "tpu.region"() ({
      %run_scoped3A = tpu.sem_alloc : memref<!tpu.dma_semaphore, #tpu.memory_space<semaphore_mem>>
      tpu.enqueue_dma source(%arg3 : memref<128x16xf32, #tpu.memory_space<hbm>>) target(%arg7 : memref<128x16xf32, #tpu.memory_space<vmem>>) target_semaphore(%run_scoped3A : memref<!tpu.dma_semaphore, #tpu.memory_space<semaphore_mem>>)
      tpu.wait_dma2 semaphore(%run_scoped3A : memref<!tpu.dma_semaphore, #tpu.memory_space<semaphore_mem>>) src(%arg3 : memref<128x16xf32, #tpu.memory_space<hbm>>) dst(%arg7 : memref<128x16xf32, #tpu.memory_space<vmem>>)
      tpu.yield
    }) : () -> ()
    %mul3A_1 = arith.constant 40 : i32
    %mul3A_2 = arith.muli %arg1, %mul3A_1 : i32
    "tpu.region"() ({
      %run_scoped3A = tpu.sem_alloc : memref<!tpu.dma_semaphore, #tpu.memory_space<semaphore_mem>>
      %dma_start3A = arith.constant 0 : i32
      %dma_start3A_12 = tpu.memref_slice %arg2[%arg0, %mul3A_2, %dma_start3A] : memref<2x640x128xi32, #tpu.memory_space<hbm>> -> memref<1x40x128xi32, #tpu.memory_space<hbm>>
      %dma_start3A_13 = tpu.memref_squeeze %dma_start3A_12 : memref<1x40x128xi32, #tpu.memory_space<hbm>> -> memref<40x128xi32, #tpu.memory_space<hbm>>
      %dma_start3A_14 = arith.constant 0 : i32
      %dma_start3A_15 = tpu.memref_slice %arg2[%arg0, %mul3A_2, %dma_start3A_14] : memref<2x640x128xi32, #tpu.memory_space<hbm>> -> memref<1x40x128xi32, #tpu.memory_space<hbm>>
      %dma_start3A_16 = tpu.memref_squeeze %dma_start3A_15 : memref<1x40x128xi32, #tpu.memory_space<hbm>> -> memref<40x128xi32, #tpu.memory_space<hbm>>
      tpu.enqueue_dma source(%dma_start3A_16 : memref<40x128xi32, #tpu.memory_space<hbm>>) target(%arg6 : memref<40x128xi32, #tpu.memory_space<vmem>>) target_semaphore(%run_scoped3A : memref<!tpu.dma_semaphore, #tpu.memory_space<semaphore_mem>>)
      %dma_wait3A = arith.constant 0 : i32
      %dma_wait3A_17 = tpu.memref_slice %arg2[%arg0, %mul3A_2, %dma_wait3A] : memref<2x640x128xi32, #tpu.memory_space<hbm>> -> memref<1x40x128xi32, #tpu.memory_space<hbm>>
      %dma_wait3A_18 = tpu.memref_squeeze %dma_wait3A_17 : memref<1x40x128xi32, #tpu.memory_space<hbm>> -> memref<40x128xi32, #tpu.memory_space<hbm>>
      %dma_wait3A_19 = arith.constant 0 : i32
      %dma_wait3A_20 = tpu.memref_slice %arg2[%arg0, %mul3A_2, %dma_wait3A_19] : memref<2x640x128xi32, #tpu.memory_space<hbm>> -> memref<1x40x128xi32, #tpu.memory_space<hbm>>
      %dma_wait3A_21 = tpu.memref_squeeze %dma_wait3A_20 : memref<1x40x128xi32, #tpu.memory_space<hbm>> -> memref<40x128xi32, #tpu.memory_space<hbm>>
      tpu.wait_dma2 semaphore(%run_scoped3A : memref<!tpu.dma_semaphore, #tpu.memory_space<semaphore_mem>>) src(%dma_wait3A_21 : memref<40x128xi32, #tpu.memory_space<hbm>>) dst(%arg6 : memref<40x128xi32, #tpu.memory_space<vmem>>)
      tpu.yield
    }) : () -> ()
    %barrier3A = arith.constant 0 : index
    tpu.barrier barrier_id(%barrier3A)
    %scan3A = arith.constant 0 : i32
    %scan3A_3 = arith.constant 40 : i32
    %scan3A_4 = arith.addi %scan3A, %scan3A_3 : i32
    %scan3A_5 = arith.constant 1 : i32
    scf.for %scan3A_12 = %scan3A to %scan3A_4 step %scan3A_5  : i32 {
      %mul3A_13 = arith.constant 1 : i32
      %mul3A_14 = arith.muli %scan3A_12, %mul3A_13 : i32
      %add3A = arith.constant 0 : i32
      %add3A_15 = arith.addi %add3A, %mul3A_14 : i32
      "tpu.region"() ({
        %run_scoped3A = tpu.sem_alloc : memref<!tpu.dma_semaphore, #tpu.memory_space<semaphore_mem>>
        %dma_start3A = arith.constant 0 : i32
        %dma_start3A_16 = tpu.memref_slice %arg6[%add3A_15, %dma_start3A] : memref<40x128xi32, #tpu.memory_space<vmem>> -> memref<1x128xi32, #tpu.memory_space<vmem>>
        %dma_start3A_17 = tpu.memref_squeeze %dma_start3A_16 : memref<1x128xi32, #tpu.memory_space<vmem>> -> memref<128xi32, #tpu.memory_space<vmem>>
        %dma_start3A_18 = arith.constant 0 : i32
        %dma_start3A_19 = arith.constant 0 : i32
        %dma_start3A_20 = tpu.memref_slice %arg8[%dma_start3A_18, %dma_start3A_19] : memref<10112x16xf32, #tpu.memory_space<vmem_shared>> -> memref<10112x16xf32, #tpu.memory_space<vmem_shared>>
        tpu.enqueue_indirect_dma source(%arg7 : memref<128x16xf32, #tpu.memory_space<vmem>>) target(%dma_start3A_20 : memref<10112x16xf32, #tpu.memory_space<vmem_shared>>) offsets(%dma_start3A_17 : memref<128xi32, #tpu.memory_space<vmem>>) semaphore(%run_scoped3A : memref<!tpu.dma_semaphore, #tpu.memory_space<semaphore_mem>>) {add = true}
        %dma_wait3A = arith.constant 0 : i32
        %dma_wait3A_21 = tpu.memref_slice %arg6[%add3A_15, %dma_wait3A] : memref<40x128xi32, #tpu.memory_space<vmem>> -> memref<1x128xi32, #tpu.memory_space<vmem>>
        %dma_wait3A_22 = tpu.memref_squeeze %dma_wait3A_21 : memref<1x128xi32, #tpu.memory_space<vmem>> -> memref<128xi32, #tpu.memory_space<vmem>>
        %dma_wait3A_23 = arith.constant 0 : i32
        %dma_wait3A_24 = arith.constant 0 : i32
        %dma_wait3A_25 = tpu.memref_slice %arg8[%dma_wait3A_23, %dma_wait3A_24] : memref<10112x16xf32, #tpu.memory_space<vmem_shared>> -> memref<10112x16xf32, #tpu.memory_space<vmem_shared>>
        tpu.wait_indirect_dma semaphore(%run_scoped3A : memref<!tpu.dma_semaphore, #tpu.memory_space<semaphore_mem>>) src(%arg7 : memref<128x16xf32, #tpu.memory_space<vmem>>) dst(%dma_wait3A_25 : memref<10112x16xf32, #tpu.memory_space<vmem_shared>>)
        tpu.yield
      }) : () -> ()
    }
    %scan3A_6 = arith.constant 40 : i32
    %barrier3A_7 = arith.constant 0 : index
    tpu.barrier barrier_id(%barrier3A_7)
    %mul3A_8 = arith.constant 632 : i32
    %mul3A_9 = arith.muli %arg1, %mul3A_8 : i32
    %mul3A_10 = arith.constant 632 : i32
    %mul3A_11 = arith.muli %arg1, %mul3A_10 : i32
    "tpu.region"() ({
      %run_scoped3A = tpu.sem_alloc : memref<!tpu.dma_semaphore, #tpu.memory_space<semaphore_mem>>
      %dma_start3A = arith.constant 0 : i32
      %dma_start3A_12 = tpu.memref_slice %arg5[%arg0, %mul3A_11, %dma_start3A] : memref<2x10112x16xf32, #tpu.memory_space<hbm>> -> memref<1x632x16xf32, #tpu.memory_space<hbm>>
      %dma_start3A_13 = tpu.memref_squeeze %dma_start3A_12 : memref<1x632x16xf32, #tpu.memory_space<hbm>> -> memref<632x16xf32, #tpu.memory_space<hbm>>
      %dma_start3A_14 = arith.constant 0 : i32
      %dma_start3A_15 = tpu.memref_slice %arg8[%mul3A_9, %dma_start3A_14] : memref<10112x16xf32, #tpu.memory_space<vmem_shared>> -> memref<632x16xf32, #tpu.memory_space<vmem_shared>>
      tpu.enqueue_dma source(%dma_start3A_15 : memref<632x16xf32, #tpu.memory_space<vmem_shared>>) target(%dma_start3A_13 : memref<632x16xf32, #tpu.memory_space<hbm>>) target_semaphore(%run_scoped3A : memref<!tpu.dma_semaphore, #tpu.memory_space<semaphore_mem>>)
      %dma_wait3A = arith.constant 0 : i32
      %dma_wait3A_16 = tpu.memref_slice %arg5[%arg0, %mul3A_11, %dma_wait3A] : memref<2x10112x16xf32, #tpu.memory_space<hbm>> -> memref<1x632x16xf32, #tpu.memory_space<hbm>>
      %dma_wait3A_17 = tpu.memref_squeeze %dma_wait3A_16 : memref<1x632x16xf32, #tpu.memory_space<hbm>> -> memref<632x16xf32, #tpu.memory_space<hbm>>
      %dma_wait3A_18 = arith.constant 0 : i32
      %dma_wait3A_19 = tpu.memref_slice %arg8[%mul3A_9, %dma_wait3A_18] : memref<10112x16xf32, #tpu.memory_space<vmem_shared>> -> memref<632x16xf32, #tpu.memory_space<vmem_shared>>
      tpu.wait_dma2 semaphore(%run_scoped3A : memref<!tpu.dma_semaphore, #tpu.memory_space<semaphore_mem>>) src(%dma_wait3A_19 : memref<632x16xf32, #tpu.memory_space<vmem_shared>>) dst(%dma_wait3A_17 : memref<632x16xf32, #tpu.memory_space<hbm>>)
      tpu.yield
    }) : () -> ()
    return
  }
}

#map = affine_map<(d0, d1) -> (0, 0)>
#map1 = affine_map<(d0, d1) -> (0, 0, 0)>
module attributes {stable_mosaic.version = 14 : i64} {
  func.func @agg_kernel(%arg0: i32, %arg1: i32, %arg2: memref<20000x128xf32, #tpu.memory_space<hbm>>, %arg3: memref<2x1280x128xi32, #tpu.memory_space<hbm>>, %arg4: memref<2x1280x128xi32, #tpu.memory_space<hbm>>, %arg5: memref<632x128xf32, #tpu.memory_space<hbm>>, %arg6: memref<2x10112x128xf32, #tpu.memory_space<hbm>>, %arg7: memref<40x128xi32, #tpu.memory_space<vmem>>, %arg8: memref<40x128xi32, #tpu.memory_space<vmem>>, %arg9: memref<128x128xf32, #tpu.memory_space<vmem>>, %arg10: memref<128x128xf32, #tpu.memory_space<vmem>>, %arg11: memref<10112x128xf32, #tpu.memory_space<vmem_shared>>, %arg12: memref<!tpu.dma_semaphore, #tpu.memory_space<semaphore_mem>>, %arg13: memref<!tpu.dma_semaphore, #tpu.memory_space<semaphore_mem>>) attributes {dimension_semantics = [#tpu.dimension_semantics<core_parallel>, #tpu.dimension_semantics<subcore_parallel>], iteration_bounds = array<i64: 2, 16>, scalar_prefetch = 0 : i64, scratch_operands = 7 : i64, tpu.core_type = #tpu.core_type<sc_vector_subcore>, window_params = [{transform_indices = #map}, {transform_indices = #map1}, {transform_indices = #map1}, {transform_indices = #map}, {transform_indices = #map1}]} {
    %mul3A = arith.constant 632 : i32
    %mul3A_0 = arith.muli %arg1, %mul3A : i32
    "tpu.region"() ({
      %run_scoped3A = tpu.sem_alloc : memref<!tpu.dma_semaphore, #tpu.memory_space<semaphore_mem>>
      %dma_start3A_35 = arith.constant 0 : i32
      %dma_start3A_36 = tpu.memref_slice %arg11[%mul3A_0, %dma_start3A_35] : memref<10112x128xf32, #tpu.memory_space<vmem_shared>> -> memref<632x128xf32, #tpu.memory_space<vmem_shared>>
      tpu.enqueue_dma source(%arg5 : memref<632x128xf32, #tpu.memory_space<hbm>>) target(%dma_start3A_36 : memref<632x128xf32, #tpu.memory_space<vmem_shared>>) target_semaphore(%run_scoped3A : memref<!tpu.dma_semaphore, #tpu.memory_space<semaphore_mem>>)
      %dma_wait3A = arith.constant 0 : i32
      %dma_wait3A_37 = tpu.memref_slice %arg11[%mul3A_0, %dma_wait3A] : memref<10112x128xf32, #tpu.memory_space<vmem_shared>> -> memref<632x128xf32, #tpu.memory_space<vmem_shared>>
      tpu.wait_dma2 semaphore(%run_scoped3A : memref<!tpu.dma_semaphore, #tpu.memory_space<semaphore_mem>>) src(%arg5 : memref<632x128xf32, #tpu.memory_space<hbm>>) dst(%dma_wait3A_37 : memref<632x128xf32, #tpu.memory_space<vmem_shared>>)
      tpu.yield
    }) : () -> ()
    %barrier3A = arith.constant 0 : index
    tpu.barrier barrier_id(%barrier3A)
    %mul3A_1 = arith.constant 80 : i32
    %mul3A_2 = arith.muli %arg1, %mul3A_1 : i32
    %add3A = arith.constant 0 : i32
    %add3A_3 = arith.addi %mul3A_2, %add3A : i32
    "tpu.region"() ({
      %run_scoped3A = tpu.sem_alloc : memref<!tpu.dma_semaphore, #tpu.memory_space<semaphore_mem>>
      %dma_start3A_35 = arith.constant 0 : i32
      %dma_start3A_36 = tpu.memref_slice %arg3[%arg0, %add3A_3, %dma_start3A_35] : memref<2x1280x128xi32, #tpu.memory_space<hbm>> -> memref<1x40x128xi32, #tpu.memory_space<hbm>>
      %dma_start3A_37 = tpu.memref_squeeze %dma_start3A_36 : memref<1x40x128xi32, #tpu.memory_space<hbm>> -> memref<40x128xi32, #tpu.memory_space<hbm>>
      %dma_start3A_38 = arith.constant 0 : i32
      %dma_start3A_39 = tpu.memref_slice %arg3[%arg0, %add3A_3, %dma_start3A_38] : memref<2x1280x128xi32, #tpu.memory_space<hbm>> -> memref<1x40x128xi32, #tpu.memory_space<hbm>>
      %dma_start3A_40 = tpu.memref_squeeze %dma_start3A_39 : memref<1x40x128xi32, #tpu.memory_space<hbm>> -> memref<40x128xi32, #tpu.memory_space<hbm>>
      tpu.enqueue_dma source(%dma_start3A_40 : memref<40x128xi32, #tpu.memory_space<hbm>>) target(%arg7 : memref<40x128xi32, #tpu.memory_space<vmem>>) target_semaphore(%run_scoped3A : memref<!tpu.dma_semaphore, #tpu.memory_space<semaphore_mem>>)
      %dma_wait3A = arith.constant 0 : i32
      %dma_wait3A_41 = tpu.memref_slice %arg3[%arg0, %add3A_3, %dma_wait3A] : memref<2x1280x128xi32, #tpu.memory_space<hbm>> -> memref<1x40x128xi32, #tpu.memory_space<hbm>>
      %dma_wait3A_42 = tpu.memref_squeeze %dma_wait3A_41 : memref<1x40x128xi32, #tpu.memory_space<hbm>> -> memref<40x128xi32, #tpu.memory_space<hbm>>
      %dma_wait3A_43 = arith.constant 0 : i32
      %dma_wait3A_44 = tpu.memref_slice %arg3[%arg0, %add3A_3, %dma_wait3A_43] : memref<2x1280x128xi32, #tpu.memory_space<hbm>> -> memref<1x40x128xi32, #tpu.memory_space<hbm>>
      %dma_wait3A_45 = tpu.memref_squeeze %dma_wait3A_44 : memref<1x40x128xi32, #tpu.memory_space<hbm>> -> memref<40x128xi32, #tpu.memory_space<hbm>>
      tpu.wait_dma2 semaphore(%run_scoped3A : memref<!tpu.dma_semaphore, #tpu.memory_space<semaphore_mem>>) src(%dma_wait3A_45 : memref<40x128xi32, #tpu.memory_space<hbm>>) dst(%arg7 : memref<40x128xi32, #tpu.memory_space<vmem>>)
      tpu.yield
    }) : () -> ()
    "tpu.region"() ({
      %run_scoped3A = tpu.sem_alloc : memref<!tpu.dma_semaphore, #tpu.memory_space<semaphore_mem>>
      %dma_start3A_35 = arith.constant 0 : i32
      %dma_start3A_36 = tpu.memref_slice %arg4[%arg0, %add3A_3, %dma_start3A_35] : memref<2x1280x128xi32, #tpu.memory_space<hbm>> -> memref<1x40x128xi32, #tpu.memory_space<hbm>>
      %dma_start3A_37 = tpu.memref_squeeze %dma_start3A_36 : memref<1x40x128xi32, #tpu.memory_space<hbm>> -> memref<40x128xi32, #tpu.memory_space<hbm>>
      %dma_start3A_38 = arith.constant 0 : i32
      %dma_start3A_39 = tpu.memref_slice %arg4[%arg0, %add3A_3, %dma_start3A_38] : memref<2x1280x128xi32, #tpu.memory_space<hbm>> -> memref<1x40x128xi32, #tpu.memory_space<hbm>>
      %dma_start3A_40 = tpu.memref_squeeze %dma_start3A_39 : memref<1x40x128xi32, #tpu.memory_space<hbm>> -> memref<40x128xi32, #tpu.memory_space<hbm>>
      tpu.enqueue_dma source(%dma_start3A_40 : memref<40x128xi32, #tpu.memory_space<hbm>>) target(%arg8 : memref<40x128xi32, #tpu.memory_space<vmem>>) target_semaphore(%run_scoped3A : memref<!tpu.dma_semaphore, #tpu.memory_space<semaphore_mem>>)
      %dma_wait3A = arith.constant 0 : i32
      %dma_wait3A_41 = tpu.memref_slice %arg4[%arg0, %add3A_3, %dma_wait3A] : memref<2x1280x128xi32, #tpu.memory_space<hbm>> -> memref<1x40x128xi32, #tpu.memory_space<hbm>>
      %dma_wait3A_42 = tpu.memref_squeeze %dma_wait3A_41 : memref<1x40x128xi32, #tpu.memory_space<hbm>> -> memref<40x128xi32, #tpu.memory_space<hbm>>
      %dma_wait3A_43 = arith.constant 0 : i32
      %dma_wait3A_44 = tpu.memref_slice %arg4[%arg0, %add3A_3, %dma_wait3A_43] : memref<2x1280x128xi32, #tpu.memory_space<hbm>> -> memref<1x40x128xi32, #tpu.memory_space<hbm>>
      %dma_wait3A_45 = tpu.memref_squeeze %dma_wait3A_44 : memref<1x40x128xi32, #tpu.memory_space<hbm>> -> memref<40x128xi32, #tpu.memory_space<hbm>>
      tpu.wait_dma2 semaphore(%run_scoped3A : memref<!tpu.dma_semaphore, #tpu.memory_space<semaphore_mem>>) src(%dma_wait3A_45 : memref<40x128xi32, #tpu.memory_space<hbm>>) dst(%arg8 : memref<40x128xi32, #tpu.memory_space<vmem>>)
      tpu.yield
    }) : () -> ()
    %dma_start3A = arith.constant 0 : i32
    %dma_start3A_4 = arith.constant 0 : i32
    %dma_start3A_5 = tpu.memref_slice %arg7[%dma_start3A, %dma_start3A_4] : memref<40x128xi32, #tpu.memory_space<vmem>> -> memref<1x128xi32, #tpu.memory_space<vmem>>
    %dma_start3A_6 = tpu.memref_squeeze %dma_start3A_5 : memref<1x128xi32, #tpu.memory_space<vmem>> -> memref<128xi32, #tpu.memory_space<vmem>>
    %dma_start3A_7 = arith.constant 0 : i32
    %dma_start3A_8 = arith.constant 0 : i32
    %dma_start3A_9 = tpu.memref_slice %arg2[%dma_start3A_7, %dma_start3A_8] : memref<20000x128xf32, #tpu.memory_space<hbm>> -> memref<20000x128xf32, #tpu.memory_space<hbm>>
    tpu.enqueue_indirect_dma source(%dma_start3A_9 : memref<20000x128xf32, #tpu.memory_space<hbm>>) target(%arg9 : memref<128x128xf32, #tpu.memory_space<vmem>>) offsets(%dma_start3A_6 : memref<128xi32, #tpu.memory_space<vmem>>) semaphore(%arg12 : memref<!tpu.dma_semaphore, #tpu.memory_space<semaphore_mem>>)
    %scan3A = arith.constant 0 : i32
    %scan3A_10 = arith.constant 20 : i32
    %scan3A_11 = arith.addi %scan3A, %scan3A_10 : i32
    %scan3A_12 = arith.constant 1 : i32
    scf.for %scan3A_35 = %scan3A to %scan3A_11 step %scan3A_12  : i32 {
      %mul3A_36 = arith.constant 2 : i32
      %mul3A_37 = arith.muli %scan3A_35, %mul3A_36 : i32
      %add3A_38 = arith.constant 0 : i32
      %add3A_39 = arith.addi %add3A_38, %mul3A_37 : i32
      %add3A_40 = arith.constant 0 : i32
      %add3A_41 = arith.addi %add3A_39, %add3A_40 : i32
      %add3A_42 = arith.constant 2 : i32
      %add3A_43 = arith.addi %add3A_41, %add3A_42 : i32
      %sub3A = arith.constant 1 : i32
      %sub3A_44 = arith.subi %add3A_43, %sub3A : i32
      %lt3A = arith.constant 40 : i32
      %lt3A_45 = arith.cmpi slt, %sub3A_44, %lt3A : i32
      %convert_element_type3A = arith.extui %lt3A_45 : i1 to i32
      %cond3A = arith.constant 0 : i32
      %cond3A_46 = arith.cmpi ne, %convert_element_type3A, %cond3A : i32
      scf.if %cond3A_46 {
        %dma_start3A_75 = arith.constant 0 : i32
        %dma_start3A_76 = tpu.memref_slice %arg7[%sub3A_44, %dma_start3A_75] : memref<40x128xi32, #tpu.memory_space<vmem>> -> memref<1x128xi32, #tpu.memory_space<vmem>>
        %dma_start3A_77 = tpu.memref_squeeze %dma_start3A_76 : memref<1x128xi32, #tpu.memory_space<vmem>> -> memref<128xi32, #tpu.memory_space<vmem>>
        %dma_start3A_78 = arith.constant 0 : i32
        %dma_start3A_79 = arith.constant 0 : i32
        %dma_start3A_80 = tpu.memref_slice %arg2[%dma_start3A_78, %dma_start3A_79] : memref<20000x128xf32, #tpu.memory_space<hbm>> -> memref<20000x128xf32, #tpu.memory_space<hbm>>
        tpu.enqueue_indirect_dma source(%dma_start3A_80 : memref<20000x128xf32, #tpu.memory_space<hbm>>) target(%arg10 : memref<128x128xf32, #tpu.memory_space<vmem>>) offsets(%dma_start3A_77 : memref<128xi32, #tpu.memory_space<vmem>>) semaphore(%arg13 : memref<!tpu.dma_semaphore, #tpu.memory_space<semaphore_mem>>)
      } else {
      }
      %dma_wait3A = arith.constant 0 : i32
      %dma_wait3A_47 = arith.constant 0 : i32
      %dma_wait3A_48 = tpu.memref_slice %arg7[%dma_wait3A, %dma_wait3A_47] : memref<40x128xi32, #tpu.memory_space<vmem>> -> memref<1x128xi32, #tpu.memory_space<vmem>>
      %dma_wait3A_49 = tpu.memref_squeeze %dma_wait3A_48 : memref<1x128xi32, #tpu.memory_space<vmem>> -> memref<128xi32, #tpu.memory_space<vmem>>
      %dma_wait3A_50 = arith.constant 0 : i32
      %dma_wait3A_51 = arith.constant 0 : i32
      %dma_wait3A_52 = tpu.memref_slice %arg2[%dma_wait3A_50, %dma_wait3A_51] : memref<20000x128xf32, #tpu.memory_space<hbm>> -> memref<20000x128xf32, #tpu.memory_space<hbm>>
      tpu.wait_indirect_dma semaphore(%arg12 : memref<!tpu.dma_semaphore, #tpu.memory_space<semaphore_mem>>) src(%dma_wait3A_52 : memref<20000x128xf32, #tpu.memory_space<hbm>>) dst(%arg9 : memref<128x128xf32, #tpu.memory_space<vmem>>)
      %add3A_53 = arith.constant 0 : i32
      %add3A_54 = arith.addi %add3A_39, %add3A_53 : i32
      "tpu.region"() ({
        %run_scoped3A = tpu.sem_alloc : memref<!tpu.dma_semaphore, #tpu.memory_space<semaphore_mem>>
        %dma_start3A_75 = arith.constant 0 : i32
        %dma_start3A_76 = tpu.memref_slice %arg8[%add3A_54, %dma_start3A_75] : memref<40x128xi32, #tpu.memory_space<vmem>> -> memref<1x128xi32, #tpu.memory_space<vmem>>
        %dma_start3A_77 = tpu.memref_squeeze %dma_start3A_76 : memref<1x128xi32, #tpu.memory_space<vmem>> -> memref<128xi32, #tpu.memory_space<vmem>>
        %dma_start3A_78 = arith.constant 0 : i32
        %dma_start3A_79 = arith.constant 0 : i32
        %dma_start3A_80 = tpu.memref_slice %arg11[%dma_start3A_78, %dma_start3A_79] : memref<10112x128xf32, #tpu.memory_space<vmem_shared>> -> memref<10112x128xf32, #tpu.memory_space<vmem_shared>>
        tpu.enqueue_indirect_dma source(%arg9 : memref<128x128xf32, #tpu.memory_space<vmem>>) target(%dma_start3A_80 : memref<10112x128xf32, #tpu.memory_space<vmem_shared>>) offsets(%dma_start3A_77 : memref<128xi32, #tpu.memory_space<vmem>>) semaphore(%run_scoped3A : memref<!tpu.dma_semaphore, #tpu.memory_space<semaphore_mem>>) {add = true}
        %dma_wait3A_81 = arith.constant 0 : i32
        %dma_wait3A_82 = tpu.memref_slice %arg8[%add3A_54, %dma_wait3A_81] : memref<40x128xi32, #tpu.memory_space<vmem>> -> memref<1x128xi32, #tpu.memory_space<vmem>>
        %dma_wait3A_83 = tpu.memref_squeeze %dma_wait3A_82 : memref<1x128xi32, #tpu.memory_space<vmem>> -> memref<128xi32, #tpu.memory_space<vmem>>
        %dma_wait3A_84 = arith.constant 0 : i32
        %dma_wait3A_85 = arith.constant 0 : i32
        %dma_wait3A_86 = tpu.memref_slice %arg11[%dma_wait3A_84, %dma_wait3A_85] : memref<10112x128xf32, #tpu.memory_space<vmem_shared>> -> memref<10112x128xf32, #tpu.memory_space<vmem_shared>>
        tpu.wait_indirect_dma semaphore(%run_scoped3A : memref<!tpu.dma_semaphore, #tpu.memory_space<semaphore_mem>>) src(%arg9 : memref<128x128xf32, #tpu.memory_space<vmem>>) dst(%dma_wait3A_86 : memref<10112x128xf32, #tpu.memory_space<vmem_shared>>)
        tpu.yield
      }) : () -> ()
      %add3A_55 = arith.constant 1 : i32
      %add3A_56 = arith.addi %add3A_39, %add3A_55 : i32
      %add3A_57 = arith.constant 2 : i32
      %add3A_58 = arith.addi %add3A_56, %add3A_57 : i32
      %sub3A_59 = arith.constant 1 : i32
      %sub3A_60 = arith.subi %add3A_58, %sub3A_59 : i32
      %lt3A_61 = arith.constant 40 : i32
      %lt3A_62 = arith.cmpi slt, %sub3A_60, %lt3A_61 : i32
      %convert_element_type3A_63 = arith.extui %lt3A_62 : i1 to i32
      %cond3A_64 = arith.constant 0 : i32
      %cond3A_65 = arith.cmpi ne, %convert_element_type3A_63, %cond3A_64 : i32
      scf.if %cond3A_65 {
        %dma_start3A_75 = arith.constant 0 : i32
        %dma_start3A_76 = tpu.memref_slice %arg7[%sub3A_60, %dma_start3A_75] : memref<40x128xi32, #tpu.memory_space<vmem>> -> memref<1x128xi32, #tpu.memory_space<vmem>>
        %dma_start3A_77 = tpu.memref_squeeze %dma_start3A_76 : memref<1x128xi32, #tpu.memory_space<vmem>> -> memref<128xi32, #tpu.memory_space<vmem>>
        %dma_start3A_78 = arith.constant 0 : i32
        %dma_start3A_79 = arith.constant 0 : i32
        %dma_start3A_80 = tpu.memref_slice %arg2[%dma_start3A_78, %dma_start3A_79] : memref<20000x128xf32, #tpu.memory_space<hbm>> -> memref<20000x128xf32, #tpu.memory_space<hbm>>
        tpu.enqueue_indirect_dma source(%dma_start3A_80 : memref<20000x128xf32, #tpu.memory_space<hbm>>) target(%arg9 : memref<128x128xf32, #tpu.memory_space<vmem>>) offsets(%dma_start3A_77 : memref<128xi32, #tpu.memory_space<vmem>>) semaphore(%arg12 : memref<!tpu.dma_semaphore, #tpu.memory_space<semaphore_mem>>)
      } else {
      }
      %dma_wait3A_66 = arith.constant 0 : i32
      %dma_wait3A_67 = arith.constant 0 : i32
      %dma_wait3A_68 = tpu.memref_slice %arg7[%dma_wait3A_66, %dma_wait3A_67] : memref<40x128xi32, #tpu.memory_space<vmem>> -> memref<1x128xi32, #tpu.memory_space<vmem>>
      %dma_wait3A_69 = tpu.memref_squeeze %dma_wait3A_68 : memref<1x128xi32, #tpu.memory_space<vmem>> -> memref<128xi32, #tpu.memory_space<vmem>>
      %dma_wait3A_70 = arith.constant 0 : i32
      %dma_wait3A_71 = arith.constant 0 : i32
      %dma_wait3A_72 = tpu.memref_slice %arg2[%dma_wait3A_70, %dma_wait3A_71] : memref<20000x128xf32, #tpu.memory_space<hbm>> -> memref<20000x128xf32, #tpu.memory_space<hbm>>
      tpu.wait_indirect_dma semaphore(%arg13 : memref<!tpu.dma_semaphore, #tpu.memory_space<semaphore_mem>>) src(%dma_wait3A_72 : memref<20000x128xf32, #tpu.memory_space<hbm>>) dst(%arg10 : memref<128x128xf32, #tpu.memory_space<vmem>>)
      %add3A_73 = arith.constant 1 : i32
      %add3A_74 = arith.addi %add3A_39, %add3A_73 : i32
      "tpu.region"() ({
        %run_scoped3A = tpu.sem_alloc : memref<!tpu.dma_semaphore, #tpu.memory_space<semaphore_mem>>
        %dma_start3A_75 = arith.constant 0 : i32
        %dma_start3A_76 = tpu.memref_slice %arg8[%add3A_74, %dma_start3A_75] : memref<40x128xi32, #tpu.memory_space<vmem>> -> memref<1x128xi32, #tpu.memory_space<vmem>>
        %dma_start3A_77 = tpu.memref_squeeze %dma_start3A_76 : memref<1x128xi32, #tpu.memory_space<vmem>> -> memref<128xi32, #tpu.memory_space<vmem>>
        %dma_start3A_78 = arith.constant 0 : i32
        %dma_start3A_79 = arith.constant 0 : i32
        %dma_start3A_80 = tpu.memref_slice %arg11[%dma_start3A_78, %dma_start3A_79] : memref<10112x128xf32, #tpu.memory_space<vmem_shared>> -> memref<10112x128xf32, #tpu.memory_space<vmem_shared>>
        tpu.enqueue_indirect_dma source(%arg10 : memref<128x128xf32, #tpu.memory_space<vmem>>) target(%dma_start3A_80 : memref<10112x128xf32, #tpu.memory_space<vmem_shared>>) offsets(%dma_start3A_77 : memref<128xi32, #tpu.memory_space<vmem>>) semaphore(%run_scoped3A : memref<!tpu.dma_semaphore, #tpu.memory_space<semaphore_mem>>) {add = true}
        %dma_wait3A_81 = arith.constant 0 : i32
        %dma_wait3A_82 = tpu.memref_slice %arg8[%add3A_74, %dma_wait3A_81] : memref<40x128xi32, #tpu.memory_space<vmem>> -> memref<1x128xi32, #tpu.memory_space<vmem>>
        %dma_wait3A_83 = tpu.memref_squeeze %dma_wait3A_82 : memref<1x128xi32, #tpu.memory_space<vmem>> -> memref<128xi32, #tpu.memory_space<vmem>>
        %dma_wait3A_84 = arith.constant 0 : i32
        %dma_wait3A_85 = arith.constant 0 : i32
        %dma_wait3A_86 = tpu.memref_slice %arg11[%dma_wait3A_84, %dma_wait3A_85] : memref<10112x128xf32, #tpu.memory_space<vmem_shared>> -> memref<10112x128xf32, #tpu.memory_space<vmem_shared>>
        tpu.wait_indirect_dma semaphore(%run_scoped3A : memref<!tpu.dma_semaphore, #tpu.memory_space<semaphore_mem>>) src(%arg10 : memref<128x128xf32, #tpu.memory_space<vmem>>) dst(%dma_wait3A_86 : memref<10112x128xf32, #tpu.memory_space<vmem_shared>>)
        tpu.yield
      }) : () -> ()
    }
    %scan3A_13 = arith.constant 20 : i32
    %mul3A_14 = arith.constant 80 : i32
    %mul3A_15 = arith.muli %arg1, %mul3A_14 : i32
    %add3A_16 = arith.constant 40 : i32
    %add3A_17 = arith.addi %mul3A_15, %add3A_16 : i32
    "tpu.region"() ({
      %run_scoped3A = tpu.sem_alloc : memref<!tpu.dma_semaphore, #tpu.memory_space<semaphore_mem>>
      %dma_start3A_35 = arith.constant 0 : i32
      %dma_start3A_36 = tpu.memref_slice %arg3[%arg0, %add3A_17, %dma_start3A_35] : memref<2x1280x128xi32, #tpu.memory_space<hbm>> -> memref<1x40x128xi32, #tpu.memory_space<hbm>>
      %dma_start3A_37 = tpu.memref_squeeze %dma_start3A_36 : memref<1x40x128xi32, #tpu.memory_space<hbm>> -> memref<40x128xi32, #tpu.memory_space<hbm>>
      %dma_start3A_38 = arith.constant 0 : i32
      %dma_start3A_39 = tpu.memref_slice %arg3[%arg0, %add3A_17, %dma_start3A_38] : memref<2x1280x128xi32, #tpu.memory_space<hbm>> -> memref<1x40x128xi32, #tpu.memory_space<hbm>>
      %dma_start3A_40 = tpu.memref_squeeze %dma_start3A_39 : memref<1x40x128xi32, #tpu.memory_space<hbm>> -> memref<40x128xi32, #tpu.memory_space<hbm>>
      tpu.enqueue_dma source(%dma_start3A_40 : memref<40x128xi32, #tpu.memory_space<hbm>>) target(%arg7 : memref<40x128xi32, #tpu.memory_space<vmem>>) target_semaphore(%run_scoped3A : memref<!tpu.dma_semaphore, #tpu.memory_space<semaphore_mem>>)
      %dma_wait3A = arith.constant 0 : i32
      %dma_wait3A_41 = tpu.memref_slice %arg3[%arg0, %add3A_17, %dma_wait3A] : memref<2x1280x128xi32, #tpu.memory_space<hbm>> -> memref<1x40x128xi32, #tpu.memory_space<hbm>>
      %dma_wait3A_42 = tpu.memref_squeeze %dma_wait3A_41 : memref<1x40x128xi32, #tpu.memory_space<hbm>> -> memref<40x128xi32, #tpu.memory_space<hbm>>
      %dma_wait3A_43 = arith.constant 0 : i32
      %dma_wait3A_44 = tpu.memref_slice %arg3[%arg0, %add3A_17, %dma_wait3A_43] : memref<2x1280x128xi32, #tpu.memory_space<hbm>> -> memref<1x40x128xi32, #tpu.memory_space<hbm>>
      %dma_wait3A_45 = tpu.memref_squeeze %dma_wait3A_44 : memref<1x40x128xi32, #tpu.memory_space<hbm>> -> memref<40x128xi32, #tpu.memory_space<hbm>>
      tpu.wait_dma2 semaphore(%run_scoped3A : memref<!tpu.dma_semaphore, #tpu.memory_space<semaphore_mem>>) src(%dma_wait3A_45 : memref<40x128xi32, #tpu.memory_space<hbm>>) dst(%arg7 : memref<40x128xi32, #tpu.memory_space<vmem>>)
      tpu.yield
    }) : () -> ()
    "tpu.region"() ({
      %run_scoped3A = tpu.sem_alloc : memref<!tpu.dma_semaphore, #tpu.memory_space<semaphore_mem>>
      %dma_start3A_35 = arith.constant 0 : i32
      %dma_start3A_36 = tpu.memref_slice %arg4[%arg0, %add3A_17, %dma_start3A_35] : memref<2x1280x128xi32, #tpu.memory_space<hbm>> -> memref<1x40x128xi32, #tpu.memory_space<hbm>>
      %dma_start3A_37 = tpu.memref_squeeze %dma_start3A_36 : memref<1x40x128xi32, #tpu.memory_space<hbm>> -> memref<40x128xi32, #tpu.memory_space<hbm>>
      %dma_start3A_38 = arith.constant 0 : i32
      %dma_start3A_39 = tpu.memref_slice %arg4[%arg0, %add3A_17, %dma_start3A_38] : memref<2x1280x128xi32, #tpu.memory_space<hbm>> -> memref<1x40x128xi32, #tpu.memory_space<hbm>>
      %dma_start3A_40 = tpu.memref_squeeze %dma_start3A_39 : memref<1x40x128xi32, #tpu.memory_space<hbm>> -> memref<40x128xi32, #tpu.memory_space<hbm>>
      tpu.enqueue_dma source(%dma_start3A_40 : memref<40x128xi32, #tpu.memory_space<hbm>>) target(%arg8 : memref<40x128xi32, #tpu.memory_space<vmem>>) target_semaphore(%run_scoped3A : memref<!tpu.dma_semaphore, #tpu.memory_space<semaphore_mem>>)
      %dma_wait3A = arith.constant 0 : i32
      %dma_wait3A_41 = tpu.memref_slice %arg4[%arg0, %add3A_17, %dma_wait3A] : memref<2x1280x128xi32, #tpu.memory_space<hbm>> -> memref<1x40x128xi32, #tpu.memory_space<hbm>>
      %dma_wait3A_42 = tpu.memref_squeeze %dma_wait3A_41 : memref<1x40x128xi32, #tpu.memory_space<hbm>> -> memref<40x128xi32, #tpu.memory_space<hbm>>
      %dma_wait3A_43 = arith.constant 0 : i32
      %dma_wait3A_44 = tpu.memref_slice %arg4[%arg0, %add3A_17, %dma_wait3A_43] : memref<2x1280x128xi32, #tpu.memory_space<hbm>> -> memref<1x40x128xi32, #tpu.memory_space<hbm>>
      %dma_wait3A_45 = tpu.memref_squeeze %dma_wait3A_44 : memref<1x40x128xi32, #tpu.memory_space<hbm>> -> memref<40x128xi32, #tpu.memory_space<hbm>>
      tpu.wait_dma2 semaphore(%run_scoped3A : memref<!tpu.dma_semaphore, #tpu.memory_space<semaphore_mem>>) src(%dma_wait3A_45 : memref<40x128xi32, #tpu.memory_space<hbm>>) dst(%arg8 : memref<40x128xi32, #tpu.memory_space<vmem>>)
      tpu.yield
    }) : () -> ()
    %dma_start3A_18 = arith.constant 0 : i32
    %dma_start3A_19 = arith.constant 0 : i32
    %dma_start3A_20 = tpu.memref_slice %arg7[%dma_start3A_18, %dma_start3A_19] : memref<40x128xi32, #tpu.memory_space<vmem>> -> memref<1x128xi32, #tpu.memory_space<vmem>>
    %dma_start3A_21 = tpu.memref_squeeze %dma_start3A_20 : memref<1x128xi32, #tpu.memory_space<vmem>> -> memref<128xi32, #tpu.memory_space<vmem>>
    %dma_start3A_22 = arith.constant 0 : i32
    %dma_start3A_23 = arith.constant 0 : i32
    %dma_start3A_24 = tpu.memref_slice %arg2[%dma_start3A_22, %dma_start3A_23] : memref<20000x128xf32, #tpu.memory_space<hbm>> -> memref<20000x128xf32, #tpu.memory_space<hbm>>
    tpu.enqueue_indirect_dma source(%dma_start3A_24 : memref<20000x128xf32, #tpu.memory_space<hbm>>) target(%arg9 : memref<128x128xf32, #tpu.memory_space<vmem>>) offsets(%dma_start3A_21 : memref<128xi32, #tpu.memory_space<vmem>>) semaphore(%arg12 : memref<!tpu.dma_semaphore, #tpu.memory_space<semaphore_mem>>)
    %scan3A_25 = arith.constant 0 : i32
    %scan3A_26 = arith.constant 20 : i32
    %scan3A_27 = arith.addi %scan3A_25, %scan3A_26 : i32
    %scan3A_28 = arith.constant 1 : i32
    scf.for %scan3A_35 = %scan3A_25 to %scan3A_27 step %scan3A_28  : i32 {
      %mul3A_36 = arith.constant 2 : i32
      %mul3A_37 = arith.muli %scan3A_35, %mul3A_36 : i32
      %add3A_38 = arith.constant 0 : i32
      %add3A_39 = arith.addi %add3A_38, %mul3A_37 : i32
      %add3A_40 = arith.constant 0 : i32
      %add3A_41 = arith.addi %add3A_39, %add3A_40 : i32
      %add3A_42 = arith.constant 2 : i32
      %add3A_43 = arith.addi %add3A_41, %add3A_42 : i32
      %sub3A = arith.constant 1 : i32
      %sub3A_44 = arith.subi %add3A_43, %sub3A : i32
      %lt3A = arith.constant 40 : i32
      %lt3A_45 = arith.cmpi slt, %sub3A_44, %lt3A : i32
      %convert_element_type3A = arith.extui %lt3A_45 : i1 to i32
      %cond3A = arith.constant 0 : i32
      %cond3A_46 = arith.cmpi ne, %convert_element_type3A, %cond3A : i32
      scf.if %cond3A_46 {
        %dma_start3A_75 = arith.constant 0 : i32
        %dma_start3A_76 = tpu.memref_slice %arg7[%sub3A_44, %dma_start3A_75] : memref<40x128xi32, #tpu.memory_space<vmem>> -> memref<1x128xi32, #tpu.memory_space<vmem>>
        %dma_start3A_77 = tpu.memref_squeeze %dma_start3A_76 : memref<1x128xi32, #tpu.memory_space<vmem>> -> memref<128xi32, #tpu.memory_space<vmem>>
        %dma_start3A_78 = arith.constant 0 : i32
        %dma_start3A_79 = arith.constant 0 : i32
        %dma_start3A_80 = tpu.memref_slice %arg2[%dma_start3A_78, %dma_start3A_79] : memref<20000x128xf32, #tpu.memory_space<hbm>> -> memref<20000x128xf32, #tpu.memory_space<hbm>>
        tpu.enqueue_indirect_dma source(%dma_start3A_80 : memref<20000x128xf32, #tpu.memory_space<hbm>>) target(%arg10 : memref<128x128xf32, #tpu.memory_space<vmem>>) offsets(%dma_start3A_77 : memref<128xi32, #tpu.memory_space<vmem>>) semaphore(%arg13 : memref<!tpu.dma_semaphore, #tpu.memory_space<semaphore_mem>>)
      } else {
      }
      %dma_wait3A = arith.constant 0 : i32
      %dma_wait3A_47 = arith.constant 0 : i32
      %dma_wait3A_48 = tpu.memref_slice %arg7[%dma_wait3A, %dma_wait3A_47] : memref<40x128xi32, #tpu.memory_space<vmem>> -> memref<1x128xi32, #tpu.memory_space<vmem>>
      %dma_wait3A_49 = tpu.memref_squeeze %dma_wait3A_48 : memref<1x128xi32, #tpu.memory_space<vmem>> -> memref<128xi32, #tpu.memory_space<vmem>>
      %dma_wait3A_50 = arith.constant 0 : i32
      %dma_wait3A_51 = arith.constant 0 : i32
      %dma_wait3A_52 = tpu.memref_slice %arg2[%dma_wait3A_50, %dma_wait3A_51] : memref<20000x128xf32, #tpu.memory_space<hbm>> -> memref<20000x128xf32, #tpu.memory_space<hbm>>
      tpu.wait_indirect_dma semaphore(%arg12 : memref<!tpu.dma_semaphore, #tpu.memory_space<semaphore_mem>>) src(%dma_wait3A_52 : memref<20000x128xf32, #tpu.memory_space<hbm>>) dst(%arg9 : memref<128x128xf32, #tpu.memory_space<vmem>>)
      %add3A_53 = arith.constant 0 : i32
      %add3A_54 = arith.addi %add3A_39, %add3A_53 : i32
      "tpu.region"() ({
        %run_scoped3A = tpu.sem_alloc : memref<!tpu.dma_semaphore, #tpu.memory_space<semaphore_mem>>
        %dma_start3A_75 = arith.constant 0 : i32
        %dma_start3A_76 = tpu.memref_slice %arg8[%add3A_54, %dma_start3A_75] : memref<40x128xi32, #tpu.memory_space<vmem>> -> memref<1x128xi32, #tpu.memory_space<vmem>>
        %dma_start3A_77 = tpu.memref_squeeze %dma_start3A_76 : memref<1x128xi32, #tpu.memory_space<vmem>> -> memref<128xi32, #tpu.memory_space<vmem>>
        %dma_start3A_78 = arith.constant 0 : i32
        %dma_start3A_79 = arith.constant 0 : i32
        %dma_start3A_80 = tpu.memref_slice %arg11[%dma_start3A_78, %dma_start3A_79] : memref<10112x128xf32, #tpu.memory_space<vmem_shared>> -> memref<10112x128xf32, #tpu.memory_space<vmem_shared>>
        tpu.enqueue_indirect_dma source(%arg9 : memref<128x128xf32, #tpu.memory_space<vmem>>) target(%dma_start3A_80 : memref<10112x128xf32, #tpu.memory_space<vmem_shared>>) offsets(%dma_start3A_77 : memref<128xi32, #tpu.memory_space<vmem>>) semaphore(%run_scoped3A : memref<!tpu.dma_semaphore, #tpu.memory_space<semaphore_mem>>) {add = true}
        %dma_wait3A_81 = arith.constant 0 : i32
        %dma_wait3A_82 = tpu.memref_slice %arg8[%add3A_54, %dma_wait3A_81] : memref<40x128xi32, #tpu.memory_space<vmem>> -> memref<1x128xi32, #tpu.memory_space<vmem>>
        %dma_wait3A_83 = tpu.memref_squeeze %dma_wait3A_82 : memref<1x128xi32, #tpu.memory_space<vmem>> -> memref<128xi32, #tpu.memory_space<vmem>>
        %dma_wait3A_84 = arith.constant 0 : i32
        %dma_wait3A_85 = arith.constant 0 : i32
        %dma_wait3A_86 = tpu.memref_slice %arg11[%dma_wait3A_84, %dma_wait3A_85] : memref<10112x128xf32, #tpu.memory_space<vmem_shared>> -> memref<10112x128xf32, #tpu.memory_space<vmem_shared>>
        tpu.wait_indirect_dma semaphore(%run_scoped3A : memref<!tpu.dma_semaphore, #tpu.memory_space<semaphore_mem>>) src(%arg9 : memref<128x128xf32, #tpu.memory_space<vmem>>) dst(%dma_wait3A_86 : memref<10112x128xf32, #tpu.memory_space<vmem_shared>>)
        tpu.yield
      }) : () -> ()
      %add3A_55 = arith.constant 1 : i32
      %add3A_56 = arith.addi %add3A_39, %add3A_55 : i32
      %add3A_57 = arith.constant 2 : i32
      %add3A_58 = arith.addi %add3A_56, %add3A_57 : i32
      %sub3A_59 = arith.constant 1 : i32
      %sub3A_60 = arith.subi %add3A_58, %sub3A_59 : i32
      %lt3A_61 = arith.constant 40 : i32
      %lt3A_62 = arith.cmpi slt, %sub3A_60, %lt3A_61 : i32
      %convert_element_type3A_63 = arith.extui %lt3A_62 : i1 to i32
      %cond3A_64 = arith.constant 0 : i32
      %cond3A_65 = arith.cmpi ne, %convert_element_type3A_63, %cond3A_64 : i32
      scf.if %cond3A_65 {
        %dma_start3A_75 = arith.constant 0 : i32
        %dma_start3A_76 = tpu.memref_slice %arg7[%sub3A_60, %dma_start3A_75] : memref<40x128xi32, #tpu.memory_space<vmem>> -> memref<1x128xi32, #tpu.memory_space<vmem>>
        %dma_start3A_77 = tpu.memref_squeeze %dma_start3A_76 : memref<1x128xi32, #tpu.memory_space<vmem>> -> memref<128xi32, #tpu.memory_space<vmem>>
        %dma_start3A_78 = arith.constant 0 : i32
        %dma_start3A_79 = arith.constant 0 : i32
        %dma_start3A_80 = tpu.memref_slice %arg2[%dma_start3A_78, %dma_start3A_79] : memref<20000x128xf32, #tpu.memory_space<hbm>> -> memref<20000x128xf32, #tpu.memory_space<hbm>>
        tpu.enqueue_indirect_dma source(%dma_start3A_80 : memref<20000x128xf32, #tpu.memory_space<hbm>>) target(%arg9 : memref<128x128xf32, #tpu.memory_space<vmem>>) offsets(%dma_start3A_77 : memref<128xi32, #tpu.memory_space<vmem>>) semaphore(%arg12 : memref<!tpu.dma_semaphore, #tpu.memory_space<semaphore_mem>>)
      } else {
      }
      %dma_wait3A_66 = arith.constant 0 : i32
      %dma_wait3A_67 = arith.constant 0 : i32
      %dma_wait3A_68 = tpu.memref_slice %arg7[%dma_wait3A_66, %dma_wait3A_67] : memref<40x128xi32, #tpu.memory_space<vmem>> -> memref<1x128xi32, #tpu.memory_space<vmem>>
      %dma_wait3A_69 = tpu.memref_squeeze %dma_wait3A_68 : memref<1x128xi32, #tpu.memory_space<vmem>> -> memref<128xi32, #tpu.memory_space<vmem>>
      %dma_wait3A_70 = arith.constant 0 : i32
      %dma_wait3A_71 = arith.constant 0 : i32
      %dma_wait3A_72 = tpu.memref_slice %arg2[%dma_wait3A_70, %dma_wait3A_71] : memref<20000x128xf32, #tpu.memory_space<hbm>> -> memref<20000x128xf32, #tpu.memory_space<hbm>>
      tpu.wait_indirect_dma semaphore(%arg13 : memref<!tpu.dma_semaphore, #tpu.memory_space<semaphore_mem>>) src(%dma_wait3A_72 : memref<20000x128xf32, #tpu.memory_space<hbm>>) dst(%arg10 : memref<128x128xf32, #tpu.memory_space<vmem>>)
      %add3A_73 = arith.constant 1 : i32
      %add3A_74 = arith.addi %add3A_39, %add3A_73 : i32
      "tpu.region"() ({
        %run_scoped3A = tpu.sem_alloc : memref<!tpu.dma_semaphore, #tpu.memory_space<semaphore_mem>>
        %dma_start3A_75 = arith.constant 0 : i32
        %dma_start3A_76 = tpu.memref_slice %arg8[%add3A_74, %dma_start3A_75] : memref<40x128xi32, #tpu.memory_space<vmem>> -> memref<1x128xi32, #tpu.memory_space<vmem>>
        %dma_start3A_77 = tpu.memref_squeeze %dma_start3A_76 : memref<1x128xi32, #tpu.memory_space<vmem>> -> memref<128xi32, #tpu.memory_space<vmem>>
        %dma_start3A_78 = arith.constant 0 : i32
        %dma_start3A_79 = arith.constant 0 : i32
        %dma_start3A_80 = tpu.memref_slice %arg11[%dma_start3A_78, %dma_start3A_79] : memref<10112x128xf32, #tpu.memory_space<vmem_shared>> -> memref<10112x128xf32, #tpu.memory_space<vmem_shared>>
        tpu.enqueue_indirect_dma source(%arg10 : memref<128x128xf32, #tpu.memory_space<vmem>>) target(%dma_start3A_80 : memref<10112x128xf32, #tpu.memory_space<vmem_shared>>) offsets(%dma_start3A_77 : memref<128xi32, #tpu.memory_space<vmem>>) semaphore(%run_scoped3A : memref<!tpu.dma_semaphore, #tpu.memory_space<semaphore_mem>>) {add = true}
        %dma_wait3A_81 = arith.constant 0 : i32
        %dma_wait3A_82 = tpu.memref_slice %arg8[%add3A_74, %dma_wait3A_81] : memref<40x128xi32, #tpu.memory_space<vmem>> -> memref<1x128xi32, #tpu.memory_space<vmem>>
        %dma_wait3A_83 = tpu.memref_squeeze %dma_wait3A_82 : memref<1x128xi32, #tpu.memory_space<vmem>> -> memref<128xi32, #tpu.memory_space<vmem>>
        %dma_wait3A_84 = arith.constant 0 : i32
        %dma_wait3A_85 = arith.constant 0 : i32
        %dma_wait3A_86 = tpu.memref_slice %arg11[%dma_wait3A_84, %dma_wait3A_85] : memref<10112x128xf32, #tpu.memory_space<vmem_shared>> -> memref<10112x128xf32, #tpu.memory_space<vmem_shared>>
        tpu.wait_indirect_dma semaphore(%run_scoped3A : memref<!tpu.dma_semaphore, #tpu.memory_space<semaphore_mem>>) src(%arg10 : memref<128x128xf32, #tpu.memory_space<vmem>>) dst(%dma_wait3A_86 : memref<10112x128xf32, #tpu.memory_space<vmem_shared>>)
        tpu.yield
      }) : () -> ()
    }
    %scan3A_29 = arith.constant 20 : i32
    %barrier3A_30 = arith.constant 0 : index
    tpu.barrier barrier_id(%barrier3A_30)
    %mul3A_31 = arith.constant 632 : i32
    %mul3A_32 = arith.muli %arg1, %mul3A_31 : i32
    %mul3A_33 = arith.constant 632 : i32
    %mul3A_34 = arith.muli %arg1, %mul3A_33 : i32
    "tpu.region"() ({
      %run_scoped3A = tpu.sem_alloc : memref<!tpu.dma_semaphore, #tpu.memory_space<semaphore_mem>>
      %dma_start3A_35 = arith.constant 0 : i32
      %dma_start3A_36 = tpu.memref_slice %arg6[%arg0, %mul3A_34, %dma_start3A_35] : memref<2x10112x128xf32, #tpu.memory_space<hbm>> -> memref<1x632x128xf32, #tpu.memory_space<hbm>>
      %dma_start3A_37 = tpu.memref_squeeze %dma_start3A_36 : memref<1x632x128xf32, #tpu.memory_space<hbm>> -> memref<632x128xf32, #tpu.memory_space<hbm>>
      %dma_start3A_38 = arith.constant 0 : i32
      %dma_start3A_39 = tpu.memref_slice %arg11[%mul3A_32, %dma_start3A_38] : memref<10112x128xf32, #tpu.memory_space<vmem_shared>> -> memref<632x128xf32, #tpu.memory_space<vmem_shared>>
      tpu.enqueue_dma source(%dma_start3A_39 : memref<632x128xf32, #tpu.memory_space<vmem_shared>>) target(%dma_start3A_37 : memref<632x128xf32, #tpu.memory_space<hbm>>) target_semaphore(%run_scoped3A : memref<!tpu.dma_semaphore, #tpu.memory_space<semaphore_mem>>)
      %dma_wait3A = arith.constant 0 : i32
      %dma_wait3A_40 = tpu.memref_slice %arg6[%arg0, %mul3A_34, %dma_wait3A] : memref<2x10112x128xf32, #tpu.memory_space<hbm>> -> memref<1x632x128xf32, #tpu.memory_space<hbm>>
      %dma_wait3A_41 = tpu.memref_squeeze %dma_wait3A_40 : memref<1x632x128xf32, #tpu.memory_space<hbm>> -> memref<632x128xf32, #tpu.memory_space<hbm>>
      %dma_wait3A_42 = arith.constant 0 : i32
      %dma_wait3A_43 = tpu.memref_slice %arg11[%mul3A_32, %dma_wait3A_42] : memref<10112x128xf32, #tpu.memory_space<vmem_shared>> -> memref<632x128xf32, #tpu.memory_space<vmem_shared>>
      tpu.wait_dma2 semaphore(%run_scoped3A : memref<!tpu.dma_semaphore, #tpu.memory_space<semaphore_mem>>) src(%dma_wait3A_43 : memref<632x128xf32, #tpu.memory_space<vmem_shared>>) dst(%dma_wait3A_41 : memref<632x128xf32, #tpu.memory_space<hbm>>)
      tpu.yield
    }) : () -> ()
    return
  }
}

#map = affine_map<(d0, d1) -> (0, 0)>
#map1 = affine_map<(d0, d1) -> (0, 0, 0)>
module attributes {stable_mosaic.version = 14 : i64} {
  func.func @agg_kernel(%arg0: i32, %arg1: i32, %arg2: memref<20000x64xf32, #tpu.memory_space<hbm>>, %arg3: memref<2x1280x128xi32, #tpu.memory_space<hbm>>, %arg4: memref<2x1280x128xi32, #tpu.memory_space<hbm>>, %arg5: memref<632x64xf32, #tpu.memory_space<hbm>>, %arg6: memref<2x10112x64xf32, #tpu.memory_space<hbm>>, %arg7: memref<40x128xi32, #tpu.memory_space<vmem>>, %arg8: memref<40x128xi32, #tpu.memory_space<vmem>>, %arg9: memref<128x64xf32, #tpu.memory_space<vmem>>, %arg10: memref<128x64xf32, #tpu.memory_space<vmem>>, %arg11: memref<128x64xf32, #tpu.memory_space<vmem>>, %arg12: memref<128x64xf32, #tpu.memory_space<vmem>>, %arg13: memref<10112x64xf32, #tpu.memory_space<vmem_shared>>, %arg14: memref<!tpu.dma_semaphore, #tpu.memory_space<semaphore_mem>>, %arg15: memref<!tpu.dma_semaphore, #tpu.memory_space<semaphore_mem>>, %arg16: memref<!tpu.dma_semaphore, #tpu.memory_space<semaphore_mem>>, %arg17: memref<!tpu.dma_semaphore, #tpu.memory_space<semaphore_mem>>) attributes {dimension_semantics = [#tpu.dimension_semantics<core_parallel>, #tpu.dimension_semantics<subcore_parallel>], iteration_bounds = array<i64: 2, 16>, scalar_prefetch = 0 : i64, scratch_operands = 11 : i64, tpu.core_type = #tpu.core_type<sc_vector_subcore>, window_params = [{transform_indices = #map}, {transform_indices = #map1}, {transform_indices = #map1}, {transform_indices = #map}, {transform_indices = #map1}]} {
    %mul3A = arith.constant 632 : i32
    %mul3A_0 = arith.muli %arg1, %mul3A : i32
    "tpu.region"() ({
      %run_scoped3A = tpu.sem_alloc : memref<!tpu.dma_semaphore, #tpu.memory_space<semaphore_mem>>
      %dma_start3A_63 = arith.constant 0 : i32
      %dma_start3A_64 = tpu.memref_slice %arg13[%mul3A_0, %dma_start3A_63] : memref<10112x64xf32, #tpu.memory_space<vmem_shared>> -> memref<632x64xf32, #tpu.memory_space<vmem_shared>>
      tpu.enqueue_dma source(%arg5 : memref<632x64xf32, #tpu.memory_space<hbm>>) target(%dma_start3A_64 : memref<632x64xf32, #tpu.memory_space<vmem_shared>>) target_semaphore(%run_scoped3A : memref<!tpu.dma_semaphore, #tpu.memory_space<semaphore_mem>>)
      %dma_wait3A = arith.constant 0 : i32
      %dma_wait3A_65 = tpu.memref_slice %arg13[%mul3A_0, %dma_wait3A] : memref<10112x64xf32, #tpu.memory_space<vmem_shared>> -> memref<632x64xf32, #tpu.memory_space<vmem_shared>>
      tpu.wait_dma2 semaphore(%run_scoped3A : memref<!tpu.dma_semaphore, #tpu.memory_space<semaphore_mem>>) src(%arg5 : memref<632x64xf32, #tpu.memory_space<hbm>>) dst(%dma_wait3A_65 : memref<632x64xf32, #tpu.memory_space<vmem_shared>>)
      tpu.yield
    }) : () -> ()
    %barrier3A = arith.constant 0 : index
    tpu.barrier barrier_id(%barrier3A)
    %mul3A_1 = arith.constant 80 : i32
    %mul3A_2 = arith.muli %arg1, %mul3A_1 : i32
    %add3A = arith.constant 0 : i32
    %add3A_3 = arith.addi %mul3A_2, %add3A : i32
    "tpu.region"() ({
      %run_scoped3A = tpu.sem_alloc : memref<!tpu.dma_semaphore, #tpu.memory_space<semaphore_mem>>
      %dma_start3A_63 = arith.constant 0 : i32
      %dma_start3A_64 = tpu.memref_slice %arg3[%arg0, %add3A_3, %dma_start3A_63] : memref<2x1280x128xi32, #tpu.memory_space<hbm>> -> memref<1x40x128xi32, #tpu.memory_space<hbm>>
      %dma_start3A_65 = tpu.memref_squeeze %dma_start3A_64 : memref<1x40x128xi32, #tpu.memory_space<hbm>> -> memref<40x128xi32, #tpu.memory_space<hbm>>
      %dma_start3A_66 = arith.constant 0 : i32
      %dma_start3A_67 = tpu.memref_slice %arg3[%arg0, %add3A_3, %dma_start3A_66] : memref<2x1280x128xi32, #tpu.memory_space<hbm>> -> memref<1x40x128xi32, #tpu.memory_space<hbm>>
      %dma_start3A_68 = tpu.memref_squeeze %dma_start3A_67 : memref<1x40x128xi32, #tpu.memory_space<hbm>> -> memref<40x128xi32, #tpu.memory_space<hbm>>
      tpu.enqueue_dma source(%dma_start3A_68 : memref<40x128xi32, #tpu.memory_space<hbm>>) target(%arg7 : memref<40x128xi32, #tpu.memory_space<vmem>>) target_semaphore(%run_scoped3A : memref<!tpu.dma_semaphore, #tpu.memory_space<semaphore_mem>>)
      %dma_wait3A = arith.constant 0 : i32
      %dma_wait3A_69 = tpu.memref_slice %arg3[%arg0, %add3A_3, %dma_wait3A] : memref<2x1280x128xi32, #tpu.memory_space<hbm>> -> memref<1x40x128xi32, #tpu.memory_space<hbm>>
      %dma_wait3A_70 = tpu.memref_squeeze %dma_wait3A_69 : memref<1x40x128xi32, #tpu.memory_space<hbm>> -> memref<40x128xi32, #tpu.memory_space<hbm>>
      %dma_wait3A_71 = arith.constant 0 : i32
      %dma_wait3A_72 = tpu.memref_slice %arg3[%arg0, %add3A_3, %dma_wait3A_71] : memref<2x1280x128xi32, #tpu.memory_space<hbm>> -> memref<1x40x128xi32, #tpu.memory_space<hbm>>
      %dma_wait3A_73 = tpu.memref_squeeze %dma_wait3A_72 : memref<1x40x128xi32, #tpu.memory_space<hbm>> -> memref<40x128xi32, #tpu.memory_space<hbm>>
      tpu.wait_dma2 semaphore(%run_scoped3A : memref<!tpu.dma_semaphore, #tpu.memory_space<semaphore_mem>>) src(%dma_wait3A_73 : memref<40x128xi32, #tpu.memory_space<hbm>>) dst(%arg7 : memref<40x128xi32, #tpu.memory_space<vmem>>)
      tpu.yield
    }) : () -> ()
    "tpu.region"() ({
      %run_scoped3A = tpu.sem_alloc : memref<!tpu.dma_semaphore, #tpu.memory_space<semaphore_mem>>
      %dma_start3A_63 = arith.constant 0 : i32
      %dma_start3A_64 = tpu.memref_slice %arg4[%arg0, %add3A_3, %dma_start3A_63] : memref<2x1280x128xi32, #tpu.memory_space<hbm>> -> memref<1x40x128xi32, #tpu.memory_space<hbm>>
      %dma_start3A_65 = tpu.memref_squeeze %dma_start3A_64 : memref<1x40x128xi32, #tpu.memory_space<hbm>> -> memref<40x128xi32, #tpu.memory_space<hbm>>
      %dma_start3A_66 = arith.constant 0 : i32
      %dma_start3A_67 = tpu.memref_slice %arg4[%arg0, %add3A_3, %dma_start3A_66] : memref<2x1280x128xi32, #tpu.memory_space<hbm>> -> memref<1x40x128xi32, #tpu.memory_space<hbm>>
      %dma_start3A_68 = tpu.memref_squeeze %dma_start3A_67 : memref<1x40x128xi32, #tpu.memory_space<hbm>> -> memref<40x128xi32, #tpu.memory_space<hbm>>
      tpu.enqueue_dma source(%dma_start3A_68 : memref<40x128xi32, #tpu.memory_space<hbm>>) target(%arg8 : memref<40x128xi32, #tpu.memory_space<vmem>>) target_semaphore(%run_scoped3A : memref<!tpu.dma_semaphore, #tpu.memory_space<semaphore_mem>>)
      %dma_wait3A = arith.constant 0 : i32
      %dma_wait3A_69 = tpu.memref_slice %arg4[%arg0, %add3A_3, %dma_wait3A] : memref<2x1280x128xi32, #tpu.memory_space<hbm>> -> memref<1x40x128xi32, #tpu.memory_space<hbm>>
      %dma_wait3A_70 = tpu.memref_squeeze %dma_wait3A_69 : memref<1x40x128xi32, #tpu.memory_space<hbm>> -> memref<40x128xi32, #tpu.memory_space<hbm>>
      %dma_wait3A_71 = arith.constant 0 : i32
      %dma_wait3A_72 = tpu.memref_slice %arg4[%arg0, %add3A_3, %dma_wait3A_71] : memref<2x1280x128xi32, #tpu.memory_space<hbm>> -> memref<1x40x128xi32, #tpu.memory_space<hbm>>
      %dma_wait3A_73 = tpu.memref_squeeze %dma_wait3A_72 : memref<1x40x128xi32, #tpu.memory_space<hbm>> -> memref<40x128xi32, #tpu.memory_space<hbm>>
      tpu.wait_dma2 semaphore(%run_scoped3A : memref<!tpu.dma_semaphore, #tpu.memory_space<semaphore_mem>>) src(%dma_wait3A_73 : memref<40x128xi32, #tpu.memory_space<hbm>>) dst(%arg8 : memref<40x128xi32, #tpu.memory_space<vmem>>)
      tpu.yield
    }) : () -> ()
    %dma_start3A = arith.constant 0 : i32
    %dma_start3A_4 = arith.constant 0 : i32
    %dma_start3A_5 = tpu.memref_slice %arg7[%dma_start3A, %dma_start3A_4] : memref<40x128xi32, #tpu.memory_space<vmem>> -> memref<1x128xi32, #tpu.memory_space<vmem>>
    %dma_start3A_6 = tpu.memref_squeeze %dma_start3A_5 : memref<1x128xi32, #tpu.memory_space<vmem>> -> memref<128xi32, #tpu.memory_space<vmem>>
    %dma_start3A_7 = arith.constant 0 : i32
    %dma_start3A_8 = arith.constant 0 : i32
    %dma_start3A_9 = tpu.memref_slice %arg2[%dma_start3A_7, %dma_start3A_8] : memref<20000x64xf32, #tpu.memory_space<hbm>> -> memref<20000x64xf32, #tpu.memory_space<hbm>>
    tpu.enqueue_indirect_dma source(%dma_start3A_9 : memref<20000x64xf32, #tpu.memory_space<hbm>>) target(%arg9 : memref<128x64xf32, #tpu.memory_space<vmem>>) offsets(%dma_start3A_6 : memref<128xi32, #tpu.memory_space<vmem>>) semaphore(%arg14 : memref<!tpu.dma_semaphore, #tpu.memory_space<semaphore_mem>>)
    %dma_start3A_10 = arith.constant 1 : i32
    %dma_start3A_11 = arith.constant 0 : i32
    %dma_start3A_12 = tpu.memref_slice %arg7[%dma_start3A_10, %dma_start3A_11] : memref<40x128xi32, #tpu.memory_space<vmem>> -> memref<1x128xi32, #tpu.memory_space<vmem>>
    %dma_start3A_13 = tpu.memref_squeeze %dma_start3A_12 : memref<1x128xi32, #tpu.memory_space<vmem>> -> memref<128xi32, #tpu.memory_space<vmem>>
    %dma_start3A_14 = arith.constant 0 : i32
    %dma_start3A_15 = arith.constant 0 : i32
    %dma_start3A_16 = tpu.memref_slice %arg2[%dma_start3A_14, %dma_start3A_15] : memref<20000x64xf32, #tpu.memory_space<hbm>> -> memref<20000x64xf32, #tpu.memory_space<hbm>>
    tpu.enqueue_indirect_dma source(%dma_start3A_16 : memref<20000x64xf32, #tpu.memory_space<hbm>>) target(%arg10 : memref<128x64xf32, #tpu.memory_space<vmem>>) offsets(%dma_start3A_13 : memref<128xi32, #tpu.memory_space<vmem>>) semaphore(%arg15 : memref<!tpu.dma_semaphore, #tpu.memory_space<semaphore_mem>>)
    %dma_start3A_17 = arith.constant 2 : i32
    %dma_start3A_18 = arith.constant 0 : i32
    %dma_start3A_19 = tpu.memref_slice %arg7[%dma_start3A_17, %dma_start3A_18] : memref<40x128xi32, #tpu.memory_space<vmem>> -> memref<1x128xi32, #tpu.memory_space<vmem>>
    %dma_start3A_20 = tpu.memref_squeeze %dma_start3A_19 : memref<1x128xi32, #tpu.memory_space<vmem>> -> memref<128xi32, #tpu.memory_space<vmem>>
    %dma_start3A_21 = arith.constant 0 : i32
    %dma_start3A_22 = arith.constant 0 : i32
    %dma_start3A_23 = tpu.memref_slice %arg2[%dma_start3A_21, %dma_start3A_22] : memref<20000x64xf32, #tpu.memory_space<hbm>> -> memref<20000x64xf32, #tpu.memory_space<hbm>>
    tpu.enqueue_indirect_dma source(%dma_start3A_23 : memref<20000x64xf32, #tpu.memory_space<hbm>>) target(%arg11 : memref<128x64xf32, #tpu.memory_space<vmem>>) offsets(%dma_start3A_20 : memref<128xi32, #tpu.memory_space<vmem>>) semaphore(%arg16 : memref<!tpu.dma_semaphore, #tpu.memory_space<semaphore_mem>>)
    %scan3A = arith.constant 0 : i32
    %scan3A_24 = arith.constant 10 : i32
    %scan3A_25 = arith.addi %scan3A, %scan3A_24 : i32
    %scan3A_26 = arith.constant 1 : i32
    scf.for %scan3A_63 = %scan3A to %scan3A_25 step %scan3A_26  : i32 {
      %mul3A_64 = arith.constant 4 : i32
      %mul3A_65 = arith.muli %scan3A_63, %mul3A_64 : i32
      %add3A_66 = arith.constant 0 : i32
      %add3A_67 = arith.addi %add3A_66, %mul3A_65 : i32
      %add3A_68 = arith.constant 0 : i32
      %add3A_69 = arith.addi %add3A_67, %add3A_68 : i32
      %add3A_70 = arith.constant 4 : i32
      %add3A_71 = arith.addi %add3A_69, %add3A_70 : i32
      %sub3A = arith.constant 1 : i32
      %sub3A_72 = arith.subi %add3A_71, %sub3A : i32
      %lt3A = arith.constant 40 : i32
      %lt3A_73 = arith.cmpi slt, %sub3A_72, %lt3A : i32
      %convert_element_type3A = arith.extui %lt3A_73 : i1 to i32
      %cond3A = arith.constant 0 : i32
      %cond3A_74 = arith.cmpi ne, %convert_element_type3A, %cond3A : i32
      scf.if %cond3A_74 {
        %dma_start3A_143 = arith.constant 0 : i32
        %dma_start3A_144 = tpu.memref_slice %arg7[%sub3A_72, %dma_start3A_143] : memref<40x128xi32, #tpu.memory_space<vmem>> -> memref<1x128xi32, #tpu.memory_space<vmem>>
        %dma_start3A_145 = tpu.memref_squeeze %dma_start3A_144 : memref<1x128xi32, #tpu.memory_space<vmem>> -> memref<128xi32, #tpu.memory_space<vmem>>
        %dma_start3A_146 = arith.constant 0 : i32
        %dma_start3A_147 = arith.constant 0 : i32
        %dma_start3A_148 = tpu.memref_slice %arg2[%dma_start3A_146, %dma_start3A_147] : memref<20000x64xf32, #tpu.memory_space<hbm>> -> memref<20000x64xf32, #tpu.memory_space<hbm>>
        tpu.enqueue_indirect_dma source(%dma_start3A_148 : memref<20000x64xf32, #tpu.memory_space<hbm>>) target(%arg12 : memref<128x64xf32, #tpu.memory_space<vmem>>) offsets(%dma_start3A_145 : memref<128xi32, #tpu.memory_space<vmem>>) semaphore(%arg17 : memref<!tpu.dma_semaphore, #tpu.memory_space<semaphore_mem>>)
      } else {
      }
      %dma_wait3A = arith.constant 0 : i32
      %dma_wait3A_75 = arith.constant 0 : i32
      %dma_wait3A_76 = tpu.memref_slice %arg7[%dma_wait3A, %dma_wait3A_75] : memref<40x128xi32, #tpu.memory_space<vmem>> -> memref<1x128xi32, #tpu.memory_space<vmem>>
      %dma_wait3A_77 = tpu.memref_squeeze %dma_wait3A_76 : memref<1x128xi32, #tpu.memory_space<vmem>> -> memref<128xi32, #tpu.memory_space<vmem>>
      %dma_wait3A_78 = arith.constant 0 : i32
      %dma_wait3A_79 = arith.constant 0 : i32
      %dma_wait3A_80 = tpu.memref_slice %arg2[%dma_wait3A_78, %dma_wait3A_79] : memref<20000x64xf32, #tpu.memory_space<hbm>> -> memref<20000x64xf32, #tpu.memory_space<hbm>>
      tpu.wait_indirect_dma semaphore(%arg14 : memref<!tpu.dma_semaphore, #tpu.memory_space<semaphore_mem>>) src(%dma_wait3A_80 : memref<20000x64xf32, #tpu.memory_space<hbm>>) dst(%arg9 : memref<128x64xf32, #tpu.memory_space<vmem>>)
      %add3A_81 = arith.constant 0 : i32
      %add3A_82 = arith.addi %add3A_67, %add3A_81 : i32
      "tpu.region"() ({
        %run_scoped3A = tpu.sem_alloc : memref<!tpu.dma_semaphore, #tpu.memory_space<semaphore_mem>>
        %dma_start3A_143 = arith.constant 0 : i32
        %dma_start3A_144 = tpu.memref_slice %arg8[%add3A_82, %dma_start3A_143] : memref<40x128xi32, #tpu.memory_space<vmem>> -> memref<1x128xi32, #tpu.memory_space<vmem>>
        %dma_start3A_145 = tpu.memref_squeeze %dma_start3A_144 : memref<1x128xi32, #tpu.memory_space<vmem>> -> memref<128xi32, #tpu.memory_space<vmem>>
        %dma_start3A_146 = arith.constant 0 : i32
        %dma_start3A_147 = arith.constant 0 : i32
        %dma_start3A_148 = tpu.memref_slice %arg13[%dma_start3A_146, %dma_start3A_147] : memref<10112x64xf32, #tpu.memory_space<vmem_shared>> -> memref<10112x64xf32, #tpu.memory_space<vmem_shared>>
        tpu.enqueue_indirect_dma source(%arg9 : memref<128x64xf32, #tpu.memory_space<vmem>>) target(%dma_start3A_148 : memref<10112x64xf32, #tpu.memory_space<vmem_shared>>) offsets(%dma_start3A_145 : memref<128xi32, #tpu.memory_space<vmem>>) semaphore(%run_scoped3A : memref<!tpu.dma_semaphore, #tpu.memory_space<semaphore_mem>>) {add = true}
        %dma_wait3A_149 = arith.constant 0 : i32
        %dma_wait3A_150 = tpu.memref_slice %arg8[%add3A_82, %dma_wait3A_149] : memref<40x128xi32, #tpu.memory_space<vmem>> -> memref<1x128xi32, #tpu.memory_space<vmem>>
        %dma_wait3A_151 = tpu.memref_squeeze %dma_wait3A_150 : memref<1x128xi32, #tpu.memory_space<vmem>> -> memref<128xi32, #tpu.memory_space<vmem>>
        %dma_wait3A_152 = arith.constant 0 : i32
        %dma_wait3A_153 = arith.constant 0 : i32
        %dma_wait3A_154 = tpu.memref_slice %arg13[%dma_wait3A_152, %dma_wait3A_153] : memref<10112x64xf32, #tpu.memory_space<vmem_shared>> -> memref<10112x64xf32, #tpu.memory_space<vmem_shared>>
        tpu.wait_indirect_dma semaphore(%run_scoped3A : memref<!tpu.dma_semaphore, #tpu.memory_space<semaphore_mem>>) src(%arg9 : memref<128x64xf32, #tpu.memory_space<vmem>>) dst(%dma_wait3A_154 : memref<10112x64xf32, #tpu.memory_space<vmem_shared>>)
        tpu.yield
      }) : () -> ()
      %add3A_83 = arith.constant 1 : i32
      %add3A_84 = arith.addi %add3A_67, %add3A_83 : i32
      %add3A_85 = arith.constant 4 : i32
      %add3A_86 = arith.addi %add3A_84, %add3A_85 : i32
      %sub3A_87 = arith.constant 1 : i32
      %sub3A_88 = arith.subi %add3A_86, %sub3A_87 : i32
      %lt3A_89 = arith.constant 40 : i32
      %lt3A_90 = arith.cmpi slt, %sub3A_88, %lt3A_89 : i32
      %convert_element_type3A_91 = arith.extui %lt3A_90 : i1 to i32
      %cond3A_92 = arith.constant 0 : i32
      %cond3A_93 = arith.cmpi ne, %convert_element_type3A_91, %cond3A_92 : i32
      scf.if %cond3A_93 {
        %dma_start3A_143 = arith.constant 0 : i32
        %dma_start3A_144 = tpu.memref_slice %arg7[%sub3A_88, %dma_start3A_143] : memref<40x128xi32, #tpu.memory_space<vmem>> -> memref<1x128xi32, #tpu.memory_space<vmem>>
        %dma_start3A_145 = tpu.memref_squeeze %dma_start3A_144 : memref<1x128xi32, #tpu.memory_space<vmem>> -> memref<128xi32, #tpu.memory_space<vmem>>
        %dma_start3A_146 = arith.constant 0 : i32
        %dma_start3A_147 = arith.constant 0 : i32
        %dma_start3A_148 = tpu.memref_slice %arg2[%dma_start3A_146, %dma_start3A_147] : memref<20000x64xf32, #tpu.memory_space<hbm>> -> memref<20000x64xf32, #tpu.memory_space<hbm>>
        tpu.enqueue_indirect_dma source(%dma_start3A_148 : memref<20000x64xf32, #tpu.memory_space<hbm>>) target(%arg9 : memref<128x64xf32, #tpu.memory_space<vmem>>) offsets(%dma_start3A_145 : memref<128xi32, #tpu.memory_space<vmem>>) semaphore(%arg14 : memref<!tpu.dma_semaphore, #tpu.memory_space<semaphore_mem>>)
      } else {
      }
      %dma_wait3A_94 = arith.constant 0 : i32
      %dma_wait3A_95 = arith.constant 0 : i32
      %dma_wait3A_96 = tpu.memref_slice %arg7[%dma_wait3A_94, %dma_wait3A_95] : memref<40x128xi32, #tpu.memory_space<vmem>> -> memref<1x128xi32, #tpu.memory_space<vmem>>
      %dma_wait3A_97 = tpu.memref_squeeze %dma_wait3A_96 : memref<1x128xi32, #tpu.memory_space<vmem>> -> memref<128xi32, #tpu.memory_space<vmem>>
      %dma_wait3A_98 = arith.constant 0 : i32
      %dma_wait3A_99 = arith.constant 0 : i32
      %dma_wait3A_100 = tpu.memref_slice %arg2[%dma_wait3A_98, %dma_wait3A_99] : memref<20000x64xf32, #tpu.memory_space<hbm>> -> memref<20000x64xf32, #tpu.memory_space<hbm>>
      tpu.wait_indirect_dma semaphore(%arg15 : memref<!tpu.dma_semaphore, #tpu.memory_space<semaphore_mem>>) src(%dma_wait3A_100 : memref<20000x64xf32, #tpu.memory_space<hbm>>) dst(%arg10 : memref<128x64xf32, #tpu.memory_space<vmem>>)
      %add3A_101 = arith.constant 1 : i32
      %add3A_102 = arith.addi %add3A_67, %add3A_101 : i32
      "tpu.region"() ({
        %run_scoped3A = tpu.sem_alloc : memref<!tpu.dma_semaphore, #tpu.memory_space<semaphore_mem>>
        %dma_start3A_143 = arith.constant 0 : i32
        %dma_start3A_144 = tpu.memref_slice %arg8[%add3A_102, %dma_start3A_143] : memref<40x128xi32, #tpu.memory_space<vmem>> -> memref<1x128xi32, #tpu.memory_space<vmem>>
        %dma_start3A_145 = tpu.memref_squeeze %dma_start3A_144 : memref<1x128xi32, #tpu.memory_space<vmem>> -> memref<128xi32, #tpu.memory_space<vmem>>
        %dma_start3A_146 = arith.constant 0 : i32
        %dma_start3A_147 = arith.constant 0 : i32
        %dma_start3A_148 = tpu.memref_slice %arg13[%dma_start3A_146, %dma_start3A_147] : memref<10112x64xf32, #tpu.memory_space<vmem_shared>> -> memref<10112x64xf32, #tpu.memory_space<vmem_shared>>
        tpu.enqueue_indirect_dma source(%arg10 : memref<128x64xf32, #tpu.memory_space<vmem>>) target(%dma_start3A_148 : memref<10112x64xf32, #tpu.memory_space<vmem_shared>>) offsets(%dma_start3A_145 : memref<128xi32, #tpu.memory_space<vmem>>) semaphore(%run_scoped3A : memref<!tpu.dma_semaphore, #tpu.memory_space<semaphore_mem>>) {add = true}
        %dma_wait3A_149 = arith.constant 0 : i32
        %dma_wait3A_150 = tpu.memref_slice %arg8[%add3A_102, %dma_wait3A_149] : memref<40x128xi32, #tpu.memory_space<vmem>> -> memref<1x128xi32, #tpu.memory_space<vmem>>
        %dma_wait3A_151 = tpu.memref_squeeze %dma_wait3A_150 : memref<1x128xi32, #tpu.memory_space<vmem>> -> memref<128xi32, #tpu.memory_space<vmem>>
        %dma_wait3A_152 = arith.constant 0 : i32
        %dma_wait3A_153 = arith.constant 0 : i32
        %dma_wait3A_154 = tpu.memref_slice %arg13[%dma_wait3A_152, %dma_wait3A_153] : memref<10112x64xf32, #tpu.memory_space<vmem_shared>> -> memref<10112x64xf32, #tpu.memory_space<vmem_shared>>
        tpu.wait_indirect_dma semaphore(%run_scoped3A : memref<!tpu.dma_semaphore, #tpu.memory_space<semaphore_mem>>) src(%arg10 : memref<128x64xf32, #tpu.memory_space<vmem>>) dst(%dma_wait3A_154 : memref<10112x64xf32, #tpu.memory_space<vmem_shared>>)
        tpu.yield
      }) : () -> ()
      %add3A_103 = arith.constant 2 : i32
      %add3A_104 = arith.addi %add3A_67, %add3A_103 : i32
      %add3A_105 = arith.constant 4 : i32
      %add3A_106 = arith.addi %add3A_104, %add3A_105 : i32
      %sub3A_107 = arith.constant 1 : i32
      %sub3A_108 = arith.subi %add3A_106, %sub3A_107 : i32
      %lt3A_109 = arith.constant 40 : i32
      %lt3A_110 = arith.cmpi slt, %sub3A_108, %lt3A_109 : i32
      %convert_element_type3A_111 = arith.extui %lt3A_110 : i1 to i32
      %cond3A_112 = arith.constant 0 : i32
      %cond3A_113 = arith.cmpi ne, %convert_element_type3A_111, %cond3A_112 : i32
      scf.if %cond3A_113 {
        %dma_start3A_143 = arith.constant 0 : i32
        %dma_start3A_144 = tpu.memref_slice %arg7[%sub3A_108, %dma_start3A_143] : memref<40x128xi32, #tpu.memory_space<vmem>> -> memref<1x128xi32, #tpu.memory_space<vmem>>
        %dma_start3A_145 = tpu.memref_squeeze %dma_start3A_144 : memref<1x128xi32, #tpu.memory_space<vmem>> -> memref<128xi32, #tpu.memory_space<vmem>>
        %dma_start3A_146 = arith.constant 0 : i32
        %dma_start3A_147 = arith.constant 0 : i32
        %dma_start3A_148 = tpu.memref_slice %arg2[%dma_start3A_146, %dma_start3A_147] : memref<20000x64xf32, #tpu.memory_space<hbm>> -> memref<20000x64xf32, #tpu.memory_space<hbm>>
        tpu.enqueue_indirect_dma source(%dma_start3A_148 : memref<20000x64xf32, #tpu.memory_space<hbm>>) target(%arg10 : memref<128x64xf32, #tpu.memory_space<vmem>>) offsets(%dma_start3A_145 : memref<128xi32, #tpu.memory_space<vmem>>) semaphore(%arg15 : memref<!tpu.dma_semaphore, #tpu.memory_space<semaphore_mem>>)
      } else {
      }
      %dma_wait3A_114 = arith.constant 0 : i32
      %dma_wait3A_115 = arith.constant 0 : i32
      %dma_wait3A_116 = tpu.memref_slice %arg7[%dma_wait3A_114, %dma_wait3A_115] : memref<40x128xi32, #tpu.memory_space<vmem>> -> memref<1x128xi32, #tpu.memory_space<vmem>>
      %dma_wait3A_117 = tpu.memref_squeeze %dma_wait3A_116 : memref<1x128xi32, #tpu.memory_space<vmem>> -> memref<128xi32, #tpu.memory_space<vmem>>
      %dma_wait3A_118 = arith.constant 0 : i32
      %dma_wait3A_119 = arith.constant 0 : i32
      %dma_wait3A_120 = tpu.memref_slice %arg2[%dma_wait3A_118, %dma_wait3A_119] : memref<20000x64xf32, #tpu.memory_space<hbm>> -> memref<20000x64xf32, #tpu.memory_space<hbm>>
      tpu.wait_indirect_dma semaphore(%arg16 : memref<!tpu.dma_semaphore, #tpu.memory_space<semaphore_mem>>) src(%dma_wait3A_120 : memref<20000x64xf32, #tpu.memory_space<hbm>>) dst(%arg11 : memref<128x64xf32, #tpu.memory_space<vmem>>)
      %add3A_121 = arith.constant 2 : i32
      %add3A_122 = arith.addi %add3A_67, %add3A_121 : i32
      "tpu.region"() ({
        %run_scoped3A = tpu.sem_alloc : memref<!tpu.dma_semaphore, #tpu.memory_space<semaphore_mem>>
        %dma_start3A_143 = arith.constant 0 : i32
        %dma_start3A_144 = tpu.memref_slice %arg8[%add3A_122, %dma_start3A_143] : memref<40x128xi32, #tpu.memory_space<vmem>> -> memref<1x128xi32, #tpu.memory_space<vmem>>
        %dma_start3A_145 = tpu.memref_squeeze %dma_start3A_144 : memref<1x128xi32, #tpu.memory_space<vmem>> -> memref<128xi32, #tpu.memory_space<vmem>>
        %dma_start3A_146 = arith.constant 0 : i32
        %dma_start3A_147 = arith.constant 0 : i32
        %dma_start3A_148 = tpu.memref_slice %arg13[%dma_start3A_146, %dma_start3A_147] : memref<10112x64xf32, #tpu.memory_space<vmem_shared>> -> memref<10112x64xf32, #tpu.memory_space<vmem_shared>>
        tpu.enqueue_indirect_dma source(%arg11 : memref<128x64xf32, #tpu.memory_space<vmem>>) target(%dma_start3A_148 : memref<10112x64xf32, #tpu.memory_space<vmem_shared>>) offsets(%dma_start3A_145 : memref<128xi32, #tpu.memory_space<vmem>>) semaphore(%run_scoped3A : memref<!tpu.dma_semaphore, #tpu.memory_space<semaphore_mem>>) {add = true}
        %dma_wait3A_149 = arith.constant 0 : i32
        %dma_wait3A_150 = tpu.memref_slice %arg8[%add3A_122, %dma_wait3A_149] : memref<40x128xi32, #tpu.memory_space<vmem>> -> memref<1x128xi32, #tpu.memory_space<vmem>>
        %dma_wait3A_151 = tpu.memref_squeeze %dma_wait3A_150 : memref<1x128xi32, #tpu.memory_space<vmem>> -> memref<128xi32, #tpu.memory_space<vmem>>
        %dma_wait3A_152 = arith.constant 0 : i32
        %dma_wait3A_153 = arith.constant 0 : i32
        %dma_wait3A_154 = tpu.memref_slice %arg13[%dma_wait3A_152, %dma_wait3A_153] : memref<10112x64xf32, #tpu.memory_space<vmem_shared>> -> memref<10112x64xf32, #tpu.memory_space<vmem_shared>>
        tpu.wait_indirect_dma semaphore(%run_scoped3A : memref<!tpu.dma_semaphore, #tpu.memory_space<semaphore_mem>>) src(%arg11 : memref<128x64xf32, #tpu.memory_space<vmem>>) dst(%dma_wait3A_154 : memref<10112x64xf32, #tpu.memory_space<vmem_shared>>)
        tpu.yield
      }) : () -> ()
      %add3A_123 = arith.constant 3 : i32
      %add3A_124 = arith.addi %add3A_67, %add3A_123 : i32
      %add3A_125 = arith.constant 4 : i32
      %add3A_126 = arith.addi %add3A_124, %add3A_125 : i32
      %sub3A_127 = arith.constant 1 : i32
      %sub3A_128 = arith.subi %add3A_126, %sub3A_127 : i32
      %lt3A_129 = arith.constant 40 : i32
      %lt3A_130 = arith.cmpi slt, %sub3A_128, %lt3A_129 : i32
      %convert_element_type3A_131 = arith.extui %lt3A_130 : i1 to i32
      %cond3A_132 = arith.constant 0 : i32
      %cond3A_133 = arith.cmpi ne, %convert_element_type3A_131, %cond3A_132 : i32
      scf.if %cond3A_133 {
        %dma_start3A_143 = arith.constant 0 : i32
        %dma_start3A_144 = tpu.memref_slice %arg7[%sub3A_128, %dma_start3A_143] : memref<40x128xi32, #tpu.memory_space<vmem>> -> memref<1x128xi32, #tpu.memory_space<vmem>>
        %dma_start3A_145 = tpu.memref_squeeze %dma_start3A_144 : memref<1x128xi32, #tpu.memory_space<vmem>> -> memref<128xi32, #tpu.memory_space<vmem>>
        %dma_start3A_146 = arith.constant 0 : i32
        %dma_start3A_147 = arith.constant 0 : i32
        %dma_start3A_148 = tpu.memref_slice %arg2[%dma_start3A_146, %dma_start3A_147] : memref<20000x64xf32, #tpu.memory_space<hbm>> -> memref<20000x64xf32, #tpu.memory_space<hbm>>
        tpu.enqueue_indirect_dma source(%dma_start3A_148 : memref<20000x64xf32, #tpu.memory_space<hbm>>) target(%arg11 : memref<128x64xf32, #tpu.memory_space<vmem>>) offsets(%dma_start3A_145 : memref<128xi32, #tpu.memory_space<vmem>>) semaphore(%arg16 : memref<!tpu.dma_semaphore, #tpu.memory_space<semaphore_mem>>)
      } else {
      }
      %dma_wait3A_134 = arith.constant 0 : i32
      %dma_wait3A_135 = arith.constant 0 : i32
      %dma_wait3A_136 = tpu.memref_slice %arg7[%dma_wait3A_134, %dma_wait3A_135] : memref<40x128xi32, #tpu.memory_space<vmem>> -> memref<1x128xi32, #tpu.memory_space<vmem>>
      %dma_wait3A_137 = tpu.memref_squeeze %dma_wait3A_136 : memref<1x128xi32, #tpu.memory_space<vmem>> -> memref<128xi32, #tpu.memory_space<vmem>>
      %dma_wait3A_138 = arith.constant 0 : i32
      %dma_wait3A_139 = arith.constant 0 : i32
      %dma_wait3A_140 = tpu.memref_slice %arg2[%dma_wait3A_138, %dma_wait3A_139] : memref<20000x64xf32, #tpu.memory_space<hbm>> -> memref<20000x64xf32, #tpu.memory_space<hbm>>
      tpu.wait_indirect_dma semaphore(%arg17 : memref<!tpu.dma_semaphore, #tpu.memory_space<semaphore_mem>>) src(%dma_wait3A_140 : memref<20000x64xf32, #tpu.memory_space<hbm>>) dst(%arg12 : memref<128x64xf32, #tpu.memory_space<vmem>>)
      %add3A_141 = arith.constant 3 : i32
      %add3A_142 = arith.addi %add3A_67, %add3A_141 : i32
      "tpu.region"() ({
        %run_scoped3A = tpu.sem_alloc : memref<!tpu.dma_semaphore, #tpu.memory_space<semaphore_mem>>
        %dma_start3A_143 = arith.constant 0 : i32
        %dma_start3A_144 = tpu.memref_slice %arg8[%add3A_142, %dma_start3A_143] : memref<40x128xi32, #tpu.memory_space<vmem>> -> memref<1x128xi32, #tpu.memory_space<vmem>>
        %dma_start3A_145 = tpu.memref_squeeze %dma_start3A_144 : memref<1x128xi32, #tpu.memory_space<vmem>> -> memref<128xi32, #tpu.memory_space<vmem>>
        %dma_start3A_146 = arith.constant 0 : i32
        %dma_start3A_147 = arith.constant 0 : i32
        %dma_start3A_148 = tpu.memref_slice %arg13[%dma_start3A_146, %dma_start3A_147] : memref<10112x64xf32, #tpu.memory_space<vmem_shared>> -> memref<10112x64xf32, #tpu.memory_space<vmem_shared>>
        tpu.enqueue_indirect_dma source(%arg12 : memref<128x64xf32, #tpu.memory_space<vmem>>) target(%dma_start3A_148 : memref<10112x64xf32, #tpu.memory_space<vmem_shared>>) offsets(%dma_start3A_145 : memref<128xi32, #tpu.memory_space<vmem>>) semaphore(%run_scoped3A : memref<!tpu.dma_semaphore, #tpu.memory_space<semaphore_mem>>) {add = true}
        %dma_wait3A_149 = arith.constant 0 : i32
        %dma_wait3A_150 = tpu.memref_slice %arg8[%add3A_142, %dma_wait3A_149] : memref<40x128xi32, #tpu.memory_space<vmem>> -> memref<1x128xi32, #tpu.memory_space<vmem>>
        %dma_wait3A_151 = tpu.memref_squeeze %dma_wait3A_150 : memref<1x128xi32, #tpu.memory_space<vmem>> -> memref<128xi32, #tpu.memory_space<vmem>>
        %dma_wait3A_152 = arith.constant 0 : i32
        %dma_wait3A_153 = arith.constant 0 : i32
        %dma_wait3A_154 = tpu.memref_slice %arg13[%dma_wait3A_152, %dma_wait3A_153] : memref<10112x64xf32, #tpu.memory_space<vmem_shared>> -> memref<10112x64xf32, #tpu.memory_space<vmem_shared>>
        tpu.wait_indirect_dma semaphore(%run_scoped3A : memref<!tpu.dma_semaphore, #tpu.memory_space<semaphore_mem>>) src(%arg12 : memref<128x64xf32, #tpu.memory_space<vmem>>) dst(%dma_wait3A_154 : memref<10112x64xf32, #tpu.memory_space<vmem_shared>>)
        tpu.yield
      }) : () -> ()
    }
    %scan3A_27 = arith.constant 10 : i32
    %mul3A_28 = arith.constant 80 : i32
    %mul3A_29 = arith.muli %arg1, %mul3A_28 : i32
    %add3A_30 = arith.constant 40 : i32
    %add3A_31 = arith.addi %mul3A_29, %add3A_30 : i32
    "tpu.region"() ({
      %run_scoped3A = tpu.sem_alloc : memref<!tpu.dma_semaphore, #tpu.memory_space<semaphore_mem>>
      %dma_start3A_63 = arith.constant 0 : i32
      %dma_start3A_64 = tpu.memref_slice %arg3[%arg0, %add3A_31, %dma_start3A_63] : memref<2x1280x128xi32, #tpu.memory_space<hbm>> -> memref<1x40x128xi32, #tpu.memory_space<hbm>>
      %dma_start3A_65 = tpu.memref_squeeze %dma_start3A_64 : memref<1x40x128xi32, #tpu.memory_space<hbm>> -> memref<40x128xi32, #tpu.memory_space<hbm>>
      %dma_start3A_66 = arith.constant 0 : i32
      %dma_start3A_67 = tpu.memref_slice %arg3[%arg0, %add3A_31, %dma_start3A_66] : memref<2x1280x128xi32, #tpu.memory_space<hbm>> -> memref<1x40x128xi32, #tpu.memory_space<hbm>>
      %dma_start3A_68 = tpu.memref_squeeze %dma_start3A_67 : memref<1x40x128xi32, #tpu.memory_space<hbm>> -> memref<40x128xi32, #tpu.memory_space<hbm>>
      tpu.enqueue_dma source(%dma_start3A_68 : memref<40x128xi32, #tpu.memory_space<hbm>>) target(%arg7 : memref<40x128xi32, #tpu.memory_space<vmem>>) target_semaphore(%run_scoped3A : memref<!tpu.dma_semaphore, #tpu.memory_space<semaphore_mem>>)
      %dma_wait3A = arith.constant 0 : i32
      %dma_wait3A_69 = tpu.memref_slice %arg3[%arg0, %add3A_31, %dma_wait3A] : memref<2x1280x128xi32, #tpu.memory_space<hbm>> -> memref<1x40x128xi32, #tpu.memory_space<hbm>>
      %dma_wait3A_70 = tpu.memref_squeeze %dma_wait3A_69 : memref<1x40x128xi32, #tpu.memory_space<hbm>> -> memref<40x128xi32, #tpu.memory_space<hbm>>
      %dma_wait3A_71 = arith.constant 0 : i32
      %dma_wait3A_72 = tpu.memref_slice %arg3[%arg0, %add3A_31, %dma_wait3A_71] : memref<2x1280x128xi32, #tpu.memory_space<hbm>> -> memref<1x40x128xi32, #tpu.memory_space<hbm>>
      %dma_wait3A_73 = tpu.memref_squeeze %dma_wait3A_72 : memref<1x40x128xi32, #tpu.memory_space<hbm>> -> memref<40x128xi32, #tpu.memory_space<hbm>>
      tpu.wait_dma2 semaphore(%run_scoped3A : memref<!tpu.dma_semaphore, #tpu.memory_space<semaphore_mem>>) src(%dma_wait3A_73 : memref<40x128xi32, #tpu.memory_space<hbm>>) dst(%arg7 : memref<40x128xi32, #tpu.memory_space<vmem>>)
      tpu.yield
    }) : () -> ()
    "tpu.region"() ({
      %run_scoped3A = tpu.sem_alloc : memref<!tpu.dma_semaphore, #tpu.memory_space<semaphore_mem>>
      %dma_start3A_63 = arith.constant 0 : i32
      %dma_start3A_64 = tpu.memref_slice %arg4[%arg0, %add3A_31, %dma_start3A_63] : memref<2x1280x128xi32, #tpu.memory_space<hbm>> -> memref<1x40x128xi32, #tpu.memory_space<hbm>>
      %dma_start3A_65 = tpu.memref_squeeze %dma_start3A_64 : memref<1x40x128xi32, #tpu.memory_space<hbm>> -> memref<40x128xi32, #tpu.memory_space<hbm>>
      %dma_start3A_66 = arith.constant 0 : i32
      %dma_start3A_67 = tpu.memref_slice %arg4[%arg0, %add3A_31, %dma_start3A_66] : memref<2x1280x128xi32, #tpu.memory_space<hbm>> -> memref<1x40x128xi32, #tpu.memory_space<hbm>>
      %dma_start3A_68 = tpu.memref_squeeze %dma_start3A_67 : memref<1x40x128xi32, #tpu.memory_space<hbm>> -> memref<40x128xi32, #tpu.memory_space<hbm>>
      tpu.enqueue_dma source(%dma_start3A_68 : memref<40x128xi32, #tpu.memory_space<hbm>>) target(%arg8 : memref<40x128xi32, #tpu.memory_space<vmem>>) target_semaphore(%run_scoped3A : memref<!tpu.dma_semaphore, #tpu.memory_space<semaphore_mem>>)
      %dma_wait3A = arith.constant 0 : i32
      %dma_wait3A_69 = tpu.memref_slice %arg4[%arg0, %add3A_31, %dma_wait3A] : memref<2x1280x128xi32, #tpu.memory_space<hbm>> -> memref<1x40x128xi32, #tpu.memory_space<hbm>>
      %dma_wait3A_70 = tpu.memref_squeeze %dma_wait3A_69 : memref<1x40x128xi32, #tpu.memory_space<hbm>> -> memref<40x128xi32, #tpu.memory_space<hbm>>
      %dma_wait3A_71 = arith.constant 0 : i32
      %dma_wait3A_72 = tpu.memref_slice %arg4[%arg0, %add3A_31, %dma_wait3A_71] : memref<2x1280x128xi32, #tpu.memory_space<hbm>> -> memref<1x40x128xi32, #tpu.memory_space<hbm>>
      %dma_wait3A_73 = tpu.memref_squeeze %dma_wait3A_72 : memref<1x40x128xi32, #tpu.memory_space<hbm>> -> memref<40x128xi32, #tpu.memory_space<hbm>>
      tpu.wait_dma2 semaphore(%run_scoped3A : memref<!tpu.dma_semaphore, #tpu.memory_space<semaphore_mem>>) src(%dma_wait3A_73 : memref<40x128xi32, #tpu.memory_space<hbm>>) dst(%arg8 : memref<40x128xi32, #tpu.memory_space<vmem>>)
      tpu.yield
    }) : () -> ()
    %dma_start3A_32 = arith.constant 0 : i32
    %dma_start3A_33 = arith.constant 0 : i32
    %dma_start3A_34 = tpu.memref_slice %arg7[%dma_start3A_32, %dma_start3A_33] : memref<40x128xi32, #tpu.memory_space<vmem>> -> memref<1x128xi32, #tpu.memory_space<vmem>>
    %dma_start3A_35 = tpu.memref_squeeze %dma_start3A_34 : memref<1x128xi32, #tpu.memory_space<vmem>> -> memref<128xi32, #tpu.memory_space<vmem>>
    %dma_start3A_36 = arith.constant 0 : i32
    %dma_start3A_37 = arith.constant 0 : i32
    %dma_start3A_38 = tpu.memref_slice %arg2[%dma_start3A_36, %dma_start3A_37] : memref<20000x64xf32, #tpu.memory_space<hbm>> -> memref<20000x64xf32, #tpu.memory_space<hbm>>
    tpu.enqueue_indirect_dma source(%dma_start3A_38 : memref<20000x64xf32, #tpu.memory_space<hbm>>) target(%arg9 : memref<128x64xf32, #tpu.memory_space<vmem>>) offsets(%dma_start3A_35 : memref<128xi32, #tpu.memory_space<vmem>>) semaphore(%arg14 : memref<!tpu.dma_semaphore, #tpu.memory_space<semaphore_mem>>)
    %dma_start3A_39 = arith.constant 1 : i32
    %dma_start3A_40 = arith.constant 0 : i32
    %dma_start3A_41 = tpu.memref_slice %arg7[%dma_start3A_39, %dma_start3A_40] : memref<40x128xi32, #tpu.memory_space<vmem>> -> memref<1x128xi32, #tpu.memory_space<vmem>>
    %dma_start3A_42 = tpu.memref_squeeze %dma_start3A_41 : memref<1x128xi32, #tpu.memory_space<vmem>> -> memref<128xi32, #tpu.memory_space<vmem>>
    %dma_start3A_43 = arith.constant 0 : i32
    %dma_start3A_44 = arith.constant 0 : i32
    %dma_start3A_45 = tpu.memref_slice %arg2[%dma_start3A_43, %dma_start3A_44] : memref<20000x64xf32, #tpu.memory_space<hbm>> -> memref<20000x64xf32, #tpu.memory_space<hbm>>
    tpu.enqueue_indirect_dma source(%dma_start3A_45 : memref<20000x64xf32, #tpu.memory_space<hbm>>) target(%arg10 : memref<128x64xf32, #tpu.memory_space<vmem>>) offsets(%dma_start3A_42 : memref<128xi32, #tpu.memory_space<vmem>>) semaphore(%arg15 : memref<!tpu.dma_semaphore, #tpu.memory_space<semaphore_mem>>)
    %dma_start3A_46 = arith.constant 2 : i32
    %dma_start3A_47 = arith.constant 0 : i32
    %dma_start3A_48 = tpu.memref_slice %arg7[%dma_start3A_46, %dma_start3A_47] : memref<40x128xi32, #tpu.memory_space<vmem>> -> memref<1x128xi32, #tpu.memory_space<vmem>>
    %dma_start3A_49 = tpu.memref_squeeze %dma_start3A_48 : memref<1x128xi32, #tpu.memory_space<vmem>> -> memref<128xi32, #tpu.memory_space<vmem>>
    %dma_start3A_50 = arith.constant 0 : i32
    %dma_start3A_51 = arith.constant 0 : i32
    %dma_start3A_52 = tpu.memref_slice %arg2[%dma_start3A_50, %dma_start3A_51] : memref<20000x64xf32, #tpu.memory_space<hbm>> -> memref<20000x64xf32, #tpu.memory_space<hbm>>
    tpu.enqueue_indirect_dma source(%dma_start3A_52 : memref<20000x64xf32, #tpu.memory_space<hbm>>) target(%arg11 : memref<128x64xf32, #tpu.memory_space<vmem>>) offsets(%dma_start3A_49 : memref<128xi32, #tpu.memory_space<vmem>>) semaphore(%arg16 : memref<!tpu.dma_semaphore, #tpu.memory_space<semaphore_mem>>)
    %scan3A_53 = arith.constant 0 : i32
    %scan3A_54 = arith.constant 10 : i32
    %scan3A_55 = arith.addi %scan3A_53, %scan3A_54 : i32
    %scan3A_56 = arith.constant 1 : i32
    scf.for %scan3A_63 = %scan3A_53 to %scan3A_55 step %scan3A_56  : i32 {
      %mul3A_64 = arith.constant 4 : i32
      %mul3A_65 = arith.muli %scan3A_63, %mul3A_64 : i32
      %add3A_66 = arith.constant 0 : i32
      %add3A_67 = arith.addi %add3A_66, %mul3A_65 : i32
      %add3A_68 = arith.constant 0 : i32
      %add3A_69 = arith.addi %add3A_67, %add3A_68 : i32
      %add3A_70 = arith.constant 4 : i32
      %add3A_71 = arith.addi %add3A_69, %add3A_70 : i32
      %sub3A = arith.constant 1 : i32
      %sub3A_72 = arith.subi %add3A_71, %sub3A : i32
      %lt3A = arith.constant 40 : i32
      %lt3A_73 = arith.cmpi slt, %sub3A_72, %lt3A : i32
      %convert_element_type3A = arith.extui %lt3A_73 : i1 to i32
      %cond3A = arith.constant 0 : i32
      %cond3A_74 = arith.cmpi ne, %convert_element_type3A, %cond3A : i32
      scf.if %cond3A_74 {
        %dma_start3A_143 = arith.constant 0 : i32
        %dma_start3A_144 = tpu.memref_slice %arg7[%sub3A_72, %dma_start3A_143] : memref<40x128xi32, #tpu.memory_space<vmem>> -> memref<1x128xi32, #tpu.memory_space<vmem>>
        %dma_start3A_145 = tpu.memref_squeeze %dma_start3A_144 : memref<1x128xi32, #tpu.memory_space<vmem>> -> memref<128xi32, #tpu.memory_space<vmem>>
        %dma_start3A_146 = arith.constant 0 : i32
        %dma_start3A_147 = arith.constant 0 : i32
        %dma_start3A_148 = tpu.memref_slice %arg2[%dma_start3A_146, %dma_start3A_147] : memref<20000x64xf32, #tpu.memory_space<hbm>> -> memref<20000x64xf32, #tpu.memory_space<hbm>>
        tpu.enqueue_indirect_dma source(%dma_start3A_148 : memref<20000x64xf32, #tpu.memory_space<hbm>>) target(%arg12 : memref<128x64xf32, #tpu.memory_space<vmem>>) offsets(%dma_start3A_145 : memref<128xi32, #tpu.memory_space<vmem>>) semaphore(%arg17 : memref<!tpu.dma_semaphore, #tpu.memory_space<semaphore_mem>>)
      } else {
      }
      %dma_wait3A = arith.constant 0 : i32
      %dma_wait3A_75 = arith.constant 0 : i32
      %dma_wait3A_76 = tpu.memref_slice %arg7[%dma_wait3A, %dma_wait3A_75] : memref<40x128xi32, #tpu.memory_space<vmem>> -> memref<1x128xi32, #tpu.memory_space<vmem>>
      %dma_wait3A_77 = tpu.memref_squeeze %dma_wait3A_76 : memref<1x128xi32, #tpu.memory_space<vmem>> -> memref<128xi32, #tpu.memory_space<vmem>>
      %dma_wait3A_78 = arith.constant 0 : i32
      %dma_wait3A_79 = arith.constant 0 : i32
      %dma_wait3A_80 = tpu.memref_slice %arg2[%dma_wait3A_78, %dma_wait3A_79] : memref<20000x64xf32, #tpu.memory_space<hbm>> -> memref<20000x64xf32, #tpu.memory_space<hbm>>
      tpu.wait_indirect_dma semaphore(%arg14 : memref<!tpu.dma_semaphore, #tpu.memory_space<semaphore_mem>>) src(%dma_wait3A_80 : memref<20000x64xf32, #tpu.memory_space<hbm>>) dst(%arg9 : memref<128x64xf32, #tpu.memory_space<vmem>>)
      %add3A_81 = arith.constant 0 : i32
      %add3A_82 = arith.addi %add3A_67, %add3A_81 : i32
      "tpu.region"() ({
        %run_scoped3A = tpu.sem_alloc : memref<!tpu.dma_semaphore, #tpu.memory_space<semaphore_mem>>
        %dma_start3A_143 = arith.constant 0 : i32
        %dma_start3A_144 = tpu.memref_slice %arg8[%add3A_82, %dma_start3A_143] : memref<40x128xi32, #tpu.memory_space<vmem>> -> memref<1x128xi32, #tpu.memory_space<vmem>>
        %dma_start3A_145 = tpu.memref_squeeze %dma_start3A_144 : memref<1x128xi32, #tpu.memory_space<vmem>> -> memref<128xi32, #tpu.memory_space<vmem>>
        %dma_start3A_146 = arith.constant 0 : i32
        %dma_start3A_147 = arith.constant 0 : i32
        %dma_start3A_148 = tpu.memref_slice %arg13[%dma_start3A_146, %dma_start3A_147] : memref<10112x64xf32, #tpu.memory_space<vmem_shared>> -> memref<10112x64xf32, #tpu.memory_space<vmem_shared>>
        tpu.enqueue_indirect_dma source(%arg9 : memref<128x64xf32, #tpu.memory_space<vmem>>) target(%dma_start3A_148 : memref<10112x64xf32, #tpu.memory_space<vmem_shared>>) offsets(%dma_start3A_145 : memref<128xi32, #tpu.memory_space<vmem>>) semaphore(%run_scoped3A : memref<!tpu.dma_semaphore, #tpu.memory_space<semaphore_mem>>) {add = true}
        %dma_wait3A_149 = arith.constant 0 : i32
        %dma_wait3A_150 = tpu.memref_slice %arg8[%add3A_82, %dma_wait3A_149] : memref<40x128xi32, #tpu.memory_space<vmem>> -> memref<1x128xi32, #tpu.memory_space<vmem>>
        %dma_wait3A_151 = tpu.memref_squeeze %dma_wait3A_150 : memref<1x128xi32, #tpu.memory_space<vmem>> -> memref<128xi32, #tpu.memory_space<vmem>>
        %dma_wait3A_152 = arith.constant 0 : i32
        %dma_wait3A_153 = arith.constant 0 : i32
        %dma_wait3A_154 = tpu.memref_slice %arg13[%dma_wait3A_152, %dma_wait3A_153] : memref<10112x64xf32, #tpu.memory_space<vmem_shared>> -> memref<10112x64xf32, #tpu.memory_space<vmem_shared>>
        tpu.wait_indirect_dma semaphore(%run_scoped3A : memref<!tpu.dma_semaphore, #tpu.memory_space<semaphore_mem>>) src(%arg9 : memref<128x64xf32, #tpu.memory_space<vmem>>) dst(%dma_wait3A_154 : memref<10112x64xf32, #tpu.memory_space<vmem_shared>>)
        tpu.yield
      }) : () -> ()
      %add3A_83 = arith.constant 1 : i32
      %add3A_84 = arith.addi %add3A_67, %add3A_83 : i32
      %add3A_85 = arith.constant 4 : i32
      %add3A_86 = arith.addi %add3A_84, %add3A_85 : i32
      %sub3A_87 = arith.constant 1 : i32
      %sub3A_88 = arith.subi %add3A_86, %sub3A_87 : i32
      %lt3A_89 = arith.constant 40 : i32
      %lt3A_90 = arith.cmpi slt, %sub3A_88, %lt3A_89 : i32
      %convert_element_type3A_91 = arith.extui %lt3A_90 : i1 to i32
      %cond3A_92 = arith.constant 0 : i32
      %cond3A_93 = arith.cmpi ne, %convert_element_type3A_91, %cond3A_92 : i32
      scf.if %cond3A_93 {
        %dma_start3A_143 = arith.constant 0 : i32
        %dma_start3A_144 = tpu.memref_slice %arg7[%sub3A_88, %dma_start3A_143] : memref<40x128xi32, #tpu.memory_space<vmem>> -> memref<1x128xi32, #tpu.memory_space<vmem>>
        %dma_start3A_145 = tpu.memref_squeeze %dma_start3A_144 : memref<1x128xi32, #tpu.memory_space<vmem>> -> memref<128xi32, #tpu.memory_space<vmem>>
        %dma_start3A_146 = arith.constant 0 : i32
        %dma_start3A_147 = arith.constant 0 : i32
        %dma_start3A_148 = tpu.memref_slice %arg2[%dma_start3A_146, %dma_start3A_147] : memref<20000x64xf32, #tpu.memory_space<hbm>> -> memref<20000x64xf32, #tpu.memory_space<hbm>>
        tpu.enqueue_indirect_dma source(%dma_start3A_148 : memref<20000x64xf32, #tpu.memory_space<hbm>>) target(%arg9 : memref<128x64xf32, #tpu.memory_space<vmem>>) offsets(%dma_start3A_145 : memref<128xi32, #tpu.memory_space<vmem>>) semaphore(%arg14 : memref<!tpu.dma_semaphore, #tpu.memory_space<semaphore_mem>>)
      } else {
      }
      %dma_wait3A_94 = arith.constant 0 : i32
      %dma_wait3A_95 = arith.constant 0 : i32
      %dma_wait3A_96 = tpu.memref_slice %arg7[%dma_wait3A_94, %dma_wait3A_95] : memref<40x128xi32, #tpu.memory_space<vmem>> -> memref<1x128xi32, #tpu.memory_space<vmem>>
      %dma_wait3A_97 = tpu.memref_squeeze %dma_wait3A_96 : memref<1x128xi32, #tpu.memory_space<vmem>> -> memref<128xi32, #tpu.memory_space<vmem>>
      %dma_wait3A_98 = arith.constant 0 : i32
      %dma_wait3A_99 = arith.constant 0 : i32
      %dma_wait3A_100 = tpu.memref_slice %arg2[%dma_wait3A_98, %dma_wait3A_99] : memref<20000x64xf32, #tpu.memory_space<hbm>> -> memref<20000x64xf32, #tpu.memory_space<hbm>>
      tpu.wait_indirect_dma semaphore(%arg15 : memref<!tpu.dma_semaphore, #tpu.memory_space<semaphore_mem>>) src(%dma_wait3A_100 : memref<20000x64xf32, #tpu.memory_space<hbm>>) dst(%arg10 : memref<128x64xf32, #tpu.memory_space<vmem>>)
      %add3A_101 = arith.constant 1 : i32
      %add3A_102 = arith.addi %add3A_67, %add3A_101 : i32
      "tpu.region"() ({
        %run_scoped3A = tpu.sem_alloc : memref<!tpu.dma_semaphore, #tpu.memory_space<semaphore_mem>>
        %dma_start3A_143 = arith.constant 0 : i32
        %dma_start3A_144 = tpu.memref_slice %arg8[%add3A_102, %dma_start3A_143] : memref<40x128xi32, #tpu.memory_space<vmem>> -> memref<1x128xi32, #tpu.memory_space<vmem>>
        %dma_start3A_145 = tpu.memref_squeeze %dma_start3A_144 : memref<1x128xi32, #tpu.memory_space<vmem>> -> memref<128xi32, #tpu.memory_space<vmem>>
        %dma_start3A_146 = arith.constant 0 : i32
        %dma_start3A_147 = arith.constant 0 : i32
        %dma_start3A_148 = tpu.memref_slice %arg13[%dma_start3A_146, %dma_start3A_147] : memref<10112x64xf32, #tpu.memory_space<vmem_shared>> -> memref<10112x64xf32, #tpu.memory_space<vmem_shared>>
        tpu.enqueue_indirect_dma source(%arg10 : memref<128x64xf32, #tpu.memory_space<vmem>>) target(%dma_start3A_148 : memref<10112x64xf32, #tpu.memory_space<vmem_shared>>) offsets(%dma_start3A_145 : memref<128xi32, #tpu.memory_space<vmem>>) semaphore(%run_scoped3A : memref<!tpu.dma_semaphore, #tpu.memory_space<semaphore_mem>>) {add = true}
        %dma_wait3A_149 = arith.constant 0 : i32
        %dma_wait3A_150 = tpu.memref_slice %arg8[%add3A_102, %dma_wait3A_149] : memref<40x128xi32, #tpu.memory_space<vmem>> -> memref<1x128xi32, #tpu.memory_space<vmem>>
        %dma_wait3A_151 = tpu.memref_squeeze %dma_wait3A_150 : memref<1x128xi32, #tpu.memory_space<vmem>> -> memref<128xi32, #tpu.memory_space<vmem>>
        %dma_wait3A_152 = arith.constant 0 : i32
        %dma_wait3A_153 = arith.constant 0 : i32
        %dma_wait3A_154 = tpu.memref_slice %arg13[%dma_wait3A_152, %dma_wait3A_153] : memref<10112x64xf32, #tpu.memory_space<vmem_shared>> -> memref<10112x64xf32, #tpu.memory_space<vmem_shared>>
        tpu.wait_indirect_dma semaphore(%run_scoped3A : memref<!tpu.dma_semaphore, #tpu.memory_space<semaphore_mem>>) src(%arg10 : memref<128x64xf32, #tpu.memory_space<vmem>>) dst(%dma_wait3A_154 : memref<10112x64xf32, #tpu.memory_space<vmem_shared>>)
        tpu.yield
      }) : () -> ()
      %add3A_103 = arith.constant 2 : i32
      %add3A_104 = arith.addi %add3A_67, %add3A_103 : i32
      %add3A_105 = arith.constant 4 : i32
      %add3A_106 = arith.addi %add3A_104, %add3A_105 : i32
      %sub3A_107 = arith.constant 1 : i32
      %sub3A_108 = arith.subi %add3A_106, %sub3A_107 : i32
      %lt3A_109 = arith.constant 40 : i32
      %lt3A_110 = arith.cmpi slt, %sub3A_108, %lt3A_109 : i32
      %convert_element_type3A_111 = arith.extui %lt3A_110 : i1 to i32
      %cond3A_112 = arith.constant 0 : i32
      %cond3A_113 = arith.cmpi ne, %convert_element_type3A_111, %cond3A_112 : i32
      scf.if %cond3A_113 {
        %dma_start3A_143 = arith.constant 0 : i32
        %dma_start3A_144 = tpu.memref_slice %arg7[%sub3A_108, %dma_start3A_143] : memref<40x128xi32, #tpu.memory_space<vmem>> -> memref<1x128xi32, #tpu.memory_space<vmem>>
        %dma_start3A_145 = tpu.memref_squeeze %dma_start3A_144 : memref<1x128xi32, #tpu.memory_space<vmem>> -> memref<128xi32, #tpu.memory_space<vmem>>
        %dma_start3A_146 = arith.constant 0 : i32
        %dma_start3A_147 = arith.constant 0 : i32
        %dma_start3A_148 = tpu.memref_slice %arg2[%dma_start3A_146, %dma_start3A_147] : memref<20000x64xf32, #tpu.memory_space<hbm>> -> memref<20000x64xf32, #tpu.memory_space<hbm>>
        tpu.enqueue_indirect_dma source(%dma_start3A_148 : memref<20000x64xf32, #tpu.memory_space<hbm>>) target(%arg10 : memref<128x64xf32, #tpu.memory_space<vmem>>) offsets(%dma_start3A_145 : memref<128xi32, #tpu.memory_space<vmem>>) semaphore(%arg15 : memref<!tpu.dma_semaphore, #tpu.memory_space<semaphore_mem>>)
      } else {
      }
      %dma_wait3A_114 = arith.constant 0 : i32
      %dma_wait3A_115 = arith.constant 0 : i32
      %dma_wait3A_116 = tpu.memref_slice %arg7[%dma_wait3A_114, %dma_wait3A_115] : memref<40x128xi32, #tpu.memory_space<vmem>> -> memref<1x128xi32, #tpu.memory_space<vmem>>
      %dma_wait3A_117 = tpu.memref_squeeze %dma_wait3A_116 : memref<1x128xi32, #tpu.memory_space<vmem>> -> memref<128xi32, #tpu.memory_space<vmem>>
      %dma_wait3A_118 = arith.constant 0 : i32
      %dma_wait3A_119 = arith.constant 0 : i32
      %dma_wait3A_120 = tpu.memref_slice %arg2[%dma_wait3A_118, %dma_wait3A_119] : memref<20000x64xf32, #tpu.memory_space<hbm>> -> memref<20000x64xf32, #tpu.memory_space<hbm>>
      tpu.wait_indirect_dma semaphore(%arg16 : memref<!tpu.dma_semaphore, #tpu.memory_space<semaphore_mem>>) src(%dma_wait3A_120 : memref<20000x64xf32, #tpu.memory_space<hbm>>) dst(%arg11 : memref<128x64xf32, #tpu.memory_space<vmem>>)
      %add3A_121 = arith.constant 2 : i32
      %add3A_122 = arith.addi %add3A_67, %add3A_121 : i32
      "tpu.region"() ({
        %run_scoped3A = tpu.sem_alloc : memref<!tpu.dma_semaphore, #tpu.memory_space<semaphore_mem>>
        %dma_start3A_143 = arith.constant 0 : i32
        %dma_start3A_144 = tpu.memref_slice %arg8[%add3A_122, %dma_start3A_143] : memref<40x128xi32, #tpu.memory_space<vmem>> -> memref<1x128xi32, #tpu.memory_space<vmem>>
        %dma_start3A_145 = tpu.memref_squeeze %dma_start3A_144 : memref<1x128xi32, #tpu.memory_space<vmem>> -> memref<128xi32, #tpu.memory_space<vmem>>
        %dma_start3A_146 = arith.constant 0 : i32
        %dma_start3A_147 = arith.constant 0 : i32
        %dma_start3A_148 = tpu.memref_slice %arg13[%dma_start3A_146, %dma_start3A_147] : memref<10112x64xf32, #tpu.memory_space<vmem_shared>> -> memref<10112x64xf32, #tpu.memory_space<vmem_shared>>
        tpu.enqueue_indirect_dma source(%arg11 : memref<128x64xf32, #tpu.memory_space<vmem>>) target(%dma_start3A_148 : memref<10112x64xf32, #tpu.memory_space<vmem_shared>>) offsets(%dma_start3A_145 : memref<128xi32, #tpu.memory_space<vmem>>) semaphore(%run_scoped3A : memref<!tpu.dma_semaphore, #tpu.memory_space<semaphore_mem>>) {add = true}
        %dma_wait3A_149 = arith.constant 0 : i32
        %dma_wait3A_150 = tpu.memref_slice %arg8[%add3A_122, %dma_wait3A_149] : memref<40x128xi32, #tpu.memory_space<vmem>> -> memref<1x128xi32, #tpu.memory_space<vmem>>
        %dma_wait3A_151 = tpu.memref_squeeze %dma_wait3A_150 : memref<1x128xi32, #tpu.memory_space<vmem>> -> memref<128xi32, #tpu.memory_space<vmem>>
        %dma_wait3A_152 = arith.constant 0 : i32
        %dma_wait3A_153 = arith.constant 0 : i32
        %dma_wait3A_154 = tpu.memref_slice %arg13[%dma_wait3A_152, %dma_wait3A_153] : memref<10112x64xf32, #tpu.memory_space<vmem_shared>> -> memref<10112x64xf32, #tpu.memory_space<vmem_shared>>
        tpu.wait_indirect_dma semaphore(%run_scoped3A : memref<!tpu.dma_semaphore, #tpu.memory_space<semaphore_mem>>) src(%arg11 : memref<128x64xf32, #tpu.memory_space<vmem>>) dst(%dma_wait3A_154 : memref<10112x64xf32, #tpu.memory_space<vmem_shared>>)
        tpu.yield
      }) : () -> ()
      %add3A_123 = arith.constant 3 : i32
      %add3A_124 = arith.addi %add3A_67, %add3A_123 : i32
      %add3A_125 = arith.constant 4 : i32
      %add3A_126 = arith.addi %add3A_124, %add3A_125 : i32
      %sub3A_127 = arith.constant 1 : i32
      %sub3A_128 = arith.subi %add3A_126, %sub3A_127 : i32
      %lt3A_129 = arith.constant 40 : i32
      %lt3A_130 = arith.cmpi slt, %sub3A_128, %lt3A_129 : i32
      %convert_element_type3A_131 = arith.extui %lt3A_130 : i1 to i32
      %cond3A_132 = arith.constant 0 : i32
      %cond3A_133 = arith.cmpi ne, %convert_element_type3A_131, %cond3A_132 : i32
      scf.if %cond3A_133 {
        %dma_start3A_143 = arith.constant 0 : i32
        %dma_start3A_144 = tpu.memref_slice %arg7[%sub3A_128, %dma_start3A_143] : memref<40x128xi32, #tpu.memory_space<vmem>> -> memref<1x128xi32, #tpu.memory_space<vmem>>
        %dma_start3A_145 = tpu.memref_squeeze %dma_start3A_144 : memref<1x128xi32, #tpu.memory_space<vmem>> -> memref<128xi32, #tpu.memory_space<vmem>>
        %dma_start3A_146 = arith.constant 0 : i32
        %dma_start3A_147 = arith.constant 0 : i32
        %dma_start3A_148 = tpu.memref_slice %arg2[%dma_start3A_146, %dma_start3A_147] : memref<20000x64xf32, #tpu.memory_space<hbm>> -> memref<20000x64xf32, #tpu.memory_space<hbm>>
        tpu.enqueue_indirect_dma source(%dma_start3A_148 : memref<20000x64xf32, #tpu.memory_space<hbm>>) target(%arg11 : memref<128x64xf32, #tpu.memory_space<vmem>>) offsets(%dma_start3A_145 : memref<128xi32, #tpu.memory_space<vmem>>) semaphore(%arg16 : memref<!tpu.dma_semaphore, #tpu.memory_space<semaphore_mem>>)
      } else {
      }
      %dma_wait3A_134 = arith.constant 0 : i32
      %dma_wait3A_135 = arith.constant 0 : i32
      %dma_wait3A_136 = tpu.memref_slice %arg7[%dma_wait3A_134, %dma_wait3A_135] : memref<40x128xi32, #tpu.memory_space<vmem>> -> memref<1x128xi32, #tpu.memory_space<vmem>>
      %dma_wait3A_137 = tpu.memref_squeeze %dma_wait3A_136 : memref<1x128xi32, #tpu.memory_space<vmem>> -> memref<128xi32, #tpu.memory_space<vmem>>
      %dma_wait3A_138 = arith.constant 0 : i32
      %dma_wait3A_139 = arith.constant 0 : i32
      %dma_wait3A_140 = tpu.memref_slice %arg2[%dma_wait3A_138, %dma_wait3A_139] : memref<20000x64xf32, #tpu.memory_space<hbm>> -> memref<20000x64xf32, #tpu.memory_space<hbm>>
      tpu.wait_indirect_dma semaphore(%arg17 : memref<!tpu.dma_semaphore, #tpu.memory_space<semaphore_mem>>) src(%dma_wait3A_140 : memref<20000x64xf32, #tpu.memory_space<hbm>>) dst(%arg12 : memref<128x64xf32, #tpu.memory_space<vmem>>)
      %add3A_141 = arith.constant 3 : i32
      %add3A_142 = arith.addi %add3A_67, %add3A_141 : i32
      "tpu.region"() ({
        %run_scoped3A = tpu.sem_alloc : memref<!tpu.dma_semaphore, #tpu.memory_space<semaphore_mem>>
        %dma_start3A_143 = arith.constant 0 : i32
        %dma_start3A_144 = tpu.memref_slice %arg8[%add3A_142, %dma_start3A_143] : memref<40x128xi32, #tpu.memory_space<vmem>> -> memref<1x128xi32, #tpu.memory_space<vmem>>
        %dma_start3A_145 = tpu.memref_squeeze %dma_start3A_144 : memref<1x128xi32, #tpu.memory_space<vmem>> -> memref<128xi32, #tpu.memory_space<vmem>>
        %dma_start3A_146 = arith.constant 0 : i32
        %dma_start3A_147 = arith.constant 0 : i32
        %dma_start3A_148 = tpu.memref_slice %arg13[%dma_start3A_146, %dma_start3A_147] : memref<10112x64xf32, #tpu.memory_space<vmem_shared>> -> memref<10112x64xf32, #tpu.memory_space<vmem_shared>>
        tpu.enqueue_indirect_dma source(%arg12 : memref<128x64xf32, #tpu.memory_space<vmem>>) target(%dma_start3A_148 : memref<10112x64xf32, #tpu.memory_space<vmem_shared>>) offsets(%dma_start3A_145 : memref<128xi32, #tpu.memory_space<vmem>>) semaphore(%run_scoped3A : memref<!tpu.dma_semaphore, #tpu.memory_space<semaphore_mem>>) {add = true}
        %dma_wait3A_149 = arith.constant 0 : i32
        %dma_wait3A_150 = tpu.memref_slice %arg8[%add3A_142, %dma_wait3A_149] : memref<40x128xi32, #tpu.memory_space<vmem>> -> memref<1x128xi32, #tpu.memory_space<vmem>>
        %dma_wait3A_151 = tpu.memref_squeeze %dma_wait3A_150 : memref<1x128xi32, #tpu.memory_space<vmem>> -> memref<128xi32, #tpu.memory_space<vmem>>
        %dma_wait3A_152 = arith.constant 0 : i32
        %dma_wait3A_153 = arith.constant 0 : i32
        %dma_wait3A_154 = tpu.memref_slice %arg13[%dma_wait3A_152, %dma_wait3A_153] : memref<10112x64xf32, #tpu.memory_space<vmem_shared>> -> memref<10112x64xf32, #tpu.memory_space<vmem_shared>>
        tpu.wait_indirect_dma semaphore(%run_scoped3A : memref<!tpu.dma_semaphore, #tpu.memory_space<semaphore_mem>>) src(%arg12 : memref<128x64xf32, #tpu.memory_space<vmem>>) dst(%dma_wait3A_154 : memref<10112x64xf32, #tpu.memory_space<vmem_shared>>)
        tpu.yield
      }) : () -> ()
    }
    %scan3A_57 = arith.constant 10 : i32
    %barrier3A_58 = arith.constant 0 : index
    tpu.barrier barrier_id(%barrier3A_58)
    %mul3A_59 = arith.constant 632 : i32
    %mul3A_60 = arith.muli %arg1, %mul3A_59 : i32
    %mul3A_61 = arith.constant 632 : i32
    %mul3A_62 = arith.muli %arg1, %mul3A_61 : i32
    "tpu.region"() ({
      %run_scoped3A = tpu.sem_alloc : memref<!tpu.dma_semaphore, #tpu.memory_space<semaphore_mem>>
      %dma_start3A_63 = arith.constant 0 : i32
      %dma_start3A_64 = tpu.memref_slice %arg6[%arg0, %mul3A_62, %dma_start3A_63] : memref<2x10112x64xf32, #tpu.memory_space<hbm>> -> memref<1x632x64xf32, #tpu.memory_space<hbm>>
      %dma_start3A_65 = tpu.memref_squeeze %dma_start3A_64 : memref<1x632x64xf32, #tpu.memory_space<hbm>> -> memref<632x64xf32, #tpu.memory_space<hbm>>
      %dma_start3A_66 = arith.constant 0 : i32
      %dma_start3A_67 = tpu.memref_slice %arg13[%mul3A_60, %dma_start3A_66] : memref<10112x64xf32, #tpu.memory_space<vmem_shared>> -> memref<632x64xf32, #tpu.memory_space<vmem_shared>>
      tpu.enqueue_dma source(%dma_start3A_67 : memref<632x64xf32, #tpu.memory_space<vmem_shared>>) target(%dma_start3A_65 : memref<632x64xf32, #tpu.memory_space<hbm>>) target_semaphore(%run_scoped3A : memref<!tpu.dma_semaphore, #tpu.memory_space<semaphore_mem>>)
      %dma_wait3A = arith.constant 0 : i32
      %dma_wait3A_68 = tpu.memref_slice %arg6[%arg0, %mul3A_62, %dma_wait3A] : memref<2x10112x64xf32, #tpu.memory_space<hbm>> -> memref<1x632x64xf32, #tpu.memory_space<hbm>>
      %dma_wait3A_69 = tpu.memref_squeeze %dma_wait3A_68 : memref<1x632x64xf32, #tpu.memory_space<hbm>> -> memref<632x64xf32, #tpu.memory_space<hbm>>
      %dma_wait3A_70 = arith.constant 0 : i32
      %dma_wait3A_71 = tpu.memref_slice %arg13[%mul3A_60, %dma_wait3A_70] : memref<10112x64xf32, #tpu.memory_space<vmem_shared>> -> memref<632x64xf32, #tpu.memory_space<vmem_shared>>
      tpu.wait_dma2 semaphore(%run_scoped3A : memref<!tpu.dma_semaphore, #tpu.memory_space<semaphore_mem>>) src(%dma_wait3A_71 : memref<632x64xf32, #tpu.memory_space<vmem_shared>>) dst(%dma_wait3A_69 : memref<632x64xf32, #tpu.memory_space<hbm>>)
      tpu.yield
    }) : () -> ()
    return
  }
}

module attributes {stable_mosaic.version = 14 : i64} {
  func.func @body(%arg0: i32, %arg1: memref<400x256xf32, #tpu.memory_space<vmem>>, %arg2: memref<256x256xf32, #tpu.memory_space<vmem>>, %arg3: memref<2x400x16xf32, #tpu.memory_space<vmem>>, %arg4: memref<2x400x128xf32, #tpu.memory_space<vmem>>) attributes {dimension_semantics = [#tpu.dimension_semantics<arbitrary>], iteration_bounds = array<i64: 25>, scalar_prefetch = 0 : i64, scratch_operands = 0 : i64, tpu.core_type = #tpu.core_type<tc>, window_params = [{transform_indices = @transform_0, window_bounds = array<i64: 400, 256>}, {pipeline_mode = #tpu.pipeline_mode<synchronous>, transform_indices = @transform_1, window_bounds = array<i64: 256, 256>}, {transform_indices = @transform_2, window_bounds = array<i64: 2, 400, 16>}, {transform_indices = @transform_3, window_bounds = array<i64: 2, 400, 128>}]} {
    %get3A = arith.constant 0 : index
    %get3A_0 = arith.constant 0 : index
    %get3A_1 = arith.constant 0 : index
    %get3A_2 = vector.load %arg3[%get3A, %get3A_0, %get3A_1] : memref<2x400x16xf32, #tpu.memory_space<vmem>>, vector<1x400x1xf32>
    %get3A_3 = vector.shape_cast %get3A_2 : vector<1x400x1xf32> to vector<400xf32>
    %get3A_4 = arith.constant 1 : index
    %get3A_5 = arith.constant 0 : index
    %get3A_6 = arith.constant 0 : index
    %get3A_7 = vector.load %arg3[%get3A_4, %get3A_5, %get3A_6] : memref<2x400x16xf32, #tpu.memory_space<vmem>>, vector<1x400x1xf32>
    %get3A_8 = vector.shape_cast %get3A_7 : vector<1x400x1xf32> to vector<400xf32>
    %add3A = arith.addf %get3A_3, %get3A_8 : vector<400xf32>
    %add3A_9 = arith.constant 1.000000e+00 : f32
    %add3A_10 = vector.broadcast %add3A_9 : f32 to vector<400xf32>
    %add3A_11 = arith.addf %add3A, %add3A_10 : vector<400xf32>
    %rsqrt3A = math.rsqrt %add3A_11 : vector<400xf32>
    %get3A_12 = arith.constant 0 : index
    %get3A_13 = arith.constant 0 : index
    %get3A_14 = vector.load %arg1[%get3A_12, %get3A_13] : memref<400x256xf32, #tpu.memory_space<vmem>>, vector<400x256xf32>
    %get3A_15 = arith.constant 0 : index
    %get3A_16 = arith.constant 0 : index
    %get3A_17 = vector.load %arg2[%get3A_15, %get3A_16] : memref<256x256xf32, #tpu.memory_space<vmem>>, vector<256x256xf32>
    %dot_general3A = arith.constant dense<0.000000e+00> : vector<400x256xf32>
    %dot_general3A_18 = tpu.matmul %get3A_14, %get3A_17, %dot_general3A {dimension_numbers = #tpu.dot_dimension_numbers<[1], [0], [0], [1], [0, 0, 1, 1], [], []>, transpose_lhs_hint = false} : vector<400x256xf32>, vector<256x256xf32>, vector<400x256xf32> -> vector<400x256xf32>
    %broadcast_in_dim3A = vector.shape_cast %rsqrt3A : vector<400xf32> to vector<400x1xf32>
    %mul3A = vector.broadcast %broadcast_in_dim3A : vector<400x1xf32> to vector<400x256xf32>
    %mul3A_19 = arith.mulf %dot_general3A_18, %mul3A : vector<400x256xf32>
    %slice3A = vector.extract_strided_slice %mul3A_19 {offsets = [0, 0], sizes = [400, 128], strides = [1, 1]} : vector<400x256xf32> to vector<400x128xf32>
    %swap3A = arith.constant 0 : index
    %swap3A_20 = arith.constant 0 : index
    %swap3A_21 = arith.constant 0 : index
    %swap3A_22 = vector.load %arg4[%swap3A, %swap3A_20, %swap3A_21] : memref<2x400x128xf32, #tpu.memory_space<vmem>>, vector<1x400x128xf32>
    %swap3A_23 = vector.shape_cast %swap3A_22 : vector<1x400x128xf32> to vector<400x128xf32>
    %swap3A_24 = vector.shape_cast %slice3A : vector<400x128xf32> to vector<1x400x128xf32>
    tpu.vector_store %arg4[%swap3A, %swap3A_20, %swap3A_21], %swap3A_24 {strides = array<i32>} : memref<2x400x128xf32, #tpu.memory_space<vmem>>, vector<1x400x128xf32>,
    %slice3A_25 = vector.extract_strided_slice %mul3A_19 {offsets = [0, 128], sizes = [400, 128], strides = [1, 1]} : vector<400x256xf32> to vector<400x128xf32>
    %swap3A_26 = arith.constant 1 : index
    %swap3A_27 = arith.constant 0 : index
    %swap3A_28 = arith.constant 0 : index
    %swap3A_29 = vector.load %arg4[%swap3A_26, %swap3A_27, %swap3A_28] : memref<2x400x128xf32, #tpu.memory_space<vmem>>, vector<1x400x128xf32>
    %swap3A_30 = vector.shape_cast %swap3A_29 : vector<1x400x128xf32> to vector<400x128xf32>
    %swap3A_31 = vector.shape_cast %slice3A_25 : vector<400x128xf32> to vector<1x400x128xf32>
    tpu.vector_store %arg4[%swap3A_26, %swap3A_27, %swap3A_28], %swap3A_31 {strides = array<i32>} : memref<2x400x128xf32, #tpu.memory_space<vmem>>, vector<1x400x128xf32>,
    return
  }
  func.func @transform_0(%arg0: i32) -> (i32, i32) {
    %c0_i32 = arith.constant 0 : i32
    %c0_i32_0 = arith.constant 0 : i32
    return %arg0, %c0_i32 : i32, i32
  }
  func.func @transform_1(%arg0: i32) -> (i32, i32) {
    %c0_i32 = arith.constant 0 : i32
    %c0_i32_0 = arith.constant 0 : i32
    %c0_i32_1 = arith.constant 0 : i32
    return %c0_i32, %c0_i32_0 : i32, i32
  }
  func.func @transform_2(%arg0: i32) -> (i32, i32, i32) {
    %c0_i32 = arith.constant 0 : i32
    %c0_i32_0 = arith.constant 0 : i32
    %c0_i32_1 = arith.constant 0 : i32
    return %c0_i32, %arg0, %c0_i32_0 : i32, i32, i32
  }
  func.func @transform_3(%arg0: i32) -> (i32, i32, i32) {
    %c0_i32 = arith.constant 0 : i32
    %c0_i32_0 = arith.constant 0 : i32
    %c0_i32_1 = arith.constant 0 : i32
    return %c0_i32, %arg0, %c0_i32_0 : i32, i32, i32
  }
}

module attributes {stable_mosaic.version = 14 : i64} {
  func.func @body(%arg0: i32, %arg1: memref<2x400x128xf32, #tpu.memory_space<vmem>>, %arg2: memref<2x400x128xf32, #tpu.memory_space<vmem>>, %arg3: memref<2x400x16xf32, #tpu.memory_space<vmem>>, %arg4: memref<256x128xf32, #tpu.memory_space<vmem>>, %arg5: memref<1x256xf32, #tpu.memory_space<vmem>>, %arg6: memref<2x400x64xf32, #tpu.memory_space<vmem>>) attributes {dimension_semantics = [#tpu.dimension_semantics<arbitrary>], iteration_bounds = array<i64: 25>, scalar_prefetch = 0 : i64, scratch_operands = 0 : i64, tpu.core_type = #tpu.core_type<tc>, window_params = [{transform_indices = @transform_0, window_bounds = array<i64: 2, 400, 128>}, {transform_indices = @transform_1, window_bounds = array<i64: 2, 400, 128>}, {transform_indices = @transform_2, window_bounds = array<i64: 2, 400, 16>}, {pipeline_mode = #tpu.pipeline_mode<synchronous>, transform_indices = @transform_3, window_bounds = array<i64: 256, 128>}, {pipeline_mode = #tpu.pipeline_mode<synchronous>, transform_indices = @transform_4, window_bounds = array<i64: 1, 256>}, {transform_indices = @transform_5, window_bounds = array<i64: 2, 400, 64>}]} {
    %get3A = arith.constant 0 : index
    %get3A_0 = arith.constant 0 : index
    %get3A_1 = arith.constant 0 : index
    %get3A_2 = vector.load %arg3[%get3A, %get3A_0, %get3A_1] : memref<2x400x16xf32, #tpu.memory_space<vmem>>, vector<1x400x1xf32>
    %get3A_3 = vector.shape_cast %get3A_2 : vector<1x400x1xf32> to vector<400xf32>
    %get3A_4 = arith.constant 1 : index
    %get3A_5 = arith.constant 0 : index
    %get3A_6 = arith.constant 0 : index
    %get3A_7 = vector.load %arg3[%get3A_4, %get3A_5, %get3A_6] : memref<2x400x16xf32, #tpu.memory_space<vmem>>, vector<1x400x1xf32>
    %get3A_8 = vector.shape_cast %get3A_7 : vector<1x400x1xf32> to vector<400xf32>
    %add3A = arith.addf %get3A_3, %get3A_8 : vector<400xf32>
    %add3A_9 = arith.constant 1.000000e+00 : f32
    %add3A_10 = vector.broadcast %add3A_9 : f32 to vector<400xf32>
    %add3A_11 = arith.addf %add3A, %add3A_10 : vector<400xf32>
    %rsqrt3A = math.rsqrt %add3A_11 : vector<400xf32>
    %get3A_12 = arith.constant 0 : index
    %get3A_13 = arith.constant 0 : index
    %get3A_14 = arith.constant 0 : index
    %get3A_15 = vector.load %arg1[%get3A_12, %get3A_13, %get3A_14] : memref<2x400x128xf32, #tpu.memory_space<vmem>>, vector<1x400x128xf32>
    %get3A_16 = vector.shape_cast %get3A_15 : vector<1x400x128xf32> to vector<400x128xf32>
    %get3A_17 = arith.constant 0 : index
    %get3A_18 = arith.constant 0 : index
    %get3A_19 = arith.constant 0 : index
    %get3A_20 = vector.load %arg2[%get3A_17, %get3A_18, %get3A_19] : memref<2x400x128xf32, #tpu.memory_space<vmem>>, vector<1x400x128xf32>
    %get3A_21 = vector.shape_cast %get3A_20 : vector<1x400x128xf32> to vector<400x128xf32>
    %add3A_22 = arith.addf %get3A_16, %get3A_21 : vector<400x128xf32>
    %get3A_23 = arith.constant 1 : index
    %get3A_24 = arith.constant 0 : index
    %get3A_25 = arith.constant 0 : index
    %get3A_26 = vector.load %arg1[%get3A_23, %get3A_24, %get3A_25] : memref<2x400x128xf32, #tpu.memory_space<vmem>>, vector<1x400x128xf32>
    %get3A_27 = vector.shape_cast %get3A_26 : vector<1x400x128xf32> to vector<400x128xf32>
    %get3A_28 = arith.constant 1 : index
    %get3A_29 = arith.constant 0 : index
    %get3A_30 = arith.constant 0 : index
    %get3A_31 = vector.load %arg2[%get3A_28, %get3A_29, %get3A_30] : memref<2x400x128xf32, #tpu.memory_space<vmem>>, vector<1x400x128xf32>
    %get3A_32 = vector.shape_cast %get3A_31 : vector<1x400x128xf32> to vector<400x128xf32>
    %add3A_33 = arith.addf %get3A_27, %get3A_32 : vector<400x128xf32>
    %concatenate3A = tpu.concatenate %add3A_22, %add3A_33 in 1 : vector<400x128xf32>, vector<400x128xf32> -> vector<400x256xf32>
    %broadcast_in_dim3A = vector.shape_cast %rsqrt3A : vector<400xf32> to vector<400x1xf32>
    %mul3A = vector.broadcast %broadcast_in_dim3A : vector<400x1xf32> to vector<400x256xf32>
    %mul3A_34 = arith.mulf %concatenate3A, %mul3A : vector<400x256xf32>
    %get3A_35 = arith.constant 0 : index
    %get3A_36 = arith.constant 0 : index
    %get3A_37 = vector.load %arg5[%get3A_35, %get3A_36] : memref<1x256xf32, #tpu.memory_space<vmem>>, vector<1x256xf32>
    %add3A_38 = vector.broadcast %get3A_37 : vector<1x256xf32> to vector<400x256xf32>
    %add3A_39 = arith.addf %mul3A_34, %add3A_38 : vector<400x256xf32>
    %max3A = arith.constant 0.000000e+00 : f32
    %max3A_40 = vector.broadcast %max3A : f32 to vector<400x256xf32>
    %max3A_41 = arith.maximumf %add3A_39, %max3A_40 : vector<400x256xf32>
    %get3A_42 = arith.constant 0 : index
    %get3A_43 = arith.constant 0 : index
    %get3A_44 = vector.load %arg4[%get3A_42, %get3A_43] : memref<256x128xf32, #tpu.memory_space<vmem>>, vector<256x128xf32>
    %dot_general3A = arith.constant dense<0.000000e+00> : vector<400x128xf32>
    %dot_general3A_45 = tpu.matmul %max3A_41, %get3A_44, %dot_general3A {dimension_numbers = #tpu.dot_dimension_numbers<[1], [0], [0], [1], [0, 0, 1, 1], [], []>, transpose_lhs_hint = false} : vector<400x256xf32>, vector<256x128xf32>, vector<400x128xf32> -> vector<400x128xf32>
    %broadcast_in_dim3A_46 = vector.shape_cast %rsqrt3A : vector<400xf32> to vector<400x1xf32>
    %mul3A_47 = vector.broadcast %broadcast_in_dim3A_46 : vector<400x1xf32> to vector<400x128xf32>
    %mul3A_48 = arith.mulf %dot_general3A_45, %mul3A_47 : vector<400x128xf32>
    %slice3A = vector.extract_strided_slice %mul3A_48 {offsets = [0, 0], sizes = [400, 64], strides = [1, 1]} : vector<400x128xf32> to vector<400x64xf32>
    %swap3A = arith.constant 0 : index
    %swap3A_49 = arith.constant 0 : index
    %swap3A_50 = arith.constant 0 : index
    %swap3A_51 = vector.load %arg6[%swap3A, %swap3A_49, %swap3A_50] : memref<2x400x64xf32, #tpu.memory_space<vmem>>, vector<1x400x64xf32>
    %swap3A_52 = vector.shape_cast %swap3A_51 : vector<1x400x64xf32> to vector<400x64xf32>
    %swap3A_53 = vector.shape_cast %slice3A : vector<400x64xf32> to vector<1x400x64xf32>
    tpu.vector_store %arg6[%swap3A, %swap3A_49, %swap3A_50], %swap3A_53 {strides = array<i32>} : memref<2x400x64xf32, #tpu.memory_space<vmem>>, vector<1x400x64xf32>,
    %slice3A_54 = vector.extract_strided_slice %mul3A_48 {offsets = [0, 64], sizes = [400, 64], strides = [1, 1]} : vector<400x128xf32> to vector<400x64xf32>
    %swap3A_55 = arith.constant 1 : index
    %swap3A_56 = arith.constant 0 : index
    %swap3A_57 = arith.constant 0 : index
    %swap3A_58 = vector.load %arg6[%swap3A_55, %swap3A_56, %swap3A_57] : memref<2x400x64xf32, #tpu.memory_space<vmem>>, vector<1x400x64xf32>
    %swap3A_59 = vector.shape_cast %swap3A_58 : vector<1x400x64xf32> to vector<400x64xf32>
    %swap3A_60 = vector.shape_cast %slice3A_54 : vector<400x64xf32> to vector<1x400x64xf32>
    tpu.vector_store %arg6[%swap3A_55, %swap3A_56, %swap3A_57], %swap3A_60 {strides = array<i32>} : memref<2x400x64xf32, #tpu.memory_space<vmem>>, vector<1x400x64xf32>,
    return
  }
  func.func @transform_0(%arg0: i32) -> (i32, i32, i32) {
    %c0_i32 = arith.constant 0 : i32
    %c0_i32_0 = arith.constant 0 : i32
    %c0_i32_1 = arith.constant 0 : i32
    return %c0_i32, %arg0, %c0_i32_0 : i32, i32, i32
  }
  func.func @transform_1(%arg0: i32) -> (i32, i32, i32) {
    %c0_i32 = arith.constant 0 : i32
    %c0_i32_0 = arith.constant 0 : i32
    %c0_i32_1 = arith.constant 0 : i32
    return %c0_i32, %arg0, %c0_i32_0 : i32, i32, i32
  }
  func.func @transform_2(%arg0: i32) -> (i32, i32, i32) {
    %c0_i32 = arith.constant 0 : i32
    %c0_i32_0 = arith.constant 0 : i32
    %c0_i32_1 = arith.constant 0 : i32
    return %c0_i32, %arg0, %c0_i32_0 : i32, i32, i32
  }
  func.func @transform_3(%arg0: i32) -> (i32, i32) {
    %c0_i32 = arith.constant 0 : i32
    %c0_i32_0 = arith.constant 0 : i32
    %c0_i32_1 = arith.constant 0 : i32
    return %c0_i32, %c0_i32_0 : i32, i32
  }
  func.func @transform_4(%arg0: i32) -> (i32, i32) {
    %c0_i32 = arith.constant 0 : i32
    %c0_i32_0 = arith.constant 0 : i32
    %c0_i32_1 = arith.constant 0 : i32
    return %c0_i32, %c0_i32_0 : i32, i32
  }
  func.func @transform_5(%arg0: i32) -> (i32, i32, i32) {
    %c0_i32 = arith.constant 0 : i32
    %c0_i32_0 = arith.constant 0 : i32
    %c0_i32_1 = arith.constant 0 : i32
    return %c0_i32, %arg0, %c0_i32_0 : i32, i32, i32
  }
}

module attributes {stable_mosaic.version = 14 : i64} {
  func.func @body(%arg0: i32, %arg1: memref<2x400x64xf32, #tpu.memory_space<vmem>>, %arg2: memref<2x400x64xf32, #tpu.memory_space<vmem>>, %arg3: memref<2x400x16xf32, #tpu.memory_space<vmem>>, %arg4: memref<1x128xf32, #tpu.memory_space<vmem>>, %arg5: memref<400x128xf32, #tpu.memory_space<vmem>>) attributes {dimension_semantics = [#tpu.dimension_semantics<arbitrary>], iteration_bounds = array<i64: 25>, scalar_prefetch = 0 : i64, scratch_operands = 0 : i64, tpu.core_type = #tpu.core_type<tc>, window_params = [{transform_indices = @transform_0, window_bounds = array<i64: 2, 400, 64>}, {transform_indices = @transform_1, window_bounds = array<i64: 2, 400, 64>}, {transform_indices = @transform_2, window_bounds = array<i64: 2, 400, 16>}, {pipeline_mode = #tpu.pipeline_mode<synchronous>, transform_indices = @transform_3, window_bounds = array<i64: 1, 128>}, {transform_indices = @transform_4, window_bounds = array<i64: 400, 128>}]} {
    %get3A = arith.constant 0 : index
    %get3A_0 = arith.constant 0 : index
    %get3A_1 = arith.constant 0 : index
    %get3A_2 = vector.load %arg3[%get3A, %get3A_0, %get3A_1] : memref<2x400x16xf32, #tpu.memory_space<vmem>>, vector<1x400x1xf32>
    %get3A_3 = vector.shape_cast %get3A_2 : vector<1x400x1xf32> to vector<400xf32>
    %get3A_4 = arith.constant 1 : index
    %get3A_5 = arith.constant 0 : index
    %get3A_6 = arith.constant 0 : index
    %get3A_7 = vector.load %arg3[%get3A_4, %get3A_5, %get3A_6] : memref<2x400x16xf32, #tpu.memory_space<vmem>>, vector<1x400x1xf32>
    %get3A_8 = vector.shape_cast %get3A_7 : vector<1x400x1xf32> to vector<400xf32>
    %add3A = arith.addf %get3A_3, %get3A_8 : vector<400xf32>
    %add3A_9 = arith.constant 1.000000e+00 : f32
    %add3A_10 = vector.broadcast %add3A_9 : f32 to vector<400xf32>
    %add3A_11 = arith.addf %add3A, %add3A_10 : vector<400xf32>
    %rsqrt3A = math.rsqrt %add3A_11 : vector<400xf32>
    %get3A_12 = arith.constant 0 : index
    %get3A_13 = arith.constant 0 : index
    %get3A_14 = arith.constant 0 : index
    %get3A_15 = vector.load %arg1[%get3A_12, %get3A_13, %get3A_14] : memref<2x400x64xf32, #tpu.memory_space<vmem>>, vector<1x400x64xf32>
    %get3A_16 = vector.shape_cast %get3A_15 : vector<1x400x64xf32> to vector<400x64xf32>
    %get3A_17 = arith.constant 0 : index
    %get3A_18 = arith.constant 0 : index
    %get3A_19 = arith.constant 0 : index
    %get3A_20 = vector.load %arg2[%get3A_17, %get3A_18, %get3A_19] : memref<2x400x64xf32, #tpu.memory_space<vmem>>, vector<1x400x64xf32>
    %get3A_21 = vector.shape_cast %get3A_20 : vector<1x400x64xf32> to vector<400x64xf32>
    %add3A_22 = arith.addf %get3A_16, %get3A_21 : vector<400x64xf32>
    %get3A_23 = arith.constant 1 : index
    %get3A_24 = arith.constant 0 : index
    %get3A_25 = arith.constant 0 : index
    %get3A_26 = vector.load %arg1[%get3A_23, %get3A_24, %get3A_25] : memref<2x400x64xf32, #tpu.memory_space<vmem>>, vector<1x400x64xf32>
    %get3A_27 = vector.shape_cast %get3A_26 : vector<1x400x64xf32> to vector<400x64xf32>
    %get3A_28 = arith.constant 1 : index
    %get3A_29 = arith.constant 0 : index
    %get3A_30 = arith.constant 0 : index
    %get3A_31 = vector.load %arg2[%get3A_28, %get3A_29, %get3A_30] : memref<2x400x64xf32, #tpu.memory_space<vmem>>, vector<1x400x64xf32>
    %get3A_32 = vector.shape_cast %get3A_31 : vector<1x400x64xf32> to vector<400x64xf32>
    %add3A_33 = arith.addf %get3A_27, %get3A_32 : vector<400x64xf32>
    %concatenate3A = tpu.concatenate %add3A_22, %add3A_33 in 1 : vector<400x64xf32>, vector<400x64xf32> -> vector<400x128xf32>
    %broadcast_in_dim3A = vector.shape_cast %rsqrt3A : vector<400xf32> to vector<400x1xf32>
    %mul3A = vector.broadcast %broadcast_in_dim3A : vector<400x1xf32> to vector<400x128xf32>
    %mul3A_34 = arith.mulf %concatenate3A, %mul3A : vector<400x128xf32>
    %get3A_35 = arith.constant 0 : index
    %get3A_36 = arith.constant 0 : index
    %get3A_37 = vector.load %arg4[%get3A_35, %get3A_36] : memref<1x128xf32, #tpu.memory_space<vmem>>, vector<1x128xf32>
    %add3A_38 = vector.broadcast %get3A_37 : vector<1x128xf32> to vector<400x128xf32>
    %add3A_39 = arith.addf %mul3A_34, %add3A_38 : vector<400x128xf32>
    %reduce_max3A = arith.constant dense<0xFF800000> : vector<400xf32>
    %reduce_max3A_40 = vector.multi_reduction <maximumf>, %add3A_39, %reduce_max3A [1] : vector<400x128xf32> to vector<400xf32>
    %broadcast_in_dim3A_41 = vector.shape_cast %reduce_max3A_40 : vector<400xf32> to vector<400x1xf32>
    %sub3A = vector.broadcast %broadcast_in_dim3A_41 : vector<400x1xf32> to vector<400x128xf32>
    %sub3A_42 = arith.subf %add3A_39, %sub3A : vector<400x128xf32>
    %exp3A = math.exp %sub3A_42 : vector<400x128xf32>
    %reduce_sum3A = arith.constant dense<0.000000e+00> : vector<400xf32>
    %reduce_sum3A_43 = vector.multi_reduction <add>, %exp3A, %reduce_sum3A [1] : vector<400x128xf32> to vector<400xf32>
    %broadcast_in_dim3A_44 = vector.shape_cast %reduce_sum3A_43 : vector<400xf32> to vector<400x1xf32>
    %sub3A_45 = vector.broadcast %broadcast_in_dim3A_41 : vector<400x1xf32> to vector<400x128xf32>
    %sub3A_46 = arith.subf %add3A_39, %sub3A_45 : vector<400x128xf32>
    %log3A = math.log %broadcast_in_dim3A_44 : vector<400x1xf32>
    %sub3A_47 = vector.broadcast %log3A : vector<400x1xf32> to vector<400x128xf32>
    %sub3A_48 = arith.subf %sub3A_46, %sub3A_47 : vector<400x128xf32>
    %swap3A = arith.constant 0 : index
    %swap3A_49 = arith.constant 0 : index
    %swap3A_50 = vector.load %arg5[%swap3A, %swap3A_49] : memref<400x128xf32, #tpu.memory_space<vmem>>, vector<400x128xf32>
    tpu.vector_store %arg5[%swap3A, %swap3A_49], %sub3A_48 {strides = array<i32>} : memref<400x128xf32, #tpu.memory_space<vmem>>, vector<400x128xf32>,
    return
  }
  func.func @transform_0(%arg0: i32) -> (i32, i32, i32) {
    %c0_i32 = arith.constant 0 : i32
    %c0_i32_0 = arith.constant 0 : i32
    %c0_i32_1 = arith.constant 0 : i32
    return %c0_i32, %arg0, %c0_i32_0 : i32, i32, i32
  }
  func.func @transform_1(%arg0: i32) -> (i32, i32, i32) {
    %c0_i32 = arith.constant 0 : i32
    %c0_i32_0 = arith.constant 0 : i32
    %c0_i32_1 = arith.constant 0 : i32
    return %c0_i32, %arg0, %c0_i32_0 : i32, i32, i32
  }
  func.func @transform_2(%arg0: i32) -> (i32, i32, i32) {
    %c0_i32 = arith.constant 0 : i32
    %c0_i32_0 = arith.constant 0 : i32
    %c0_i32_1 = arith.constant 0 : i32
    return %c0_i32, %arg0, %c0_i32_0 : i32, i32, i32
  }
  func.func @transform_3(%arg0: i32) -> (i32, i32) {
    %c0_i32 = arith.constant 0 : i32
    %c0_i32_0 = arith.constant 0 : i32
    %c0_i32_1 = arith.constant 0 : i32
    return %c0_i32, %c0_i32_0 : i32, i32
  }
  func.func @transform_4(%arg0: i32) -> (i32, i32) {
    %c0_i32 = arith.constant 0 : i32
    %c0_i32_0 = arith.constant 0 : i32
    return %arg0, %c0_i32 : i32, i32
  }
}

</mosaic_0001>

<sc_bundles>
// kernel: kernel.11.cloned.1.call-start
scs
__scs_entry_jumppad:
0x0: {  	(pc) =	sbr.rel $0x88, $3  }
0x1: {  	(tag) =	ssettag $0x0;
	lr =	simm.s32 $0x1  }
0x2: {  	[smem:$0x3F9B] =	sst lr;
	_ =	strace $0xD0000000  }
0x3: {  	_ = 	snop  }
0x4: {  	_ = 	snop  }
0x5: {  	_ = 	snop  }
0x6: {  	_ = 	snop  }
0x7: {  	_ = 	snop  }
__scs_overlays_trampoline_lowered:
0x8: {  	[smem:$0x3FAA] =	sst s0  }
0x9: {  	[smem:$0x3FAB] =	sst s1  }
0xa: {  	[smem:$0x3FAC] =	sst s2  }
0xb: {  	[smem:$0x3FAD] =	sst s3  }
0xc: {  	[smem:$0x3FAE] =	sst s4  }
0xd: {  	[smem:$0x3FAF] =	sst s5  }
0xe: {  	[smem:$0x3FB0] =	sst s6  }
0xf: {  	[smem:$0x3FB1] =	sst s7  }
0x10: {  	[smem:$0x3FB2] =	sst s8  }
0x11: {  	[smem:$0x3FB3] =	sst s9;
	s0 =	simm.s32 @!p0 $0x0  }
0x12: {  	s1 =	sld [smem:$0x3F99];
	s0 =	simm.s32 @p0 $0x1  }
0x13: {  	[smem:$0x3FB4] =	sst s0;
	s0 =	simm.s32 @!p1 $0x0  }
0x14: {  	s2 =	sld [smem:$0x3F98];
	s0 =	simm.s32 @p1 $0x1  }
0x15: {  	[smem:$0x3FB5] =	sst s0;
	s0 =	simm.s32 @!p2 $0x0  }
0x16: {  	s3 =	sld [smem:$0x3FDB];
	s0 =	simm.s32 @p2 $0x1  }
0x17: {  	s4 =	simm.s32 $0x1BF5;
	[smem:$0x3FB7] =	sst s0  }
0x18: {  	s0 =	sld [smem:$0x3F9A];
	_ =	swait.ge [sflag:s4], $0x0  }
0x19: {  	s7 =	sld [smem:$0x3F9B]  }
0x1a: {  	s8 =	sadd.s32 $0xFFFFE003, lr  }
0x1b: {  	s9 =	sadd.s32 $0xFFFFFEF7, lr;
	s5 =	simm.s32 $0xFFFFFFFF;
	p2 =	slt.u32 s8, $0xFFFFF086  }
0x1c: {  	p1 =	slt.u32 s9, $0xF7A;
	s5 =	simm.s32 @!p2 $0x0  }
0x1d: {  	s5 =	simm.s32 @p1 $0x1;
	p0 =	seq.s32 s7, s2  }
0x1e: {  	s7 =	smul.u32 @!p0 $0xF7A, s2;
	p2 =	seq.s32 @!p0 s5, $0x0  }
0x1f: {  	s9 =	smul.u32 $0xF7A, s1;
	s8 =	simm.s32 @!p0 $0x1BF5;
	p2 =	por !p2, p0  }
0x20: {  	[sflag:s8] =	ssyncset.s32 @!p0 $0xFFFFF086;
	s6 =	sadd.s32 @!p0 s3, s7;
	s7 =	simm.s32 @!p0 $0x108  }
0x21: {  	s3 =	sadd.s32 s3, s9;
	s6 =	sadd.s32 @!p0 $0x88, s6;
	s7 =	simm.s32 @p2 $0x1082  }
0x22: {  	[simem:s7], [sflag:s8] =	dma.local @!p0 [hbm:s6], $0xF7A  }
0x23: {  	s9 =	sor.u32 $0xD0000000, s2;
	s6 =	simm.s32 $0x108;
	_ =	swait.ge @!p0 [sflag:s8], $0x0  }
0x24: {  	s3 =	sadd.s32 $0x88, s3;
	s6 =	simm.s32 @!p1 $0x1082;
	[sflag:s4] =	ssyncset.s32 $0xFFFFF086  }
0x25: {  	[simem:s6], [sflag:s4] =	dma.local [hbm:s3], $0xF7A  }
0x26: {  	[smem:$0x3F9B] =	sst s1;
	(tag) =	ssettag s2;
	_ =	strace s9  }
0x27: {  	s1 =	sld [smem:$0x3FAB]  }
0x28: {  	s2 =	sld [smem:$0x3FAC]  }
0x29: {  	s4 =	sld [smem:$0x3FAE]  }
0x2a: {  	p0 =	seq.s32 s5, $0x0;
	s5 =	sld [smem:$0x3FAF]  }
0x2b: {  	s6 =	sld [smem:$0x3FB0]  }
0x2c: {  	s7 =	sld [smem:$0x3FB1]  }
0x2d: {  	s3 =	simm.s32 $0x108;
	s8 =	sld [smem:$0x3FB2]  }
0x2e: {  	s3 =	simm.s32 @!p0 $0x1082;
	s9 =	sld [smem:$0x3FB3]  }
0x2f: {  	lr =	sadd.s32 s0, s3;
	s0 =	sld [smem:$0x3FAA]  }
0x30: {  	s3 =	sld [smem:$0x3FAD]  }
0x31: {  	[smem:$0x3FB6] =	sst s10  }
0x32: {  	s10 =	sld [smem:$0x3FB4];
	_ =	sdelay $0x3  }
0x33: {  	p0 =	seq.s32 s10, $0x1;
	s10 =	sld [smem:$0x3FB6];
	_ =	sdelay $0x3  }
0x34: {  	[smem:$0x3FB6] =	sst s10  }
0x35: {  	s10 =	sld [smem:$0x3FB5];
	_ =	sdelay $0x3  }
0x36: {  	p1 =	seq.s32 s10, $0x1;
	s10 =	sld [smem:$0x3FB6];
	_ =	sdelay $0x3  }
0x37: {  	[smem:$0x3FB6] =	sst s10  }
0x38: {  	s10 =	sld [smem:$0x3FB7]  }
0x39: {  	_ = 	snop;
	(pc) =	sbr.ind lr, $3  }
0x3a: {  	_ = 	snop  }
0x3b: {  	_ = 	snop  }
0x3c: {  	p2 =	seq.s32 s10, $0x1;
	s10 =	sld [smem:$0x3FB6]  }
0x3d: {  	_ =	shalt  }
0x3e: {  	_ =	shalt  }
0x3f: {  	_ =	shalt  }
0x40: {  	_ =	shalt  }
0x41: {  	_ =	shalt  }
0x42: {  	_ =	shalt  }
0x43: {  	_ =	shalt  }
0x44: {  	_ =	shalt  }
0x45: {  	_ =	shalt  }
0x46: {  	_ =	shalt  }
0x47: {  	_ =	shalt  }
0x48: {  	_ =	shalt  }
0x49: {  	_ =	shalt  }
0x4a: {  	_ =	shalt  }
0x4b: {  	_ =	shalt  }
0x4c: {  	_ =	shalt  }
0x4d: {  	_ =	shalt  }
0x4e: {  	_ =	shalt  }
0x4f: {  	_ =	shalt  }
0x50: {  	_ =	shalt  }
0x51: {  	_ =	shalt  }
0x52: {  	_ =	shalt  }
0x53: {  	_ =	shalt  }
0x54: {  	_ =	shalt  }
0x55: {  	_ =	shalt  }
0x56: {  	_ =	shalt  }
0x57: {  	_ =	shalt  }
0x58: {  	_ =	shalt  }
0x59: {  	_ =	shalt  }
0x5a: {  	_ =	shalt  }
0x5b: {  	_ =	shalt  }
0x5c: {  	_ =	shalt  }
0x5d: {  	_ =	shalt  }
0x5e: {  	_ =	shalt  }
0x5f: {  	_ =	shalt  }
0x60: {  	_ =	shalt  }
0x61: {  	_ =	shalt  }
0x62: {  	_ =	shalt  }
0x63: {  	_ =	shalt  }
0x64: {  	_ =	shalt  }
0x65: {  	_ =	shalt  }
0x66: {  	_ =	shalt  }
0x67: {  	_ =	shalt  }
0x68: {  	_ =	shalt  }
0x69: {  	_ =	shalt  }
0x6a: {  	_ =	shalt  }
0x6b: {  	_ =	shalt  }
0x6c: {  	_ =	shalt  }
0x6d: {  	_ =	shalt  }
0x6e: {  	_ =	shalt  }
0x6f: {  	_ =	shalt  }
0x70: {  	_ =	shalt  }
0x71: {  	_ =	shalt  }
0x72: {  	_ =	shalt  }
0x73: {  	_ =	shalt  }
0x74: {  	_ =	shalt  }
0x75: {  	_ =	shalt  }
0x76: {  	_ =	shalt  }
0x77: {  	_ =	shalt  }
0x78: {  	_ =	shalt  }
0x79: {  	_ =	shalt  }
0x7a: {  	_ =	shalt  }
0x7b: {  	_ =	shalt  }
0x7c: {  	_ =	shalt  }
0x7d: {  	_ =	shalt  }
0x7e: {  	_ =	shalt  }
0x7f: {  	_ =	shalt  }
0x80: {  	_ =	shalt  }
0x81: {  	_ =	shalt  }
0x82: {  	_ =	shalt  }
0x83: {  	_ =	shalt  }
0x84: {  	_ =	shalt  }
0x85: {  	_ =	shalt  }
0x86: {  	_ =	shalt  }
0x87: {  	_ =	shalt  }
.Lfunc_end0:
.L_simem_size_0:
called_computation.1_lowered:
.L_overlay_start_0:
0x88: {  	s2 =	sld [smem:$0x3FD9]  }
0x89: {  	s3 =	sld [smem:$0x3FFE];
	_ =	sdelay $0x1  }
0x8a: {  	s1 =	srdreg.scid  }
0x8b: {  	s0 =	sand.u32 $0x1, s1  }
0x8c: {  	s17 =	sshll.u32 s0, $0xA;
	s2 =	sadd.s32 s3, s2  }
0x8d: {  	s2 =	sadd.s32 s2, s17  }
0x8e: {  	[smem:$0x3FC2] =	sst s2  }
0x8f: {  	_ = 	snop  }
0x90: {  	s2 =	sld [smem:$0x3FD0];
	(tm) =	ssettm $0x1  }
0x91: {  	s18 =	sld [smem:$0x3FFB];
	_ =	sdelay $0x3  }
0x92: {  	_ =	strace s18  }
0x93: {  	s3 =	sld [smem:$0x3FFC];
	_ =	sdelay $0x3  }
0x94: {  	_ =	strace s3  }
0x95: {  	s3 =	sld [smem:$0x3FFD];
	_ =	sdelay $0x3  }
0x96: {  	_ =	strace s3  }
0x97: {  	_ =	strace $0x8FFFFFFF  }
0x98: {  	s19 =	sld [smem:$0x3FDB];
	_ =	sdelay $0x1  }
0x99: {  	s4 =	simm.s32 $_scs_section_size  }
0x9a: {  	s5 =	simm.s32 $_size__tile_overlayer_lowered;
	s6 =	simm.s32 $_tile_overlayer_lowered  }
0x9b: {  	s22 =	simm.s32 $0x1BFF;
	s21 =	sshll.u32 s6, $0x1;
	s3 =	sadd.s32 s4, s19  }
0x9c: {  	s7 =	simm.s32 $0x0;
	s20 =	sshll.u32 s5, $0x1;
	s5 =	sadd.s32 s21, s3  }
0x9d: {  	[timem:s7], [sflag:s22] =	dma.local [hbm:s5], s20  }
0x9e: {  	_ =	swait.ge [sflag:s22], s20  }
0x9f: {  	s4 =	ssub.s32 $0x0, s20;
	[sflag:s22] =	ssyncset.done $0x0  }
0xa0: {  	[sflag:s22] =	ssyncadd.s32 s4;
	_ =	sdelay $0x1  }
0xa1: {  	s23 =	simm.s32 $0x1B8B  }
0xa2: {  	_ =	swait.ge [sflag:s23], $0x1  }
0xa3: {  	[sflag:s23] =	ssyncset.done $0x0  }
0xa4: {  	s25 =	simm.s32 $0x1B8E;
	s24 =	sld [smem:$0x3FFE];
	[sflag:s23] =	ssyncadd.s32 $0xFFFFFFFF  }
0xa5: {  	s26 =	simm.s32 $execute0_lowered;
	[smem:$0x3FD2] =	sst s25  }
0xa6: {  	s5 =	sshll.u32 s26, $0x1;
	_ =	strace $0x80000049;
	[dreg:$0x1] =	wrdreg $0xFFFFFFFF  }
0xa7: {  	s28 =	simm.s32 $_size_execute0_lowered;
	s3 =	sadd.s32 s3, s5;
	[dreg:$0x0] =	wrdreg $0x0  }
0xa8: {  	s5 =	sshll.u32 s28, $0x1;
	[dreg:$0x2] =	wrdreg s3  }
0xa9: {  	[dreg:$0x3] =	wrdreg s5  }
0xaa: {  	[dreg:$0x4] =	wrdreg $0xC0  }
0xab: {  	_ =	task [dreg:s7], $0x5FFFF  }
0xac: {  	[dreg:$0x1] =	wrdreg $0xFFFFFFFF  }
0xad: {  	[dreg:$0x0] =	wrdreg $0x60  }
0xae: {  	[dreg:$0x2] =	wrdreg s24  }
0xaf: {  	[dreg:$0x3] =	wrdreg s2  }
0xb0: {  	[dreg:$0x4] =	wrdreg $0xA8000  }
0xb1: {  	[dreg:$0x5] =	wrdreg $0x9  }
0xb2: {  	_ =	task.clear_ibuf [dreg:s7], $0x6FFFF;
	_ =	strace $0x90000049  }
0xb3: {  	s29 =	simm.s32 $0x9;
	_ =	strace $0x8000004B  }
0xb4: {  	_ =	swait.ge [sflag:s29], $0x1  }
0xb5: {  	[sflag:s29] =	ssyncadd.s32 $0xFFFFFFFF  }
0xb6: {  	_ =	strace $0x9000004B  }
0xb7: {  	_ =	sfence  }
0xb8: {  	s30 =	sld [smem:$0x0];
	_ =	sdelay $0x2  }
0xb9: {  	s31 =	sshll.u32 s1, $0xD;
	s1 =	sshrl.u32 s1, $0x2  }
0xba: {  	s3 =	sand.u32 $0x4000, s31;
	s1 =	sadd.s32 s1, s30  }
0xbb: {  	s0 =	sor.u32 s3, s0;
	s1 =	sshll.u32 s1, $0x11  }
0xbc: {  	s0 =	sor.u32 s1, s0  }
0xbd: {  	s0 =	sadd.s32 $0x8F2B, s0  }
0xbe: {  	[sflag:s0] =	ssyncadd.remote.s32 $0x1  }
0xbf: {  	_ =	sfence.sel $0xFFFF  }
0xc0: {  	[dreg:$0x0] =	wrdreg $0xFFFFFFFF;
	(pc) =	sbr.abs _section_cstart, $3  }
0xc1: {  	[dreg:$0x1] =	wrdreg $0xFFFFFFFF  }
0xc2: {  	_ =	task.clear_ibuf [dreg:s7], $0x2FFFF;
	_ =	strace $0x9FFFFFFF  }
0xc3: {  	(tm) =	ssettm $0x7FFFFFFF  }
tec
execute0_lowered:
.L_overlay_start_1:
0x0: {  	(tag) =	ssettag $0x1  }
0x1: {  	s6 =	rddreg [dreg:$0x0]  }
0x2: {  	s2 =	rddreg [dreg:$0x1]  }
0x3: {  	s3 =	rddreg [dreg:$0x2]  }
0x4: {  	s0 =	rddreg [dreg:$0x3];
	s5 =	srdreg.scid  }
0x5: {  	s1 =	stileid.u32;
	s4 =	simm.s32 $0x0;
	s16 =	simm.s32 $0x80  }
0x6: {  	s17 =	simm.s32 $0x2800;
	s18 =	simm.s32 $0x6800;
	s19 =	simm.s32 $0x1  }
0x7: {  	s20 =	simm.s32 $0x2;
	s21 =	simm.s32 $0x1380;
	s22 =	simm.s32 $0x2700  }
0x8: {  	s23 =	simm.s32 $0x2780;
	s24 =	simm.s32 $0x0;
	s8 =	smul.u32 $0x13C00, s1  }
0x9: {  	s7 =	sand.u32 $0x1, s5;
	[smem:$0x7FF] =	sst s4;
	s12 =	smul.u32 $0x2800, s1  }
0xa: {  	s5 =	sadd.s32 $0x6A600, s6;
	s11 =	sadd.s32 $0x11600, s6;
	s9 =	smul.u32 $0x13C000, s7  }
0xb: {  	s13 =	sadd.s32 $0x7600, s6;
	s10 =	smul.u32 $0x28000, s7;
	s7 =	ssub.s32 $0x2, s7  }
0xc: {  	s30 =	sshll.u32 s1, $0x6;
	_ =	strace $0x8000004A;
	s26 =	sshrl.u32 s7, $0x1  }
0xd: {  	s15 =	sadd.s32 s8, s3;
	s9 =	sadd.s32 s8, s9;
	s29 =	ssub.s32 s7, s26  }
0xe: {  	s28 =	sadd.s32 s12, s10;
	s9 =	sshrl.u32 s9, $0x3;
	s12 =	smax.u32 s29, $0x1  }
0xf: {  	s14 =	sadd.s32 s9, s6;
	s9 =	sshrl.u32 s28, $0x3;
	s6 =	sor.u32 $0x1C03, s30  }
0x10: {  	s31 =	sadd.s32 $0x280, s9;
	s7 =	sadd.s32 s11, s9;
	s8 =	sadd.s32 s13, s9  }
0x11: {  	s9 =	sadd.s32 s11, s31;
	s10 =	sadd.s32 s13, s31;
	s11 =	sadd.s32 $0xB8800, s14  }
0x12: {  	s13 =	sshrl.u32 s15, $0x3;
	s14 =	simm.s32 $0x3;
	s15 =	simm.s32 $0x1400  }
.LBB2_1:
0x13: {  	[spmem:s13], [sflag:s6] =	dma.local [hbm:s2], $0x2780  }
0x14: {  	_ =	swait.ge [sflag:s14], $0x2780  }
0x15: {  	[sflag:s14] =	ssyncset.done $0x0  }
0x16: {  	[sflag:s14] =	ssyncadd.s32 $0xFFFFD880  }
0x17: {  	[bflag:$0x0] =	sbarrier.arrive $0xFFFF  }
0x18: {  	[tilespmem:s4], [sflag:$0x3] =	stream.linear.gather [hbm4b:s7+s4], $0x1400, $0x38;
	[tilespmem:$0x1E400] =	vst v63  }
0x19: {  	_ =	swait.ge [sflag:s14], $0x1400  }
0x1a: {  	[sflag:s14] =	ssyncset.done $0x0  }
0x1b: {  	[sflag:s14] =	ssyncadd.s32 $0xFFFFEC00  }
0x1c: {  	[tilespmem:s15], [sflag:$0x3] =	stream.linear.gather [hbm4b:s8+s4], $0x1400, $0x38;
	[tilespmem:$0x1E400] =	vst v63  }
0x1d: {  	_ =	swait.ge [sflag:s14], $0x1400  }
0x1e: {  	[sflag:s14] =	ssyncset.done $0x0  }
0x1f: {  	[sflag:s14] =	ssyncadd.s32 $0xFFFFEC00  }
0x20: {  	[tilespmem:s17], [sflag:$0x1] =	stream.indirect.gather [hbm4b:s5+s16], $0x80, s4, s16, $0xb8;
	[tilespmem:$0x1E400] =	vst v63  }
0x21: {  	s25 =	simm.s32 $0x80  }
0x22: {  	[tilespmem:s18], [sflag:$0x2] =	stream.indirect.gather [hbm4b:s5+s16], $0x80, s25, s16, $0xb8;
	[tilespmem:$0x1E400] =	vst v63  }
0x23: {  	_ =	swait.ge [sflag:s19], $0x4000  }
0x24: {  	[sflag:s19] =	ssyncset.done $0x0  }
0x25: {  	s29 =	simm.s32 $0x1400;
	[sflag:s19] =	ssyncadd.s32 $0xFFFFC000  }
0x26: {  	[spmem:s3] =	stream.indirect.scatter.add.f32 [tilespmem:s17], [sflag:$0x3], $0x80, s29, s16, $0xb8;
	[tilespmem:$0x1E400] =	vst v63  }
0x27: {  	_ =	swait.ge [sflag:s14], $0x4000  }
0x28: {  	[sflag:s14] =	ssyncset.done $0x0  }
0x29: {  	s30 =	simm.s32 $0x100;
	[sflag:s14] =	ssyncadd.s32 $0xFFFFC000  }
0x2a: {  	[tilespmem:s17], [sflag:$0x1] =	stream.indirect.gather [hbm4b:s5+s16], $0x80, s30, s16, $0xb8;
	[tilespmem:$0x1E400] =	vst v63  }
0x2b: {  	_ =	swait.ge [sflag:s20], $0x4000  }
0x2c: {  	[sflag:s20] =	ssyncset.done $0x0  }
0x2d: {  	s31 =	simm.s32 $0x1480;
	[sflag:s20] =	ssyncadd.s32 $0xFFFFC000  }
0x2e: {  	[spmem:s3] =	stream.indirect.scatter.add.f32 [tilespmem:s18], [sflag:$0x3], $0x80, s31, s16, $0xb8;
	[tilespmem:$0x1E400] =	vst v63  }
0x2f: {  	_ =	swait.ge [sflag:s14], $0x4000  }
0x30: {  	s26 =	simm.s32 $0x800;
	s25 =	simm.s32 $0x100;
	[sflag:s14] =	ssyncset.done $0x0  }
.LBB2_2:
0x31: {  	s28 =	sadd.s32 $0x80, s25  }
0x32: {  	[sflag:s14] =	ssyncadd.s32 $0xFFFFC000;
	s29 =	smov.u32 s26;
	s30 =	sadd.s32 $0x400, s26  }
0x33: {  	[tilespmem:s18], [sflag:$0x2] =	stream.indirect.gather [hbm4b:s5+s16], $0x80, s28, s16, $0xb8;
	[tilespmem:$0x1E400] =	vst v63  }
0x34: {  	p0 =	sne.s32 s26, $0x4800;
	_ =	swait.ge [sflag:s19], $0x4000  }
0x35: {  	[sflag:s19] =	ssyncset.done $0x0  }
0x36: {  	s26 =	sadd.s32 $0x1400, s25;
	[sflag:s19] =	ssyncadd.s32 $0xFFFFC000  }
0x37: {  	[spmem:s3] =	stream.indirect.scatter.add.f32 [tilespmem:s17], [sflag:$0x3], $0x80, s26, s16, $0xb8;
	[tilespmem:$0x1E400] =	vst v63  }
0x38: {  	_ =	swait.ge [sflag:s14], $0x4000  }
0x39: {  	[sflag:s14] =	ssyncset.done $0x0  }
0x3a: {  	s26 =	sadd.s32 $0x100, s25;
	[sflag:s14] =	ssyncadd.s32 $0xFFFFC000  }
0x3b: {  	[tilespmem:s17], [sflag:$0x1] =	stream.indirect.gather [hbm4b:s5+s16], $0x80, s26, s16, $0xb8;
	[tilespmem:$0x1E400] =	vst v63  }
0x3c: {  	_ =	swait.ge [sflag:s20], $0x4000  }
.Ltmp0:
0x3d: {  	[sflag:s20] =	ssyncset.done $0x0;
	(pc) =	sbr.rel @p0 .LBB2_2-.Ltmp0, $4  }
0x3e: {  	s25 =	sadd.s32 $0x1480, s25;
	[sflag:s20] =	ssyncadd.s32 $0xFFFFC000  }
0x3f: {  	[spmem:s3] =	stream.indirect.scatter.add.f32 [tilespmem:s18], [sflag:$0x3], $0x80, s25, s16, $0xb8;
	[tilespmem:$0x1E400] =	vst v63  }
0x40: {  	_ =	swait.ge [sflag:s14], $0x4000  }
0x41: {  	s26 =	smov.u32 s30;
	s25 =	sshra.s32 s29, $0x2;
	[sflag:s14] =	ssyncset.done $0x0  }
0x42: {  	s26 =	sadd.s32 $0x80, s25;
	[sflag:s14] =	ssyncadd.s32 $0xFFFFC000  }
0x43: {  	[tilespmem:s18], [sflag:$0x2] =	stream.indirect.gather [hbm4b:s5+s16], $0x80, s26, s16, $0xb8;
	[tilespmem:$0x1E400] =	vst v63  }
0x44: {  	_ =	swait.ge [sflag:s19], $0x4000  }
0x45: {  	[sflag:s19] =	ssyncset.done $0x0  }
0x46: {  	s29 =	sadd.s32 $0x1400, s25;
	[sflag:s19] =	ssyncadd.s32 $0xFFFFC000  }
0x47: {  	[spmem:s3] =	stream.indirect.scatter.add.f32 [tilespmem:s17], [sflag:$0x3], $0x80, s29, s16, $0xb8;
	[tilespmem:$0x1E400] =	vst v63  }
0x48: {  	_ =	swait.ge [sflag:s14], $0x4000  }
0x49: {  	[sflag:s14] =	ssyncset.done $0x0  }
0x4a: {  	s30 =	sadd.s32 $0x100, s25;
	[sflag:s14] =	ssyncadd.s32 $0xFFFFC000  }
0x4b: {  	[tilespmem:s17], [sflag:$0x1] =	stream.indirect.gather [hbm4b:s5+s16], $0x80, s30, s16, $0xb8;
	[tilespmem:$0x1E400] =	vst v63  }
0x4c: {  	_ =	swait.ge [sflag:s20], $0x4000  }
0x4d: {  	[sflag:s20] =	ssyncset.done $0x0  }
0x4e: {  	s31 =	sadd.s32 $0x1480, s25;
	[sflag:s20] =	ssyncadd.s32 $0xFFFFC000  }
0x4f: {  	[spmem:s3] =	stream.indirect.scatter.add.f32 [tilespmem:s18], [sflag:$0x3], $0x80, s31, s16, $0xb8;
	[tilespmem:$0x1E400] =	vst v63  }
0x50: {  	_ =	swait.ge [sflag:s14], $0x4000  }
0x51: {  	[sflag:s14] =	ssyncset.done $0x0  }
0x52: {  	[sflag:s14] =	ssyncadd.s32 $0xFFFFC000  }
0x53: {  	[tilespmem:s18], [sflag:$0x2] =	stream.indirect.gather [hbm4b:s5+s16], $0x80, s21, s16, $0xb8;
	[tilespmem:$0x1E400] =	vst v63  }
0x54: {  	_ =	swait.ge [sflag:s19], $0x4000  }
0x55: {  	[sflag:s19] =	ssyncset.done $0x0  }
0x56: {  	[sflag:s19] =	ssyncadd.s32 $0xFFFFC000  }
0x57: {  	[spmem:s3] =	stream.indirect.scatter.add.f32 [tilespmem:s17], [sflag:$0x3], $0x80, s22, s16, $0xb8;
	[tilespmem:$0x1E400] =	vst v63  }
0x58: {  	_ =	swait.ge [sflag:s14], $0x4000  }
0x59: {  	[sflag:s14] =	ssyncset.done $0x0  }
0x5a: {  	[sflag:s14] =	ssyncadd.s32 $0xFFFFC000  }
0x5b: {  	_ =	swait.ge [sflag:s20], $0x4000  }
0x5c: {  	[sflag:s20] =	ssyncset.done $0x0  }
0x5d: {  	[sflag:s20] =	ssyncadd.s32 $0xFFFFC000  }
0x5e: {  	[spmem:s3] =	stream.indirect.scatter.add.f32 [tilespmem:s18], [sflag:$0x3], $0x80, s23, s16, $0xb8;
	[tilespmem:$0x1E400] =	vst v63  }
0x5f: {  	_ =	swait.ge [sflag:s14], $0x4000  }
0x60: {  	[sflag:s14] =	ssyncset.done $0x0  }
0x61: {  	s26 =	simm.s32 $0x0;
	[sflag:s14] =	ssyncadd.s32 $0xFFFFC000  }
0x62: {  	[tilespmem:s26], [sflag:$0x3] =	stream.linear.gather [hbm4b:s9+s26], $0x1400, $0x38;
	[tilespmem:$0x1E400] =	vst v63  }
0x63: {  	_ =	swait.ge [sflag:s14], $0x1400  }
0x64: {  	[sflag:s14] =	ssyncset.done $0x0  }
0x65: {  	[sflag:s14] =	ssyncadd.s32 $0xFFFFEC00  }
0x66: {  	[tilespmem:s15], [sflag:$0x3] =	stream.linear.gather [hbm4b:s10+s26], $0x1400, $0x38;
	[tilespmem:$0x1E400] =	vst v63  }
0x67: {  	_ =	swait.ge [sflag:s14], $0x1400  }
0x68: {  	[sflag:s14] =	ssyncset.done $0x0  }
0x69: {  	[sflag:s14] =	ssyncadd.s32 $0xFFFFEC00  }
0x6a: {  	[tilespmem:s17], [sflag:$0x1] =	stream.indirect.gather [hbm4b:s5+s16], $0x80, s26, s16, $0xb8;
	[tilespmem:$0x1E400] =	vst v63  }
0x6b: {  	s28 =	simm.s32 $0x80  }
0x6c: {  	[tilespmem:s18], [sflag:$0x2] =	stream.indirect.gather [hbm4b:s5+s16], $0x80, s28, s16, $0xb8;
	[tilespmem:$0x1E400] =	vst v63  }
0x6d: {  	_ =	swait.ge [sflag:s19], $0x4000  }
0x6e: {  	[sflag:s19] =	ssyncset.done $0x0  }
0x6f: {  	s29 =	simm.s32 $0x1400;
	[sflag:s19] =	ssyncadd.s32 $0xFFFFC000  }
0x70: {  	[spmem:s3] =	stream.indirect.scatter.add.f32 [tilespmem:s17], [sflag:$0x3], $0x80, s29, s16, $0xb8;
	[tilespmem:$0x1E400] =	vst v63  }
0x71: {  	_ =	swait.ge [sflag:s14], $0x4000  }
0x72: {  	[sflag:s14] =	ssyncset.done $0x0  }
0x73: {  	s30 =	simm.s32 $0x100;
	[sflag:s14] =	ssyncadd.s32 $0xFFFFC000  }
0x74: {  	[tilespmem:s17], [sflag:$0x1] =	stream.indirect.gather [hbm4b:s5+s16], $0x80, s30, s16, $0xb8;
	[tilespmem:$0x1E400] =	vst v63  }
0x75: {  	_ =	swait.ge [sflag:s20], $0x4000  }
0x76: {  	[sflag:s20] =	ssyncset.done $0x0  }
0x77: {  	s31 =	simm.s32 $0x1480;
	[sflag:s20] =	ssyncadd.s32 $0xFFFFC000  }
0x78: {  	[spmem:s3] =	stream.indirect.scatter.add.f32 [tilespmem:s18], [sflag:$0x3], $0x80, s31, s16, $0xb8;
	[tilespmem:$0x1E400] =	vst v63  }
0x79: {  	_ =	swait.ge [sflag:s14], $0x4000  }
0x7a: {  	s25 =	simm.s32 $0x100;
	s26 =	simm.s32 $0x800;
	[sflag:s14] =	ssyncset.done $0x0  }
.LBB2_4:
0x7b: {  	s28 =	sadd.s32 $0x80, s25  }
0x7c: {  	[sflag:s14] =	ssyncadd.s32 $0xFFFFC000;
	s29 =	smov.u32 s26;
	s30 =	sadd.s32 $0x400, s26  }
0x7d: {  	[tilespmem:s18], [sflag:$0x2] =	stream.indirect.gather [hbm4b:s5+s16], $0x80, s28, s16, $0xb8;
	[tilespmem:$0x1E400] =	vst v63  }
0x7e: {  	p0 =	sne.s32 s26, $0x4800;
	_ =	swait.ge [sflag:s19], $0x4000  }
0x7f: {  	[sflag:s19] =	ssyncset.done $0x0  }
0x80: {  	s26 =	sadd.s32 $0x1400, s25;
	[sflag:s19] =	ssyncadd.s32 $0xFFFFC000  }
0x81: {  	[spmem:s3] =	stream.indirect.scatter.add.f32 [tilespmem:s17], [sflag:$0x3], $0x80, s26, s16, $0xb8;
	[tilespmem:$0x1E400] =	vst v63  }
0x82: {  	_ =	swait.ge [sflag:s14], $0x4000  }
0x83: {  	[sflag:s14] =	ssyncset.done $0x0  }
0x84: {  	s26 =	sadd.s32 $0x100, s25;
	[sflag:s14] =	ssyncadd.s32 $0xFFFFC000  }
0x85: {  	[tilespmem:s17], [sflag:$0x1] =	stream.indirect.gather [hbm4b:s5+s16], $0x80, s26, s16, $0xb8;
	[tilespmem:$0x1E400] =	vst v63  }
0x86: {  	_ =	swait.ge [sflag:s20], $0x4000  }
.Ltmp1:
0x87: {  	[sflag:s20] =	ssyncset.done $0x0;
	(pc) =	sbr.rel @p0 .LBB2_4-.Ltmp1, $4  }
0x88: {  	s25 =	sadd.s32 $0x1480, s25;
	[sflag:s20] =	ssyncadd.s32 $0xFFFFC000  }
0x89: {  	[spmem:s3] =	stream.indirect.scatter.add.f32 [tilespmem:s18], [sflag:$0x3], $0x80, s25, s16, $0xb8;
	[tilespmem:$0x1E400] =	vst v63  }
0x8a: {  	_ =	swait.ge [sflag:s14], $0x4000  }
0x8b: {  	s26 =	smov.u32 s30;
	s25 =	sshra.s32 s29, $0x2;
	[sflag:s14] =	ssyncset.done $0x0  }
0x8c: {  	s26 =	sadd.s32 $0x80, s25;
	[sflag:s14] =	ssyncadd.s32 $0xFFFFC000  }
0x8d: {  	[tilespmem:s18], [sflag:$0x2] =	stream.indirect.gather [hbm4b:s5+s16], $0x80, s26, s16, $0xb8;
	[tilespmem:$0x1E400] =	vst v63  }
0x8e: {  	_ =	swait.ge [sflag:s19], $0x4000  }
0x8f: {  	[sflag:s19] =	ssyncset.done $0x0  }
0x90: {  	s29 =	sadd.s32 $0x1400, s25;
	[sflag:s19] =	ssyncadd.s32 $0xFFFFC000  }
0x91: {  	[spmem:s3] =	stream.indirect.scatter.add.f32 [tilespmem:s17], [sflag:$0x3], $0x80, s29, s16, $0xb8;
	[tilespmem:$0x1E400] =	vst v63  }
0x92: {  	_ =	swait.ge [sflag:s14], $0x4000  }
0x93: {  	[sflag:s14] =	ssyncset.done $0x0  }
0x94: {  	s30 =	sadd.s32 $0x100, s25;
	[sflag:s14] =	ssyncadd.s32 $0xFFFFC000  }
0x95: {  	[tilespmem:s17], [sflag:$0x1] =	stream.indirect.gather [hbm4b:s5+s16], $0x80, s30, s16, $0xb8;
	[tilespmem:$0x1E400] =	vst v63  }
0x96: {  	_ =	swait.ge [sflag:s20], $0x4000  }
0x97: {  	[sflag:s20] =	ssyncset.done $0x0  }
0x98: {  	s31 =	sadd.s32 $0x1480, s25;
	[sflag:s20] =	ssyncadd.s32 $0xFFFFC000  }
0x99: {  	[spmem:s3] =	stream.indirect.scatter.add.f32 [tilespmem:s18], [sflag:$0x3], $0x80, s31, s16, $0xb8;
	[tilespmem:$0x1E400] =	vst v63  }
0x9a: {  	_ =	swait.ge [sflag:s14], $0x4000  }
0x9b: {  	[sflag:s14] =	ssyncset.done $0x0  }
0x9c: {  	[sflag:s14] =	ssyncadd.s32 $0xFFFFC000  }
0x9d: {  	[tilespmem:s18], [sflag:$0x2] =	stream.indirect.gather [hbm4b:s5+s16], $0x80, s21, s16, $0xb8;
	[tilespmem:$0x1E400] =	vst v63  }
0x9e: {  	_ =	swait.ge [sflag:s19], $0x4000  }
0x9f: {  	[sflag:s19] =	ssyncset.done $0x0  }
0xa0: {  	[sflag:s19] =	ssyncadd.s32 $0xFFFFC000  }
0xa1: {  	[spmem:s3] =	stream.indirect.scatter.add.f32 [tilespmem:s17], [sflag:$0x3], $0x80, s22, s16, $0xb8;
	[tilespmem:$0x1E400] =	vst v63  }
0xa2: {  	_ =	swait.ge [sflag:s14], $0x4000  }
0xa3: {  	[sflag:s14] =	ssyncset.done $0x0  }
0xa4: {  	[sflag:s14] =	ssyncadd.s32 $0xFFFFC000  }
0xa5: {  	_ =	swait.ge [sflag:s20], $0x4000  }
0xa6: {  	[sflag:s20] =	ssyncset.done $0x0  }
0xa7: {  	[sflag:s20] =	ssyncadd.s32 $0xFFFFC000  }
0xa8: {  	[spmem:s3] =	stream.indirect.scatter.add.f32 [tilespmem:s18], [sflag:$0x3], $0x80, s23, s16, $0xb8;
	[tilespmem:$0x1E400] =	vst v63  }
0xa9: {  	_ =	swait.ge [sflag:s14], $0x4000  }
0xaa: {  	s24 =	sadd.s32 $0x1, s24;
	[sflag:s14] =	ssyncset.done $0x0  }
0xab: {  	p0 =	sne.s32 s24, s12;
	[sflag:s14] =	ssyncadd.s32 $0xFFFFC000  }
.Ltmp2:
0xac: {  	[bflag:$0x0] =	sbarrier.arrive $0xFFFF;
	(pc) =	sbr.rel @p0 .LBB2_1-.Ltmp2, $4  }
0xad: {  	[hbm:s11], [sflag:s6] =	dma.local [spmem:s13], $0x2780  }
0xae: {  	_ =	swait.ge [sflag:s14], $0x2780  }
0xaf: {  	[sflag:s14] =	ssyncset.done $0x0  }
0xb0: {  	[sflag:s14] =	ssyncadd.s32 $0xFFFFD880  }
0xb1: {  	_ =	sfence.sel $0x180000  }
0xb2: {  	[bflag:$0x0] =	sbarrier.arrive $0xFFFF  }
0xb3: {  	p0 =	sne.s32 s1, $0x0;
	_ =	strace $0x9000004A  }
0xb4: {  	s0 =	sadd.s32 @!p0 $0x100000, s0;
	[bflag:$0x2] =	sbarrier.arrive $0xFFFF  }
0xb5: {  	[sflag:s0] =	ssyncadd.tile.s32 @!p0 $0x1;
	_ =	shalt  }
.Lfunc_end2:
_tile_overlayer_lowered:
.L_overlay_start_2:
0xb6: {  	(tag) =	ssettag $0x2  }
0xb7: {  	s0 =	rddreg [dreg:$0x0];
	s2 =	stileid.u32  }
0xb8: {  	s1 =	rddreg [dreg:$0x1];
	p0 =	sne.s32 s2, $0x0  }
0xb9: {  	s3 =	rddreg [dreg:$0x2];
	[bflag:$0x3] =	sbarrier.arrive $0xFFFF;
	s2 =	simm.s32 @!p0 $0x1C03  }
0xba: {  	[timem:s3], [sflag:s2] =	dma.local @!p0 [hbm:s0], s1  }
0xbb: {  	s0 =	simm.s32 @!p0 $0x3  }
0xbc: {  	_ =	swait.ge @!p0 [sflag:s0], s1  }
0xbd: {  	s1 =	ssub.s32 @!p0 $0x0, s1;
	[sflag:s0] =	ssyncset.done @!p0 $0x0  }
0xbe: {  	[sflag:s0] =	ssyncadd.s32 @!p0 s1  }
0xbf: {  	[bflag:$0x3] =	sbarrier.arrive $0xFFFF  }
0xc0: {  	_ =	shalt  }

// kernel: kernel.14.cloned.1.call-start
scs
__scs_entry_jumppad:
0x0: {  	(pc) =	sbr.rel $0x88, $3  }
0x1: {  	(tag) =	ssettag $0x0;
	lr =	simm.s32 $0x1  }
0x2: {  	[smem:$0x3F9B] =	sst lr;
	_ =	strace $0xD0000000  }
0x3: {  	_ = 	snop  }
0x4: {  	_ = 	snop  }
0x5: {  	_ = 	snop  }
0x6: {  	_ = 	snop  }
0x7: {  	_ = 	snop  }
__scs_overlays_trampoline_lowered:
0x8: {  	[smem:$0x3FAA] =	sst s0  }
0x9: {  	[smem:$0x3FAB] =	sst s1  }
0xa: {  	[smem:$0x3FAC] =	sst s2  }
0xb: {  	[smem:$0x3FAD] =	sst s3  }
0xc: {  	[smem:$0x3FAE] =	sst s4  }
0xd: {  	[smem:$0x3FAF] =	sst s5  }
0xe: {  	[smem:$0x3FB0] =	sst s6  }
0xf: {  	[smem:$0x3FB1] =	sst s7  }
0x10: {  	[smem:$0x3FB2] =	sst s8  }
0x11: {  	[smem:$0x3FB3] =	sst s9;
	s0 =	simm.s32 @!p0 $0x0  }
0x12: {  	s1 =	sld [smem:$0x3F99];
	s0 =	simm.s32 @p0 $0x1  }
0x13: {  	[smem:$0x3FB4] =	sst s0;
	s0 =	simm.s32 @!p1 $0x0  }
0x14: {  	s2 =	sld [smem:$0x3F98];
	s0 =	simm.s32 @p1 $0x1  }
0x15: {  	[smem:$0x3FB5] =	sst s0;
	s0 =	simm.s32 @!p2 $0x0  }
0x16: {  	s3 =	sld [smem:$0x3FDB];
	s0 =	simm.s32 @p2 $0x1  }
0x17: {  	s4 =	simm.s32 $0x1BF5;
	[smem:$0x3FB7] =	sst s0  }
0x18: {  	s0 =	sld [smem:$0x3F9A];
	_ =	swait.ge [sflag:s4], $0x0  }
0x19: {  	s7 =	sld [smem:$0x3F9B]  }
0x1a: {  	s8 =	sadd.s32 $0xFFFFE003, lr  }
0x1b: {  	s9 =	sadd.s32 $0xFFFFFEF7, lr;
	s5 =	simm.s32 $0xFFFFFFFF;
	p2 =	slt.u32 s8, $0xFFFFF086  }
0x1c: {  	p1 =	slt.u32 s9, $0xF7A;
	s5 =	simm.s32 @!p2 $0x0  }
0x1d: {  	s5 =	simm.s32 @p1 $0x1;
	p0 =	seq.s32 s7, s2  }
0x1e: {  	s7 =	smul.u32 @!p0 $0xF7A, s2;
	p2 =	seq.s32 @!p0 s5, $0x0  }
0x1f: {  	s9 =	smul.u32 $0xF7A, s1;
	s8 =	simm.s32 @!p0 $0x1BF5;
	p2 =	por !p2, p0  }
0x20: {  	[sflag:s8] =	ssyncset.s32 @!p0 $0xFFFFF086;
	s6 =	sadd.s32 @!p0 s3, s7;
	s7 =	simm.s32 @!p0 $0x108  }
0x21: {  	s3 =	sadd.s32 s3, s9;
	s6 =	sadd.s32 @!p0 $0x88, s6;
	s7 =	simm.s32 @p2 $0x1082  }
0x22: {  	[simem:s7], [sflag:s8] =	dma.local @!p0 [hbm:s6], $0xF7A  }
0x23: {  	s9 =	sor.u32 $0xD0000000, s2;
	s6 =	simm.s32 $0x108;
	_ =	swait.ge @!p0 [sflag:s8], $0x0  }
0x24: {  	s3 =	sadd.s32 $0x88, s3;
	s6 =	simm.s32 @!p1 $0x1082;
	[sflag:s4] =	ssyncset.s32 $0xFFFFF086  }
0x25: {  	[simem:s6], [sflag:s4] =	dma.local [hbm:s3], $0xF7A  }
0x26: {  	[smem:$0x3F9B] =	sst s1;
	(tag) =	ssettag s2;
	_ =	strace s9  }
0x27: {  	s1 =	sld [smem:$0x3FAB]  }
0x28: {  	s2 =	sld [smem:$0x3FAC]  }
0x29: {  	s4 =	sld [smem:$0x3FAE]  }
0x2a: {  	p0 =	seq.s32 s5, $0x0;
	s5 =	sld [smem:$0x3FAF]  }
0x2b: {  	s6 =	sld [smem:$0x3FB0]  }
0x2c: {  	s7 =	sld [smem:$0x3FB1]  }
0x2d: {  	s3 =	simm.s32 $0x108;
	s8 =	sld [smem:$0x3FB2]  }
0x2e: {  	s3 =	simm.s32 @!p0 $0x1082;
	s9 =	sld [smem:$0x3FB3]  }
0x2f: {  	lr =	sadd.s32 s0, s3;
	s0 =	sld [smem:$0x3FAA]  }
0x30: {  	s3 =	sld [smem:$0x3FAD]  }
0x31: {  	[smem:$0x3FB6] =	sst s10  }
0x32: {  	s10 =	sld [smem:$0x3FB4];
	_ =	sdelay $0x3  }
0x33: {  	p0 =	seq.s32 s10, $0x1;
	s10 =	sld [smem:$0x3FB6];
	_ =	sdelay $0x3  }
0x34: {  	[smem:$0x3FB6] =	sst s10  }
0x35: {  	s10 =	sld [smem:$0x3FB5];
	_ =	sdelay $0x3  }
0x36: {  	p1 =	seq.s32 s10, $0x1;
	s10 =	sld [smem:$0x3FB6];
	_ =	sdelay $0x3  }
0x37: {  	[smem:$0x3FB6] =	sst s10  }
0x38: {  	s10 =	sld [smem:$0x3FB7]  }
0x39: {  	_ = 	snop;
	(pc) =	sbr.ind lr, $3  }
0x3a: {  	_ = 	snop  }
0x3b: {  	_ = 	snop  }
0x3c: {  	p2 =	seq.s32 s10, $0x1;
	s10 =	sld [smem:$0x3FB6]  }
0x3d: {  	_ =	shalt  }
0x3e: {  	_ =	shalt  }
0x3f: {  	_ =	shalt  }
0x40: {  	_ =	shalt  }
0x41: {  	_ =	shalt  }
0x42: {  	_ =	shalt  }
0x43: {  	_ =	shalt  }
0x44: {  	_ =	shalt  }
0x45: {  	_ =	shalt  }
0x46: {  	_ =	shalt  }
0x47: {  	_ =	shalt  }
0x48: {  	_ =	shalt  }
0x49: {  	_ =	shalt  }
0x4a: {  	_ =	shalt  }
0x4b: {  	_ =	shalt  }
0x4c: {  	_ =	shalt  }
0x4d: {  	_ =	shalt  }
0x4e: {  	_ =	shalt  }
0x4f: {  	_ =	shalt  }
0x50: {  	_ =	shalt  }
0x51: {  	_ =	shalt  }
0x52: {  	_ =	shalt  }
0x53: {  	_ =	shalt  }
0x54: {  	_ =	shalt  }
0x55: {  	_ =	shalt  }
0x56: {  	_ =	shalt  }
0x57: {  	_ =	shalt  }
0x58: {  	_ =	shalt  }
0x59: {  	_ =	shalt  }
0x5a: {  	_ =	shalt  }
0x5b: {  	_ =	shalt  }
0x5c: {  	_ =	shalt  }
0x5d: {  	_ =	shalt  }
0x5e: {  	_ =	shalt  }
0x5f: {  	_ =	shalt  }
0x60: {  	_ =	shalt  }
0x61: {  	_ =	shalt  }
0x62: {  	_ =	shalt  }
0x63: {  	_ =	shalt  }
0x64: {  	_ =	shalt  }
0x65: {  	_ =	shalt  }
0x66: {  	_ =	shalt  }
0x67: {  	_ =	shalt  }
0x68: {  	_ =	shalt  }
0x69: {  	_ =	shalt  }
0x6a: {  	_ =	shalt  }
0x6b: {  	_ =	shalt  }
0x6c: {  	_ =	shalt  }
0x6d: {  	_ =	shalt  }
0x6e: {  	_ =	shalt  }
0x6f: {  	_ =	shalt  }
0x70: {  	_ =	shalt  }
0x71: {  	_ =	shalt  }
0x72: {  	_ =	shalt  }
0x73: {  	_ =	shalt  }
0x74: {  	_ =	shalt  }
0x75: {  	_ =	shalt  }
0x76: {  	_ =	shalt  }
0x77: {  	_ =	shalt  }
0x78: {  	_ =	shalt  }
0x79: {  	_ =	shalt  }
0x7a: {  	_ =	shalt  }
0x7b: {  	_ =	shalt  }
0x7c: {  	_ =	shalt  }
0x7d: {  	_ =	shalt  }
0x7e: {  	_ =	shalt  }
0x7f: {  	_ =	shalt  }
0x80: {  	_ =	shalt  }
0x81: {  	_ =	shalt  }
0x82: {  	_ =	shalt  }
0x83: {  	_ =	shalt  }
0x84: {  	_ =	shalt  }
0x85: {  	_ =	shalt  }
0x86: {  	_ =	shalt  }
0x87: {  	_ =	shalt  }
.Lfunc_end0:
.L_simem_size_0:
called_computation.2_lowered:
.L_overlay_start_0:
0x88: {  	s2 =	sld [smem:$0x3FD9]  }
0x89: {  	s3 =	sld [smem:$0x3FFE];
	_ =	sdelay $0x1  }
0x8a: {  	s1 =	srdreg.scid  }
0x8b: {  	s0 =	sand.u32 $0x1, s1  }
0x8c: {  	s17 =	sshll.u32 s0, $0xA;
	s2 =	sadd.s32 s3, s2  }
0x8d: {  	s2 =	sadd.s32 s2, s17  }
0x8e: {  	[smem:$0x3FC2] =	sst s2  }
0x8f: {  	_ = 	snop  }
0x90: {  	s2 =	sld [smem:$0x3FD0];
	(tm) =	ssettm $0x1  }
0x91: {  	s18 =	sld [smem:$0x3FFB];
	_ =	sdelay $0x3  }
0x92: {  	_ =	strace s18  }
0x93: {  	s3 =	sld [smem:$0x3FFC];
	_ =	sdelay $0x3  }
0x94: {  	_ =	strace s3  }
0x95: {  	s3 =	sld [smem:$0x3FFD];
	_ =	sdelay $0x3  }
0x96: {  	_ =	strace s3  }
0x97: {  	_ =	strace $0x8FFFFFFF  }
0x98: {  	s19 =	sld [smem:$0x3FDB];
	_ =	sdelay $0x1  }
0x99: {  	s4 =	simm.s32 $_scs_section_size  }
0x9a: {  	s5 =	simm.s32 $_size__tile_overlayer_lowered;
	s6 =	simm.s32 $_tile_overlayer_lowered  }
0x9b: {  	s22 =	simm.s32 $0x1BFF;
	s21 =	sshll.u32 s6, $0x1;
	s3 =	sadd.s32 s4, s19  }
0x9c: {  	s7 =	simm.s32 $0x0;
	s20 =	sshll.u32 s5, $0x1;
	s5 =	sadd.s32 s21, s3  }
0x9d: {  	[timem:s7], [sflag:s22] =	dma.local [hbm:s5], s20  }
0x9e: {  	_ =	swait.ge [sflag:s22], s20  }
0x9f: {  	s4 =	ssub.s32 $0x0, s20;
	[sflag:s22] =	ssyncset.done $0x0  }
0xa0: {  	[sflag:s22] =	ssyncadd.s32 s4;
	_ =	sdelay $0x1  }
0xa1: {  	s23 =	simm.s32 $0x1B8B  }
0xa2: {  	_ =	swait.ge [sflag:s23], $0x1  }
0xa3: {  	[sflag:s23] =	ssyncset.done $0x0  }
0xa4: {  	s25 =	simm.s32 $0x1B8E;
	s24 =	sld [smem:$0x3FFE];
	[sflag:s23] =	ssyncadd.s32 $0xFFFFFFFF  }
0xa5: {  	s26 =	simm.s32 $execute0_lowered;
	[smem:$0x3FD2] =	sst s25  }
0xa6: {  	s5 =	sshll.u32 s26, $0x1;
	_ =	strace $0x8000004C;
	[dreg:$0x1] =	wrdreg $0xFFFFFFFF  }
0xa7: {  	s28 =	simm.s32 $_size_execute0_lowered;
	s3 =	sadd.s32 s3, s5;
	[dreg:$0x0] =	wrdreg $0x0  }
0xa8: {  	s5 =	sshll.u32 s28, $0x1;
	[dreg:$0x2] =	wrdreg s3  }
0xa9: {  	[dreg:$0x3] =	wrdreg s5  }
0xaa: {  	[dreg:$0x4] =	wrdreg $0xC0  }
0xab: {  	_ =	task [dreg:s7], $0x5FFFF  }
0xac: {  	[dreg:$0x1] =	wrdreg $0xFFFFFFFF  }
0xad: {  	[dreg:$0x0] =	wrdreg $0x60  }
0xae: {  	[dreg:$0x2] =	wrdreg s2  }
0xaf: {  	[dreg:$0x3] =	wrdreg s24  }
0xb0: {  	[dreg:$0x4] =	wrdreg $0xA8000  }
0xb1: {  	[dreg:$0x5] =	wrdreg $0x9  }
0xb2: {  	_ =	task.clear_ibuf [dreg:s7], $0x6FFFF;
	_ =	strace $0x9000004C  }
0xb3: {  	s29 =	simm.s32 $0x9;
	_ =	strace $0x8000004E  }
0xb4: {  	_ =	swait.ge [sflag:s29], $0x1  }
0xb5: {  	[sflag:s29] =	ssyncadd.s32 $0xFFFFFFFF  }
0xb6: {  	_ =	strace $0x9000004E  }
0xb7: {  	_ =	sfence  }
0xb8: {  	s30 =	sld [smem:$0x0];
	_ =	sdelay $0x2  }
0xb9: {  	s31 =	sshll.u32 s1, $0xD;
	s1 =	sshrl.u32 s1, $0x2  }
0xba: {  	s3 =	sand.u32 $0x4000, s31;
	s1 =	sadd.s32 s1, s30  }
0xbb: {  	s0 =	sor.u32 s3, s0;
	s1 =	sshll.u32 s1, $0x11  }
0xbc: {  	s0 =	sor.u32 s1, s0  }
0xbd: {  	s0 =	sadd.s32 $0x8F2B, s0  }
0xbe: {  	[sflag:s0] =	ssyncadd.remote.s32 $0x1  }
0xbf: {  	_ =	sfence.sel $0xFFFF  }
0xc0: {  	[dreg:$0x0] =	wrdreg $0xFFFFFFFF;
	(pc) =	sbr.abs _section_cstart, $3  }
0xc1: {  	[dreg:$0x1] =	wrdreg $0xFFFFFFFF  }
0xc2: {  	_ =	task.clear_ibuf [dreg:s7], $0x2FFFF;
	_ =	strace $0x9FFFFFFF  }
0xc3: {  	(tm) =	ssettm $0x7FFFFFFF  }
tec
execute0_lowered:
.L_overlay_start_1:
0x0: {  	(tag) =	ssettag $0x1  }
0x1: {  	s1 =	rddreg [dreg:$0x0]  }
0x2: {  	s0 =	rddreg [dreg:$0x1]  }
0x3: {  	s3 =	rddreg [dreg:$0x2];
	s4 =	simm.s32 $0x0  }
0x4: {  	s2 =	srdreg.scid;
	s12 =	stileid.u32;
	s14 =	simm.s32 $0x5  }
0x5: {  	s16 =	simm.s32 $0x80;
	s17 =	simm.s32 $0x2800;
	s18 =	simm.s32 $0x4800  }
0x6: {  	s19 =	simm.s32 $0x100;
	s20 =	simm.s32 $0x6800;
	s28 =	simm.s32 $0x2600  }
0x7: {  	s29 =	simm.s32 $0x2680;
	s30 =	simm.s32 $0x2700;
	s31 =	simm.s32 $0x2780  }
0x8: {  	[smem:$0x7FF] =	sst s4;
	s2 =	sand.u32 $0x1, s2;
	s5 =	smul.u32 $0x9E00, s12  }
0x9: {  	s7 =	sadd.s32 $0x11600, s0;
	s10 =	sadd.s32 $0x7600, s0;
	s9 =	smul.u32 $0x2800, s12  }
0xa: {  	s11 =	sadd.s32 $0x1E00, s0;
	s23 =	sshll.u32 s12, $0x6;
	s6 =	smul.u32 $0x9E000, s2  }
0xb: {  	_ =	strace $0x8000004D;
	s8 =	smul.u32 $0x28000, s2;
	s2 =	ssub.s32 $0x2, s2  }
0xc: {  	[dreg:$0x4] =	wrdreg s11;
	s21 =	sshrl.u32 s2, $0x1;
	s6 =	sadd.s32 s5, s6  }
0xd: {  	s2 =	ssub.s32 s2, s21;
	s22 =	sadd.s32 s9, s8;
	s5 =	sadd.s32 s5, s3  }
0xe: {  	s21 =	simm.s32 $0x8800;
	s6 =	sshrl.u32 s6, $0x3;
	s9 =	sshrl.u32 s22, $0x3  }
0xf: {  	s12 =	smax.u32 s2, $0x1;
	s13 =	sshrl.u32 s5, $0x3;
	s22 =	simm.s32 $0x1  }
0x10: {  	s0 =	sadd.s32 s6, s0;
	s6 =	sor.u32 $0x1C05, s23;
	s24 =	sadd.s32 s7, s9  }
0x11: {  	s25 =	sadd.s32 $0x280, s9;
	s26 =	sadd.s32 s10, s9;
	[dreg:$0x5] =	wrdreg s24  }
0x12: {  	s23 =	simm.s32 $0x2;
	[dreg:$0x6] =	wrdreg s26;
	s9 =	sadd.s32 s7, s25  }
0x13: {  	s10 =	sadd.s32 s10, s25;
	s11 =	sadd.s32 $0x6A600, s0;
	s24 =	simm.s32 $0x3  }
0x14: {  	s25 =	simm.s32 $0x4;
	s26 =	simm.s32 $0x1380;
	s0 =	simm.s32 $0x0  }
.LBB2_1:
0x15: {  	s2 =	rddreg [dreg:$0x4]  }
0x16: {  	[spmem:s13], [sflag:s6] =	dma.local [hbm:s2], $0x13C0  }
0x17: {  	_ =	swait.ge [sflag:s14], $0x13C0  }
0x18: {  	[sflag:s14] =	ssyncset.done $0x0  }
0x19: {  	[sflag:s14] =	ssyncadd.s32 $0xFFFFEC40  }
0x1a: {  	[bflag:$0x0] =	sbarrier.arrive $0xFFFF  }
0x1b: {  	s8 =	rddreg [dreg:$0x5]  }
0x1c: {  	[tilespmem:s4], [sflag:$0x5] =	stream.linear.gather [hbm4b:s8+s4], $0x1400, $0x38;
	[tilespmem:$0x14600] =	vst v63  }
0x1d: {  	_ =	swait.ge [sflag:s14], $0x1400  }
0x1e: {  	[sflag:s14] =	ssyncset.done $0x0  }
0x1f: {  	s5 =	simm.s32 $0x1400;
	s15 =	rddreg [dreg:$0x6];
	[sflag:s14] =	ssyncadd.s32 $0xFFFFEC00  }
0x20: {  	[tilespmem:s5], [sflag:$0x5] =	stream.linear.gather [hbm4b:s15+s4], $0x1400, $0x38;
	[tilespmem:$0x14600] =	vst v63  }
0x21: {  	_ =	swait.ge [sflag:s14], $0x1400  }
0x22: {  	[sflag:s14] =	ssyncset.done $0x0  }
0x23: {  	[sflag:s14] =	ssyncadd.s32 $0xFFFFEC00  }
0x24: {  	[tilespmem:s17], [sflag:$0x1] =	stream.indirect.gather [hbm4b:s1+s16], $0x40, s4, s16, $0xb8;
	[tilespmem:$0x14600] =	vst v63  }
0x25: {  	_ = 	snop  }
0x26: {  	[tilespmem:s18], [sflag:$0x2] =	stream.indirect.gather [hbm4b:s1+s16], $0x40, s16, s16, $0xb8;
	[tilespmem:$0x14600] =	vst v63  }
0x27: {  	_ = 	snop  }
0x28: {  	[tilespmem:s20], [sflag:$0x3] =	stream.indirect.gather [hbm4b:s1+s16], $0x40, s19, s16, $0xb8;
	[tilespmem:$0x14600] =	vst v63  }
0x29: {  	s5 =	simm.s32 $0x180  }
0x2a: {  	[tilespmem:s21], [sflag:$0x4] =	stream.indirect.gather [hbm4b:s1+s16], $0x40, s5, s16, $0xb8;
	[tilespmem:$0x14600] =	vst v63  }
0x2b: {  	_ =	swait.ge [sflag:s22], $0x2000  }
0x2c: {  	[sflag:s22] =	ssyncset.done $0x0  }
0x2d: {  	s7 =	simm.s32 $0x1400;
	[sflag:s22] =	ssyncadd.s32 $0xFFFFE000  }
0x2e: {  	[spmem:s3] =	stream.indirect.scatter.add.f32 [tilespmem:s17], [sflag:$0x5], $0x40, s7, s16, $0xb8;
	[tilespmem:$0x14600] =	vst v63  }
0x2f: {  	_ =	swait.ge [sflag:s14], $0x2000  }
0x30: {  	[sflag:s14] =	ssyncset.done $0x0  }
0x31: {  	s8 =	simm.s32 $0x200;
	[sflag:s14] =	ssyncadd.s32 $0xFFFFE000  }
0x32: {  	[tilespmem:s17], [sflag:$0x1] =	stream.indirect.gather [hbm4b:s1+s16], $0x40, s8, s16, $0xb8;
	[tilespmem:$0x14600] =	vst v63  }
0x33: {  	_ =	swait.ge [sflag:s23], $0x2000  }
0x34: {  	[sflag:s23] =	ssyncset.done $0x0  }
0x35: {  	s15 =	simm.s32 $0x1480;
	[sflag:s23] =	ssyncadd.s32 $0xFFFFE000  }
0x36: {  	[spmem:s3] =	stream.indirect.scatter.add.f32 [tilespmem:s18], [sflag:$0x5], $0x40, s15, s16, $0xb8;
	[tilespmem:$0x14600] =	vst v63  }
0x37: {  	_ =	swait.ge [sflag:s14], $0x2000  }
0x38: {  	[sflag:s14] =	ssyncset.done $0x0  }
0x39: {  	s5 =	simm.s32 $0x280;
	[sflag:s14] =	ssyncadd.s32 $0xFFFFE000  }
0x3a: {  	[tilespmem:s18], [sflag:$0x2] =	stream.indirect.gather [hbm4b:s1+s16], $0x40, s5, s16, $0xb8;
	[tilespmem:$0x14600] =	vst v63  }
0x3b: {  	_ =	swait.ge [sflag:s24], $0x2000  }
0x3c: {  	[sflag:s24] =	ssyncset.done $0x0  }
0x3d: {  	s7 =	simm.s32 $0x1500;
	[sflag:s24] =	ssyncadd.s32 $0xFFFFE000  }
0x3e: {  	[spmem:s3] =	stream.indirect.scatter.add.f32 [tilespmem:s20], [sflag:$0x5], $0x40, s7, s16, $0xb8;
	[tilespmem:$0x14600] =	vst v63  }
0x3f: {  	_ =	swait.ge [sflag:s14], $0x2000  }
0x40: {  	[sflag:s14] =	ssyncset.done $0x0  }
0x41: {  	s8 =	simm.s32 $0x300;
	[sflag:s14] =	ssyncadd.s32 $0xFFFFE000  }
0x42: {  	[tilespmem:s20], [sflag:$0x3] =	stream.indirect.gather [hbm4b:s1+s16], $0x40, s8, s16, $0xb8;
	[tilespmem:$0x14600] =	vst v63  }
0x43: {  	_ =	swait.ge [sflag:s25], $0x2000  }
0x44: {  	[sflag:s25] =	ssyncset.done $0x0  }
0x45: {  	s15 =	simm.s32 $0x1580;
	[sflag:s25] =	ssyncadd.s32 $0xFFFFE000  }
0x46: {  	[spmem:s3] =	stream.indirect.scatter.add.f32 [tilespmem:s21], [sflag:$0x5], $0x40, s15, s16, $0xb8;
	[tilespmem:$0x14600] =	vst v63  }
0x47: {  	_ =	swait.ge [sflag:s14], $0x2000  }
0x48: {  	s2 =	simm.s32 $0x200;
	s5 =	simm.s32 $0x1000;
	[sflag:s14] =	ssyncset.done $0x0  }
.LBB2_2:
0x49: {  	s8 =	sadd.s32 $0x180, s2  }
0x4a: {  	[sflag:s14] =	ssyncadd.s32 $0xFFFFE000;
	s7 =	smov.u32 s5;
	s15 =	sadd.s32 $0x800, s5  }
0x4b: {  	[tilespmem:s21], [sflag:$0x4] =	stream.indirect.gather [hbm4b:s1+s16], $0x40, s8, s16, $0xb8;
	[tilespmem:$0x14600] =	vst v63  }
0x4c: {  	p0 =	sne.s32 s5, $0x4000;
	_ =	swait.ge [sflag:s22], $0x2000  }
0x4d: {  	[sflag:s22] =	ssyncset.done $0x0  }
0x4e: {  	s5 =	sadd.s32 $0x1400, s2;
	[sflag:s22] =	ssyncadd.s32 $0xFFFFE000  }
0x4f: {  	[spmem:s3] =	stream.indirect.scatter.add.f32 [tilespmem:s17], [sflag:$0x5], $0x40, s5, s16, $0xb8;
	[tilespmem:$0x14600] =	vst v63  }
0x50: {  	_ =	swait.ge [sflag:s14], $0x2000  }
0x51: {  	[sflag:s14] =	ssyncset.done $0x0  }
0x52: {  	s5 =	sadd.s32 $0x200, s2;
	[sflag:s14] =	ssyncadd.s32 $0xFFFFE000  }
0x53: {  	[tilespmem:s17], [sflag:$0x1] =	stream.indirect.gather [hbm4b:s1+s16], $0x40, s5, s16, $0xb8;
	[tilespmem:$0x14600] =	vst v63  }
0x54: {  	_ =	swait.ge [sflag:s23], $0x2000  }
0x55: {  	[sflag:s23] =	ssyncset.done $0x0  }
0x56: {  	s5 =	sadd.s32 $0x1480, s2;
	[sflag:s23] =	ssyncadd.s32 $0xFFFFE000  }
0x57: {  	[spmem:s3] =	stream.indirect.scatter.add.f32 [tilespmem:s18], [sflag:$0x5], $0x40, s5, s16, $0xb8;
	[tilespmem:$0x14600] =	vst v63  }
0x58: {  	_ =	swait.ge [sflag:s14], $0x2000  }
0x59: {  	[sflag:s14] =	ssyncset.done $0x0  }
0x5a: {  	s5 =	sadd.s32 $0x280, s2;
	[sflag:s14] =	ssyncadd.s32 $0xFFFFE000  }
0x5b: {  	[tilespmem:s18], [sflag:$0x2] =	stream.indirect.gather [hbm4b:s1+s16], $0x40, s5, s16, $0xb8;
	[tilespmem:$0x14600] =	vst v63  }
0x5c: {  	_ =	swait.ge [sflag:s24], $0x2000  }
0x5d: {  	[sflag:s24] =	ssyncset.done $0x0  }
0x5e: {  	s5 =	sadd.s32 $0x1500, s2;
	[sflag:s24] =	ssyncadd.s32 $0xFFFFE000  }
0x5f: {  	[spmem:s3] =	stream.indirect.scatter.add.f32 [tilespmem:s20], [sflag:$0x5], $0x40, s5, s16, $0xb8;
	[tilespmem:$0x14600] =	vst v63  }
0x60: {  	_ =	swait.ge [sflag:s14], $0x2000  }
0x61: {  	[sflag:s14] =	ssyncset.done $0x0  }
0x62: {  	s5 =	sadd.s32 $0x300, s2;
	[sflag:s14] =	ssyncadd.s32 $0xFFFFE000  }
0x63: {  	[tilespmem:s20], [sflag:$0x3] =	stream.indirect.gather [hbm4b:s1+s16], $0x40, s5, s16, $0xb8;
	[tilespmem:$0x14600] =	vst v63  }
0x64: {  	_ =	swait.ge [sflag:s25], $0x2000  }
.Ltmp0:
0x65: {  	[sflag:s25] =	ssyncset.done $0x0;
	(pc) =	sbr.rel @p0 .LBB2_2-.Ltmp0, $4  }
0x66: {  	s2 =	sadd.s32 $0x1580, s2;
	[sflag:s25] =	ssyncadd.s32 $0xFFFFE000  }
0x67: {  	[spmem:s3] =	stream.indirect.scatter.add.f32 [tilespmem:s21], [sflag:$0x5], $0x40, s2, s16, $0xb8;
	[tilespmem:$0x14600] =	vst v63  }
0x68: {  	_ =	swait.ge [sflag:s14], $0x2000  }
0x69: {  	s5 =	smov.u32 s15;
	s2 =	sshra.s32 s7, $0x2;
	[sflag:s14] =	ssyncset.done $0x0  }
0x6a: {  	s5 =	sadd.s32 $0x180, s2;
	[sflag:s14] =	ssyncadd.s32 $0xFFFFE000  }
0x6b: {  	[tilespmem:s21], [sflag:$0x4] =	stream.indirect.gather [hbm4b:s1+s16], $0x40, s5, s16, $0xb8;
	[tilespmem:$0x14600] =	vst v63  }
0x6c: {  	_ =	swait.ge [sflag:s22], $0x2000  }
0x6d: {  	[sflag:s22] =	ssyncset.done $0x0  }
0x6e: {  	s7 =	sadd.s32 $0x1400, s2;
	[sflag:s22] =	ssyncadd.s32 $0xFFFFE000  }
0x6f: {  	[spmem:s3] =	stream.indirect.scatter.add.f32 [tilespmem:s17], [sflag:$0x5], $0x40, s7, s16, $0xb8;
	[tilespmem:$0x14600] =	vst v63  }
0x70: {  	_ =	swait.ge [sflag:s14], $0x2000  }
0x71: {  	[sflag:s14] =	ssyncset.done $0x0  }
0x72: {  	s8 =	sadd.s32 $0x200, s2;
	[sflag:s14] =	ssyncadd.s32 $0xFFFFE000  }
0x73: {  	[tilespmem:s17], [sflag:$0x1] =	stream.indirect.gather [hbm4b:s1+s16], $0x40, s8, s16, $0xb8;
	[tilespmem:$0x14600] =	vst v63  }
0x74: {  	_ =	swait.ge [sflag:s23], $0x2000  }
0x75: {  	[sflag:s23] =	ssyncset.done $0x0  }
0x76: {  	s15 =	sadd.s32 $0x1480, s2;
	[sflag:s23] =	ssyncadd.s32 $0xFFFFE000  }
0x77: {  	[spmem:s3] =	stream.indirect.scatter.add.f32 [tilespmem:s18], [sflag:$0x5], $0x40, s15, s16, $0xb8;
	[tilespmem:$0x14600] =	vst v63  }
0x78: {  	_ =	swait.ge [sflag:s14], $0x2000  }
0x79: {  	[sflag:s14] =	ssyncset.done $0x0  }
0x7a: {  	s7 =	sadd.s32 $0x280, s2;
	[sflag:s14] =	ssyncadd.s32 $0xFFFFE000  }
0x7b: {  	[tilespmem:s18], [sflag:$0x2] =	stream.indirect.gather [hbm4b:s1+s16], $0x40, s7, s16, $0xb8;
	[tilespmem:$0x14600] =	vst v63  }
0x7c: {  	_ =	swait.ge [sflag:s24], $0x2000  }
0x7d: {  	[sflag:s24] =	ssyncset.done $0x0  }
0x7e: {  	s8 =	sadd.s32 $0x1500, s2;
	[sflag:s24] =	ssyncadd.s32 $0xFFFFE000  }
0x7f: {  	[spmem:s3] =	stream.indirect.scatter.add.f32 [tilespmem:s20], [sflag:$0x5], $0x40, s8, s16, $0xb8;
	[tilespmem:$0x14600] =	vst v63  }
0x80: {  	_ =	swait.ge [sflag:s14], $0x2000  }
0x81: {  	[sflag:s14] =	ssyncset.done $0x0  }
0x82: {  	s15 =	sadd.s32 $0x300, s2;
	[sflag:s14] =	ssyncadd.s32 $0xFFFFE000  }
0x83: {  	[tilespmem:s20], [sflag:$0x3] =	stream.indirect.gather [hbm4b:s1+s16], $0x40, s15, s16, $0xb8;
	[tilespmem:$0x14600] =	vst v63  }
0x84: {  	_ =	swait.ge [sflag:s25], $0x2000  }
0x85: {  	[sflag:s25] =	ssyncset.done $0x0  }
0x86: {  	s7 =	sadd.s32 $0x1580, s2;
	[sflag:s25] =	ssyncadd.s32 $0xFFFFE000  }
0x87: {  	[spmem:s3] =	stream.indirect.scatter.add.f32 [tilespmem:s21], [sflag:$0x5], $0x40, s7, s16, $0xb8;
	[tilespmem:$0x14600] =	vst v63  }
0x88: {  	_ =	swait.ge [sflag:s14], $0x2000  }
0x89: {  	[sflag:s14] =	ssyncset.done $0x0  }
0x8a: {  	[sflag:s14] =	ssyncadd.s32 $0xFFFFE000  }
0x8b: {  	[tilespmem:s21], [sflag:$0x4] =	stream.indirect.gather [hbm4b:s1+s16], $0x40, s26, s16, $0xb8;
	[tilespmem:$0x14600] =	vst v63  }
0x8c: {  	_ =	swait.ge [sflag:s22], $0x2000  }
0x8d: {  	[sflag:s22] =	ssyncset.done $0x0  }
0x8e: {  	[sflag:s22] =	ssyncadd.s32 $0xFFFFE000  }
0x8f: {  	[spmem:s3] =	stream.indirect.scatter.add.f32 [tilespmem:s17], [sflag:$0x5], $0x40, s28, s16, $0xb8;
	[tilespmem:$0x14600] =	vst v63  }
0x90: {  	_ =	swait.ge [sflag:s14], $0x2000  }
0x91: {  	[sflag:s14] =	ssyncset.done $0x0  }
0x92: {  	[sflag:s14] =	ssyncadd.s32 $0xFFFFE000  }
0x93: {  	_ =	swait.ge [sflag:s23], $0x2000  }
0x94: {  	[sflag:s23] =	ssyncset.done $0x0  }
0x95: {  	[sflag:s23] =	ssyncadd.s32 $0xFFFFE000  }
0x96: {  	[spmem:s3] =	stream.indirect.scatter.add.f32 [tilespmem:s18], [sflag:$0x5], $0x40, s29, s16, $0xb8;
	[tilespmem:$0x14600] =	vst v63  }
0x97: {  	_ =	swait.ge [sflag:s14], $0x2000  }
0x98: {  	[sflag:s14] =	ssyncset.done $0x0  }
0x99: {  	[sflag:s14] =	ssyncadd.s32 $0xFFFFE000  }
0x9a: {  	_ =	swait.ge [sflag:s24], $0x2000  }
0x9b: {  	[sflag:s24] =	ssyncset.done $0x0  }
0x9c: {  	[sflag:s24] =	ssyncadd.s32 $0xFFFFE000  }
0x9d: {  	[spmem:s3] =	stream.indirect.scatter.add.f32 [tilespmem:s20], [sflag:$0x5], $0x40, s30, s16, $0xb8;
	[tilespmem:$0x14600] =	vst v63  }
0x9e: {  	_ =	swait.ge [sflag:s14], $0x2000  }
0x9f: {  	[sflag:s14] =	ssyncset.done $0x0  }
0xa0: {  	[sflag:s14] =	ssyncadd.s32 $0xFFFFE000  }
0xa1: {  	_ =	swait.ge [sflag:s25], $0x2000  }
0xa2: {  	[sflag:s25] =	ssyncset.done $0x0  }
0xa3: {  	[sflag:s25] =	ssyncadd.s32 $0xFFFFE000  }
0xa4: {  	[spmem:s3] =	stream.indirect.scatter.add.f32 [tilespmem:s21], [sflag:$0x5], $0x40, s31, s16, $0xb8;
	[tilespmem:$0x14600] =	vst v63  }
0xa5: {  	_ =	swait.ge [sflag:s14], $0x2000  }
0xa6: {  	[sflag:s14] =	ssyncset.done $0x0  }
0xa7: {  	s8 =	simm.s32 $0x0;
	[sflag:s14] =	ssyncadd.s32 $0xFFFFE000  }
0xa8: {  	[tilespmem:s8], [sflag:$0x5] =	stream.linear.gather [hbm4b:s9+s8], $0x1400, $0x38;
	[tilespmem:$0x14600] =	vst v63  }
0xa9: {  	_ =	swait.ge [sflag:s14], $0x1400  }
0xaa: {  	[sflag:s14] =	ssyncset.done $0x0  }
0xab: {  	s15 =	simm.s32 $0x1400;
	[sflag:s14] =	ssyncadd.s32 $0xFFFFEC00  }
0xac: {  	[tilespmem:s15], [sflag:$0x5] =	stream.linear.gather [hbm4b:s10+s8], $0x1400, $0x38;
	[tilespmem:$0x14600] =	vst v63  }
0xad: {  	_ =	swait.ge [sflag:s14], $0x1400  }
0xae: {  	[sflag:s14] =	ssyncset.done $0x0  }
0xaf: {  	[sflag:s14] =	ssyncadd.s32 $0xFFFFEC00  }
0xb0: {  	[tilespmem:s17], [sflag:$0x1] =	stream.indirect.gather [hbm4b:s1+s16], $0x40, s8, s16, $0xb8;
	[tilespmem:$0x14600] =	vst v63  }
0xb1: {  	_ = 	snop  }
0xb2: {  	[tilespmem:s18], [sflag:$0x2] =	stream.indirect.gather [hbm4b:s1+s16], $0x40, s16, s16, $0xb8;
	[tilespmem:$0x14600] =	vst v63  }
0xb3: {  	_ = 	snop  }
0xb4: {  	[tilespmem:s20], [sflag:$0x3] =	stream.indirect.gather [hbm4b:s1+s16], $0x40, s19, s16, $0xb8;
	[tilespmem:$0x14600] =	vst v63  }
0xb5: {  	s5 =	simm.s32 $0x180  }
0xb6: {  	[tilespmem:s21], [sflag:$0x4] =	stream.indirect.gather [hbm4b:s1+s16], $0x40, s5, s16, $0xb8;
	[tilespmem:$0x14600] =	vst v63  }
0xb7: {  	_ =	swait.ge [sflag:s22], $0x2000  }
0xb8: {  	[sflag:s22] =	ssyncset.done $0x0  }
0xb9: {  	s7 =	simm.s32 $0x1400;
	[sflag:s22] =	ssyncadd.s32 $0xFFFFE000  }
0xba: {  	[spmem:s3] =	stream.indirect.scatter.add.f32 [tilespmem:s17], [sflag:$0x5], $0x40, s7, s16, $0xb8;
	[tilespmem:$0x14600] =	vst v63  }
0xbb: {  	_ =	swait.ge [sflag:s14], $0x2000  }
0xbc: {  	[sflag:s14] =	ssyncset.done $0x0  }
0xbd: {  	s8 =	simm.s32 $0x200;
	[sflag:s14] =	ssyncadd.s32 $0xFFFFE000  }
0xbe: {  	[tilespmem:s17], [sflag:$0x1] =	stream.indirect.gather [hbm4b:s1+s16], $0x40, s8, s16, $0xb8;
	[tilespmem:$0x14600] =	vst v63  }
0xbf: {  	_ =	swait.ge [sflag:s23], $0x2000  }
0xc0: {  	[sflag:s23] =	ssyncset.done $0x0  }
0xc1: {  	s15 =	simm.s32 $0x1480;
	[sflag:s23] =	ssyncadd.s32 $0xFFFFE000  }
0xc2: {  	[spmem:s3] =	stream.indirect.scatter.add.f32 [tilespmem:s18], [sflag:$0x5], $0x40, s15, s16, $0xb8;
	[tilespmem:$0x14600] =	vst v63  }
0xc3: {  	_ =	swait.ge [sflag:s14], $0x2000  }
0xc4: {  	[sflag:s14] =	ssyncset.done $0x0  }
0xc5: {  	s5 =	simm.s32 $0x280;
	[sflag:s14] =	ssyncadd.s32 $0xFFFFE000  }
0xc6: {  	[tilespmem:s18], [sflag:$0x2] =	stream.indirect.gather [hbm4b:s1+s16], $0x40, s5, s16, $0xb8;
	[tilespmem:$0x14600] =	vst v63  }
0xc7: {  	_ =	swait.ge [sflag:s24], $0x2000  }
0xc8: {  	[sflag:s24] =	ssyncset.done $0x0  }
0xc9: {  	s7 =	simm.s32 $0x1500;
	[sflag:s24] =	ssyncadd.s32 $0xFFFFE000  }
0xca: {  	[spmem:s3] =	stream.indirect.scatter.add.f32 [tilespmem:s20], [sflag:$0x5], $0x40, s7, s16, $0xb8;
	[tilespmem:$0x14600] =	vst v63  }
0xcb: {  	_ =	swait.ge [sflag:s14], $0x2000  }
0xcc: {  	[sflag:s14] =	ssyncset.done $0x0  }
0xcd: {  	s8 =	simm.s32 $0x300;
	[sflag:s14] =	ssyncadd.s32 $0xFFFFE000  }
0xce: {  	[tilespmem:s20], [sflag:$0x3] =	stream.indirect.gather [hbm4b:s1+s16], $0x40, s8, s16, $0xb8;
	[tilespmem:$0x14600] =	vst v63  }
0xcf: {  	_ =	swait.ge [sflag:s25], $0x2000  }
0xd0: {  	[sflag:s25] =	ssyncset.done $0x0  }
0xd1: {  	s15 =	simm.s32 $0x1580;
	[sflag:s25] =	ssyncadd.s32 $0xFFFFE000  }
0xd2: {  	[spmem:s3] =	stream.indirect.scatter.add.f32 [tilespmem:s21], [sflag:$0x5], $0x40, s15, s16, $0xb8;
	[tilespmem:$0x14600] =	vst v63  }
0xd3: {  	_ =	swait.ge [sflag:s14], $0x2000  }
0xd4: {  	s2 =	simm.s32 $0x200;
	s15 =	simm.s32 $0x1000;
	[sflag:s14] =	ssyncset.done $0x0  }
.LBB2_4:
0xd5: {  	s8 =	sadd.s32 $0x180, s2  }
0xd6: {  	[sflag:s14] =	ssyncadd.s32 $0xFFFFE000;
	s7 =	smov.u32 s15;
	s5 =	sadd.s32 $0x800, s15  }
0xd7: {  	[tilespmem:s21], [sflag:$0x4] =	stream.indirect.gather [hbm4b:s1+s16], $0x40, s8, s16, $0xb8;
	[tilespmem:$0x14600] =	vst v63  }
0xd8: {  	p0 =	sne.s32 s15, $0x4000;
	_ =	swait.ge [sflag:s22], $0x2000  }
0xd9: {  	[sflag:s22] =	ssyncset.done $0x0  }
0xda: {  	s8 =	sadd.s32 $0x1400, s2;
	[sflag:s22] =	ssyncadd.s32 $0xFFFFE000  }
0xdb: {  	[spmem:s3] =	stream.indirect.scatter.add.f32 [tilespmem:s17], [sflag:$0x5], $0x40, s8, s16, $0xb8;
	[tilespmem:$0x14600] =	vst v63  }
0xdc: {  	_ =	swait.ge [sflag:s14], $0x2000  }
0xdd: {  	[sflag:s14] =	ssyncset.done $0x0  }
0xde: {  	s8 =	sadd.s32 $0x200, s2;
	[sflag:s14] =	ssyncadd.s32 $0xFFFFE000  }
0xdf: {  	[tilespmem:s17], [sflag:$0x1] =	stream.indirect.gather [hbm4b:s1+s16], $0x40, s8, s16, $0xb8;
	[tilespmem:$0x14600] =	vst v63  }
0xe0: {  	_ =	swait.ge [sflag:s23], $0x2000  }
0xe1: {  	[sflag:s23] =	ssyncset.done $0x0  }
0xe2: {  	s8 =	sadd.s32 $0x1480, s2;
	[sflag:s23] =	ssyncadd.s32 $0xFFFFE000  }
0xe3: {  	[spmem:s3] =	stream.indirect.scatter.add.f32 [tilespmem:s18], [sflag:$0x5], $0x40, s8, s16, $0xb8;
	[tilespmem:$0x14600] =	vst v63  }
0xe4: {  	_ =	swait.ge [sflag:s14], $0x2000  }
0xe5: {  	[sflag:s14] =	ssyncset.done $0x0  }
0xe6: {  	s8 =	sadd.s32 $0x280, s2;
	[sflag:s14] =	ssyncadd.s32 $0xFFFFE000  }
0xe7: {  	[tilespmem:s18], [sflag:$0x2] =	stream.indirect.gather [hbm4b:s1+s16], $0x40, s8, s16, $0xb8;
	[tilespmem:$0x14600] =	vst v63  }
0xe8: {  	_ =	swait.ge [sflag:s24], $0x2000  }
0xe9: {  	[sflag:s24] =	ssyncset.done $0x0  }
0xea: {  	s8 =	sadd.s32 $0x1500, s2;
	[sflag:s24] =	ssyncadd.s32 $0xFFFFE000  }
0xeb: {  	[spmem:s3] =	stream.indirect.scatter.add.f32 [tilespmem:s20], [sflag:$0x5], $0x40, s8, s16, $0xb8;
	[tilespmem:$0x14600] =	vst v63  }
0xec: {  	_ =	swait.ge [sflag:s14], $0x2000  }
0xed: {  	[sflag:s14] =	ssyncset.done $0x0  }
0xee: {  	s8 =	sadd.s32 $0x300, s2;
	[sflag:s14] =	ssyncadd.s32 $0xFFFFE000  }
0xef: {  	[tilespmem:s20], [sflag:$0x3] =	stream.indirect.gather [hbm4b:s1+s16], $0x40, s8, s16, $0xb8;
	[tilespmem:$0x14600] =	vst v63  }
0xf0: {  	_ =	swait.ge [sflag:s25], $0x2000  }
.Ltmp1:
0xf1: {  	[sflag:s25] =	ssyncset.done $0x0;
	(pc) =	sbr.rel @p0 .LBB2_4-.Ltmp1, $4  }
0xf2: {  	s2 =	sadd.s32 $0x1580, s2;
	[sflag:s25] =	ssyncadd.s32 $0xFFFFE000  }
0xf3: {  	[spmem:s3] =	stream.indirect.scatter.add.f32 [tilespmem:s21], [sflag:$0x5], $0x40, s2, s16, $0xb8;
	[tilespmem:$0x14600] =	vst v63  }
0xf4: {  	_ =	swait.ge [sflag:s14], $0x2000  }
0xf5: {  	s15 =	smov.u32 s5;
	s2 =	sshra.s32 s7, $0x2;
	[sflag:s14] =	ssyncset.done $0x0  }
0xf6: {  	s5 =	sadd.s32 $0x180, s2;
	[sflag:s14] =	ssyncadd.s32 $0xFFFFE000  }
0xf7: {  	[tilespmem:s21], [sflag:$0x4] =	stream.indirect.gather [hbm4b:s1+s16], $0x40, s5, s16, $0xb8;
	[tilespmem:$0x14600] =	vst v63  }
0xf8: {  	_ =	swait.ge [sflag:s22], $0x2000  }
0xf9: {  	[sflag:s22] =	ssyncset.done $0x0  }
0xfa: {  	s15 =	sadd.s32 $0x1400, s2;
	[sflag:s22] =	ssyncadd.s32 $0xFFFFE000  }
0xfb: {  	[spmem:s3] =	stream.indirect.scatter.add.f32 [tilespmem:s17], [sflag:$0x5], $0x40, s15, s16, $0xb8;
	[tilespmem:$0x14600] =	vst v63  }
0xfc: {  	_ =	swait.ge [sflag:s14], $0x2000  }
0xfd: {  	[sflag:s14] =	ssyncset.done $0x0  }
0xfe: {  	s7 =	sadd.s32 $0x200, s2;
	[sflag:s14] =	ssyncadd.s32 $0xFFFFE000  }
0xff: {  	[tilespmem:s17], [sflag:$0x1] =	stream.indirect.gather [hbm4b:s1+s16], $0x40, s7, s16, $0xb8;
	[tilespmem:$0x14600] =	vst v63  }
0x100: {  	_ =	swait.ge [sflag:s23], $0x2000  }
0x101: {  	[sflag:s23] =	ssyncset.done $0x0  }
0x102: {  	s8 =	sadd.s32 $0x1480, s2;
	[sflag:s23] =	ssyncadd.s32 $0xFFFFE000  }
0x103: {  	[spmem:s3] =	stream.indirect.scatter.add.f32 [tilespmem:s18], [sflag:$0x5], $0x40, s8, s16, $0xb8;
	[tilespmem:$0x14600] =	vst v63  }
0x104: {  	_ =	swait.ge [sflag:s14], $0x2000  }
0x105: {  	[sflag:s14] =	ssyncset.done $0x0  }
0x106: {  	s15 =	sadd.s32 $0x280, s2;
	[sflag:s14] =	ssyncadd.s32 $0xFFFFE000  }
0x107: {  	[tilespmem:s18], [sflag:$0x2] =	stream.indirect.gather [hbm4b:s1+s16], $0x40, s15, s16, $0xb8;
	[tilespmem:$0x14600] =	vst v63  }
0x108: {  	_ =	swait.ge [sflag:s24], $0x2000  }
0x109: {  	[sflag:s24] =	ssyncset.done $0x0  }
0x10a: {  	s7 =	sadd.s32 $0x1500, s2;
	[sflag:s24] =	ssyncadd.s32 $0xFFFFE000  }
0x10b: {  	[spmem:s3] =	stream.indirect.scatter.add.f32 [tilespmem:s20], [sflag:$0x5], $0x40, s7, s16, $0xb8;
	[tilespmem:$0x14600] =	vst v63  }
0x10c: {  	_ =	swait.ge [sflag:s14], $0x2000  }
0x10d: {  	[sflag:s14] =	ssyncset.done $0x0  }
0x10e: {  	s8 =	sadd.s32 $0x300, s2;
	[sflag:s14] =	ssyncadd.s32 $0xFFFFE000  }
0x10f: {  	[tilespmem:s20], [sflag:$0x3] =	stream.indirect.gather [hbm4b:s1+s16], $0x40, s8, s16, $0xb8;
	[tilespmem:$0x14600] =	vst v63  }
0x110: {  	_ =	swait.ge [sflag:s25], $0x2000  }
0x111: {  	[sflag:s25] =	ssyncset.done $0x0  }
0x112: {  	s15 =	sadd.s32 $0x1580, s2;
	[sflag:s25] =	ssyncadd.s32 $0xFFFFE000  }
0x113: {  	[spmem:s3] =	stream.indirect.scatter.add.f32 [tilespmem:s21], [sflag:$0x5], $0x40, s15, s16, $0xb8;
	[tilespmem:$0x14600] =	vst v63  }
0x114: {  	_ =	swait.ge [sflag:s14], $0x2000  }
0x115: {  	[sflag:s14] =	ssyncset.done $0x0  }
0x116: {  	[sflag:s14] =	ssyncadd.s32 $0xFFFFE000  }
0x117: {  	[tilespmem:s21], [sflag:$0x4] =	stream.indirect.gather [hbm4b:s1+s16], $0x40, s26, s16, $0xb8;
	[tilespmem:$0x14600] =	vst v63  }
0x118: {  	_ =	swait.ge [sflag:s22], $0x2000  }
0x119: {  	[sflag:s22] =	ssyncset.done $0x0  }
0x11a: {  	[sflag:s22] =	ssyncadd.s32 $0xFFFFE000  }
0x11b: {  	[spmem:s3] =	stream.indirect.scatter.add.f32 [tilespmem:s17], [sflag:$0x5], $0x40, s28, s16, $0xb8;
	[tilespmem:$0x14600] =	vst v63  }
0x11c: {  	_ =	swait.ge [sflag:s14], $0x2000  }
0x11d: {  	[sflag:s14] =	ssyncset.done $0x0  }
0x11e: {  	[sflag:s14] =	ssyncadd.s32 $0xFFFFE000  }
0x11f: {  	_ =	swait.ge [sflag:s23], $0x2000  }
0x120: {  	[sflag:s23] =	ssyncset.done $0x0  }
0x121: {  	[sflag:s23] =	ssyncadd.s32 $0xFFFFE000  }
0x122: {  	[spmem:s3] =	stream.indirect.scatter.add.f32 [tilespmem:s18], [sflag:$0x5], $0x40, s29, s16, $0xb8;
	[tilespmem:$0x14600] =	vst v63  }
0x123: {  	_ =	swait.ge [sflag:s14], $0x2000  }
0x124: {  	[sflag:s14] =	ssyncset.done $0x0  }
0x125: {  	[sflag:s14] =	ssyncadd.s32 $0xFFFFE000  }
0x126: {  	_ =	swait.ge [sflag:s24], $0x2000  }
0x127: {  	[sflag:s24] =	ssyncset.done $0x0  }
0x128: {  	[sflag:s24] =	ssyncadd.s32 $0xFFFFE000  }
0x129: {  	[spmem:s3] =	stream.indirect.scatter.add.f32 [tilespmem:s20], [sflag:$0x5], $0x40, s30, s16, $0xb8;
	[tilespmem:$0x14600] =	vst v63  }
0x12a: {  	_ =	swait.ge [sflag:s14], $0x2000  }
0x12b: {  	[sflag:s14] =	ssyncset.done $0x0  }
0x12c: {  	[sflag:s14] =	ssyncadd.s32 $0xFFFFE000  }
0x12d: {  	_ =	swait.ge [sflag:s25], $0x2000  }
0x12e: {  	[sflag:s25] =	ssyncset.done $0x0  }
0x12f: {  	[sflag:s25] =	ssyncadd.s32 $0xFFFFE000  }
0x130: {  	[spmem:s3] =	stream.indirect.scatter.add.f32 [tilespmem:s21], [sflag:$0x5], $0x40, s31, s16, $0xb8;
	[tilespmem:$0x14600] =	vst v63  }
0x131: {  	_ =	swait.ge [sflag:s14], $0x2000  }
0x132: {  	s0 =	sadd.s32 $0x1, s0;
	[sflag:s14] =	ssyncset.done $0x0  }
0x133: {  	p0 =	sne.s32 s0, s12;
	[sflag:s14] =	ssyncadd.s32 $0xFFFFE000  }
.Ltmp2:
0x134: {  	[bflag:$0x0] =	sbarrier.arrive $0xFFFF;
	(pc) =	sbr.rel @p0 .LBB2_1-.Ltmp2, $4  }
0x135: {  	[hbm:s11], [sflag:s6] =	dma.local [spmem:s13], $0x13C0  }
0x136: {  	_ =	swait.ge [sflag:s14], $0x13C0  }
0x137: {  	[sflag:s14] =	ssyncset.done $0x0  }
0x138: {  	[sflag:s14] =	ssyncadd.s32 $0xFFFFEC40  }
0x139: {  	_ =	sfence.sel $0x180000  }
0x13a: {  	[bflag:$0x0] =	sbarrier.arrive $0xFFFF  }
0x13b: {  	_ =	strace $0x9000004D  }
0x13c: {  	s0 =	stileid.u32;
	[bflag:$0x2] =	sbarrier.arrive $0xFFFF  }
0x13d: {  	p0 =	sne.s32 s0, $0x0;
	s0 =	rddreg [dreg:$0x3]  }
0x13e: {  	s0 =	sadd.s32 @!p0 $0x100000, s0  }
0x13f: {  	[sflag:s0] =	ssyncadd.tile.s32 @!p0 $0x1;
	_ =	shalt  }
.Lfunc_end2:
_tile_overlayer_lowered:
.L_overlay_start_2:
0x140: {  	(tag) =	ssettag $0x2  }
0x141: {  	s0 =	rddreg [dreg:$0x0];
	s2 =	stileid.u32  }
0x142: {  	s1 =	rddreg [dreg:$0x1];
	p0 =	sne.s32 s2, $0x0  }
0x143: {  	s3 =	rddreg [dreg:$0x2];
	[bflag:$0x3] =	sbarrier.arrive $0xFFFF;
	s2 =	simm.s32 @!p0 $0x1C05  }
0x144: {  	[timem:s3], [sflag:s2] =	dma.local @!p0 [hbm:s0], s1  }
0x145: {  	s0 =	simm.s32 @!p0 $0x5  }
0x146: {  	_ =	swait.ge @!p0 [sflag:s0], s1  }
0x147: {  	s1 =	ssub.s32 @!p0 $0x0, s1;
	[sflag:s0] =	ssyncset.done @!p0 $0x0  }
0x148: {  	[sflag:s0] =	ssyncadd.s32 @!p0 s1  }
0x149: {  	[bflag:$0x3] =	sbarrier.arrive $0xFFFF  }
0x14a: {  	_ =	shalt  }

// kernel: kernel.8.cloned.1.call-start
scs
__scs_entry_jumppad:
0x0: {  	(pc) =	sbr.rel $0x88, $3  }
0x1: {  	(tag) =	ssettag $0x0;
	lr =	simm.s32 $0x1  }
0x2: {  	[smem:$0x3F9B] =	sst lr;
	_ =	strace $0xD0000000  }
0x3: {  	_ = 	snop  }
0x4: {  	_ = 	snop  }
0x5: {  	_ = 	snop  }
0x6: {  	_ = 	snop  }
0x7: {  	_ = 	snop  }
__scs_overlays_trampoline_lowered:
0x8: {  	[smem:$0x3FAA] =	sst s0  }
0x9: {  	[smem:$0x3FAB] =	sst s1  }
0xa: {  	[smem:$0x3FAC] =	sst s2  }
0xb: {  	[smem:$0x3FAD] =	sst s3  }
0xc: {  	[smem:$0x3FAE] =	sst s4  }
0xd: {  	[smem:$0x3FAF] =	sst s5  }
0xe: {  	[smem:$0x3FB0] =	sst s6  }
0xf: {  	[smem:$0x3FB1] =	sst s7  }
0x10: {  	[smem:$0x3FB2] =	sst s8  }
0x11: {  	[smem:$0x3FB3] =	sst s9;
	s0 =	simm.s32 @!p0 $0x0  }
0x12: {  	s1 =	sld [smem:$0x3F99];
	s0 =	simm.s32 @p0 $0x1  }
0x13: {  	[smem:$0x3FB4] =	sst s0;
	s0 =	simm.s32 @!p1 $0x0  }
0x14: {  	s2 =	sld [smem:$0x3F98];
	s0 =	simm.s32 @p1 $0x1  }
0x15: {  	[smem:$0x3FB5] =	sst s0;
	s0 =	simm.s32 @!p2 $0x0  }
0x16: {  	s3 =	sld [smem:$0x3FDB];
	s0 =	simm.s32 @p2 $0x1  }
0x17: {  	s4 =	simm.s32 $0x1BF5;
	[smem:$0x3FB7] =	sst s0  }
0x18: {  	s0 =	sld [smem:$0x3F9A];
	_ =	swait.ge [sflag:s4], $0x0  }
0x19: {  	s7 =	sld [smem:$0x3F9B]  }
0x1a: {  	s8 =	sadd.s32 $0xFFFFE003, lr  }
0x1b: {  	s9 =	sadd.s32 $0xFFFFFEF7, lr;
	s5 =	simm.s32 $0xFFFFFFFF;
	p2 =	slt.u32 s8, $0xFFFFF086  }
0x1c: {  	p1 =	slt.u32 s9, $0xF7A;
	s5 =	simm.s32 @!p2 $0x0  }
0x1d: {  	s5 =	simm.s32 @p1 $0x1;
	p0 =	seq.s32 s7, s2  }
0x1e: {  	s7 =	smul.u32 @!p0 $0xF7A, s2;
	p2 =	seq.s32 @!p0 s5, $0x0  }
0x1f: {  	s9 =	smul.u32 $0xF7A, s1;
	s8 =	simm.s32 @!p0 $0x1BF5;
	p2 =	por !p2, p0  }
0x20: {  	[sflag:s8] =	ssyncset.s32 @!p0 $0xFFFFF086;
	s6 =	sadd.s32 @!p0 s3, s7;
	s7 =	simm.s32 @!p0 $0x108  }
0x21: {  	s3 =	sadd.s32 s3, s9;
	s6 =	sadd.s32 @!p0 $0x88, s6;
	s7 =	simm.s32 @p2 $0x1082  }
0x22: {  	[simem:s7], [sflag:s8] =	dma.local @!p0 [hbm:s6], $0xF7A  }
0x23: {  	s9 =	sor.u32 $0xD0000000, s2;
	s6 =	simm.s32 $0x108;
	_ =	swait.ge @!p0 [sflag:s8], $0x0  }
0x24: {  	s3 =	sadd.s32 $0x88, s3;
	s6 =	simm.s32 @!p1 $0x1082;
	[sflag:s4] =	ssyncset.s32 $0xFFFFF086  }
0x25: {  	[simem:s6], [sflag:s4] =	dma.local [hbm:s3], $0xF7A  }
0x26: {  	[smem:$0x3F9B] =	sst s1;
	(tag) =	ssettag s2;
	_ =	strace s9  }
0x27: {  	s1 =	sld [smem:$0x3FAB]  }
0x28: {  	s2 =	sld [smem:$0x3FAC]  }
0x29: {  	s4 =	sld [smem:$0x3FAE]  }
0x2a: {  	p0 =	seq.s32 s5, $0x0;
	s5 =	sld [smem:$0x3FAF]  }
0x2b: {  	s6 =	sld [smem:$0x3FB0]  }
0x2c: {  	s7 =	sld [smem:$0x3FB1]  }
0x2d: {  	s3 =	simm.s32 $0x108;
	s8 =	sld [smem:$0x3FB2]  }
0x2e: {  	s3 =	simm.s32 @!p0 $0x1082;
	s9 =	sld [smem:$0x3FB3]  }
0x2f: {  	lr =	sadd.s32 s0, s3;
	s0 =	sld [smem:$0x3FAA]  }
0x30: {  	s3 =	sld [smem:$0x3FAD]  }
0x31: {  	[smem:$0x3FB6] =	sst s10  }
0x32: {  	s10 =	sld [smem:$0x3FB4];
	_ =	sdelay $0x3  }
0x33: {  	p0 =	seq.s32 s10, $0x1;
	s10 =	sld [smem:$0x3FB6];
	_ =	sdelay $0x3  }
0x34: {  	[smem:$0x3FB6] =	sst s10  }
0x35: {  	s10 =	sld [smem:$0x3FB5];
	_ =	sdelay $0x3  }
0x36: {  	p1 =	seq.s32 s10, $0x1;
	s10 =	sld [smem:$0x3FB6];
	_ =	sdelay $0x3  }
0x37: {  	[smem:$0x3FB6] =	sst s10  }
0x38: {  	s10 =	sld [smem:$0x3FB7]  }
0x39: {  	_ = 	snop;
	(pc) =	sbr.ind lr, $3  }
0x3a: {  	_ = 	snop  }
0x3b: {  	_ = 	snop  }
0x3c: {  	p2 =	seq.s32 s10, $0x1;
	s10 =	sld [smem:$0x3FB6]  }
0x3d: {  	_ =	shalt  }
0x3e: {  	_ =	shalt  }
0x3f: {  	_ =	shalt  }
0x40: {  	_ =	shalt  }
0x41: {  	_ =	shalt  }
0x42: {  	_ =	shalt  }
0x43: {  	_ =	shalt  }
0x44: {  	_ =	shalt  }
0x45: {  	_ =	shalt  }
0x46: {  	_ =	shalt  }
0x47: {  	_ =	shalt  }
0x48: {  	_ =	shalt  }
0x49: {  	_ =	shalt  }
0x4a: {  	_ =	shalt  }
0x4b: {  	_ =	shalt  }
0x4c: {  	_ =	shalt  }
0x4d: {  	_ =	shalt  }
0x4e: {  	_ =	shalt  }
0x4f: {  	_ =	shalt  }
0x50: {  	_ =	shalt  }
0x51: {  	_ =	shalt  }
0x52: {  	_ =	shalt  }
0x53: {  	_ =	shalt  }
0x54: {  	_ =	shalt  }
0x55: {  	_ =	shalt  }
0x56: {  	_ =	shalt  }
0x57: {  	_ =	shalt  }
0x58: {  	_ =	shalt  }
0x59: {  	_ =	shalt  }
0x5a: {  	_ =	shalt  }
0x5b: {  	_ =	shalt  }
0x5c: {  	_ =	shalt  }
0x5d: {  	_ =	shalt  }
0x5e: {  	_ =	shalt  }
0x5f: {  	_ =	shalt  }
0x60: {  	_ =	shalt  }
0x61: {  	_ =	shalt  }
0x62: {  	_ =	shalt  }
0x63: {  	_ =	shalt  }
0x64: {  	_ =	shalt  }
0x65: {  	_ =	shalt  }
0x66: {  	_ =	shalt  }
0x67: {  	_ =	shalt  }
0x68: {  	_ =	shalt  }
0x69: {  	_ =	shalt  }
0x6a: {  	_ =	shalt  }
0x6b: {  	_ =	shalt  }
0x6c: {  	_ =	shalt  }
0x6d: {  	_ =	shalt  }
0x6e: {  	_ =	shalt  }
0x6f: {  	_ =	shalt  }
0x70: {  	_ =	shalt  }
0x71: {  	_ =	shalt  }
0x72: {  	_ =	shalt  }
0x73: {  	_ =	shalt  }
0x74: {  	_ =	shalt  }
0x75: {  	_ =	shalt  }
0x76: {  	_ =	shalt  }
0x77: {  	_ =	shalt  }
0x78: {  	_ =	shalt  }
0x79: {  	_ =	shalt  }
0x7a: {  	_ =	shalt  }
0x7b: {  	_ =	shalt  }
0x7c: {  	_ =	shalt  }
0x7d: {  	_ =	shalt  }
0x7e: {  	_ =	shalt  }
0x7f: {  	_ =	shalt  }
0x80: {  	_ =	shalt  }
0x81: {  	_ =	shalt  }
0x82: {  	_ =	shalt  }
0x83: {  	_ =	shalt  }
0x84: {  	_ =	shalt  }
0x85: {  	_ =	shalt  }
0x86: {  	_ =	shalt  }
0x87: {  	_ =	shalt  }
.Lfunc_end0:
.L_simem_size_0:
called_computation_lowered:
.L_overlay_start_0:
0x88: {  	s2 =	sld [smem:$0x3FD9]  }
0x89: {  	s3 =	sld [smem:$0x3FFE];
	_ =	sdelay $0x1  }
0x8a: {  	s1 =	srdreg.scid  }
0x8b: {  	s0 =	sand.u32 $0x1, s1  }
0x8c: {  	s17 =	sshll.u32 s0, $0xA;
	s2 =	sadd.s32 s3, s2  }
0x8d: {  	s2 =	sadd.s32 s2, s17  }
0x8e: {  	[smem:$0x3FC2] =	sst s2  }
0x8f: {  	_ = 	snop  }
0x90: {  	s2 =	sld [smem:$0x3FD0];
	(tm) =	ssettm $0x1  }
0x91: {  	s18 =	sld [smem:$0x3FFB];
	_ =	sdelay $0x3  }
0x92: {  	_ =	strace s18  }
0x93: {  	s3 =	sld [smem:$0x3FFC];
	_ =	sdelay $0x3  }
0x94: {  	_ =	strace s3  }
0x95: {  	s3 =	sld [smem:$0x3FFD];
	_ =	sdelay $0x3  }
0x96: {  	_ =	strace s3  }
0x97: {  	_ =	strace $0x8FFFFFFF  }
0x98: {  	s19 =	sld [smem:$0x3FDB];
	_ =	sdelay $0x1  }
0x99: {  	s4 =	simm.s32 $_scs_section_size  }
0x9a: {  	s5 =	simm.s32 $_size__tile_overlayer_lowered;
	s6 =	simm.s32 $_tile_overlayer_lowered  }
0x9b: {  	s22 =	simm.s32 $0x1BFF;
	s21 =	sshll.u32 s6, $0x1;
	s3 =	sadd.s32 s4, s19  }
0x9c: {  	s7 =	simm.s32 $0x0;
	s20 =	sshll.u32 s5, $0x1;
	s5 =	sadd.s32 s21, s3  }
0x9d: {  	[timem:s7], [sflag:s22] =	dma.local [hbm:s5], s20  }
0x9e: {  	_ =	swait.ge [sflag:s22], s20  }
0x9f: {  	s4 =	ssub.s32 $0x0, s20;
	[sflag:s22] =	ssyncset.done $0x0  }
0xa0: {  	[sflag:s22] =	ssyncadd.s32 s4;
	_ =	sdelay $0x1  }
0xa1: {  	s23 =	simm.s32 $0x1B8B  }
0xa2: {  	_ =	swait.ge [sflag:s23], $0x1  }
0xa3: {  	[sflag:s23] =	ssyncset.done $0x0  }
0xa4: {  	s25 =	simm.s32 $0x1B8E;
	s24 =	sld [smem:$0x3FFE];
	[sflag:s23] =	ssyncadd.s32 $0xFFFFFFFF  }
0xa5: {  	s26 =	simm.s32 $execute0_lowered;
	[smem:$0x3FD2] =	sst s25  }
0xa6: {  	s5 =	sshll.u32 s26, $0x1;
	_ =	strace $0x80000046;
	[dreg:$0x1] =	wrdreg $0xFFFFFFFF  }
0xa7: {  	s28 =	simm.s32 $_size_execute0_lowered;
	s3 =	sadd.s32 s3, s5;
	[dreg:$0x0] =	wrdreg $0x0  }
0xa8: {  	s5 =	sshll.u32 s28, $0x1;
	[dreg:$0x2] =	wrdreg s3  }
0xa9: {  	[dreg:$0x3] =	wrdreg s5  }
0xaa: {  	[dreg:$0x4] =	wrdreg $0xC0  }
0xab: {  	_ =	task [dreg:s7], $0x5FFFF  }
0xac: {  	[dreg:$0x1] =	wrdreg $0xFFFFFFFF  }
0xad: {  	[dreg:$0x0] =	wrdreg $0x60  }
0xae: {  	[dreg:$0x2] =	wrdreg s24  }
0xaf: {  	[dreg:$0x3] =	wrdreg s2  }
0xb0: {  	[dreg:$0x4] =	wrdreg $0x1C000  }
0xb1: {  	[dreg:$0x5] =	wrdreg $0x9  }
0xb2: {  	_ =	task.clear_ibuf [dreg:s7], $0x6FFFF;
	_ =	strace $0x90000046  }
0xb3: {  	s29 =	simm.s32 $0x9;
	_ =	strace $0x80000048  }
0xb4: {  	_ =	swait.ge [sflag:s29], $0x1  }
0xb5: {  	[sflag:s29] =	ssyncadd.s32 $0xFFFFFFFF  }
0xb6: {  	_ =	strace $0x90000048  }
0xb7: {  	_ =	sfence  }
0xb8: {  	s30 =	sld [smem:$0x0];
	_ =	sdelay $0x2  }
0xb9: {  	s31 =	sshll.u32 s1, $0xD;
	s1 =	sshrl.u32 s1, $0x2  }
0xba: {  	s3 =	sand.u32 $0x4000, s31;
	s1 =	sadd.s32 s1, s30  }
0xbb: {  	s0 =	sor.u32 s3, s0;
	s1 =	sshll.u32 s1, $0x11  }
0xbc: {  	s0 =	sor.u32 s1, s0  }
0xbd: {  	s0 =	sadd.s32 $0x8F2B, s0  }
0xbe: {  	[sflag:s0] =	ssyncadd.remote.s32 $0x1  }
0xbf: {  	_ =	sfence.sel $0xFFFF  }
0xc0: {  	[dreg:$0x0] =	wrdreg $0xFFFFFFFF;
	(pc) =	sbr.abs _section_cstart, $3  }
0xc1: {  	[dreg:$0x1] =	wrdreg $0xFFFFFFFF  }
0xc2: {  	_ =	task.clear_ibuf [dreg:s7], $0x2FFFF;
	_ =	strace $0x9FFFFFFF  }
0xc3: {  	(tm) =	ssettm $0x7FFFFFFF  }
tec
execute0_lowered:
.L_overlay_start_1:
0x0: {  	(tag) =	ssettag $0x1  }
0x1: {  	s5 =	rddreg [dreg:$0x0]  }
0x2: {  	s8 =	rddreg [dreg:$0x1];
	s0 =	srdreg.scid  }
0x3: {  	s2 =	rddreg [dreg:$0x2];
	s1 =	stileid.u32  }
0x4: {  	s3 =	simm.s32 $0x0;
	s13 =	simm.s32 $0x80;
	s14 =	simm.s32 $0x0  }
0x5: {  	s4 =	sand.u32 $0x1, s0;
	s0 =	rddreg [dreg:$0x3];
	s7 =	smul.u32 $0x1400, s1  }
0x6: {  	[smem:$0x7FF] =	sst s3;
	s26 =	smul.u32 $0x2780, s1;
	s31 =	sshll.u32 s1, $0x6  }
0x7: {  	s6 =	smul.u32 $0x14000, s4;
	_ =	strace $0x80000047;
	s9 =	ssub.s32 $0x2, s4  }
0x8: {  	s10 =	smul.u32 $0x27800, s4;
	s4 =	sadd.s32 $0x7400, s5;
	s28 =	sshrl.u32 s9, $0x1  }
0x9: {  	s30 =	sadd.s32 s26, s2;
	s6 =	sadd.s32 s7, s6;
	s9 =	ssub.s32 s9, s28  }
0xa: {  	s29 =	sadd.s32 s26, s10;
	s10 =	sshrl.u32 s30, $0x3;
	s6 =	sshrl.u32 s6, $0x3  }
0xb: {  	s12 =	sshrl.u32 s29, $0x3;
	s9 =	smax.u32 s9, $0x1;
	s11 =	sadd.s32 s6, s5  }
0xc: {  	s5 =	sadd.s32 $0x6E00, s5;
	s6 =	sor.u32 $0x1C01, s31;
	s8 =	sadd.s32 s8, s12  }
0xd: {  	s12 =	simm.s32 $0x1400;
	s7 =	sadd.s32 $0x1E00, s11;
	s11 =	simm.s32 $0x1  }
.LBB2_1:
0xe: {  	[spmem:s10], [sflag:s6] =	dma.local [hbm:s5], $0x4F0  }
0xf: {  	_ =	swait.ge [sflag:s11], $0x4F0  }
0x10: {  	[sflag:s11] =	ssyncset.done $0x0  }
0x11: {  	[sflag:s11] =	ssyncadd.s32 $0xFFFFFB10  }
0x12: {  	[tilespmem:s12], [sflag:$0x1] =	stream.linear.gather [hbm4b:s4+s3], $0x800, $0x38;
	[tilespmem:$0x4380] =	vst v63  }
0x13: {  	_ =	swait.ge [sflag:s11], $0x800  }
0x14: {  	[sflag:s11] =	ssyncset.done $0x0  }
0x15: {  	[sflag:s11] =	ssyncadd.s32 $0xFFFFF800  }
0x16: {  	[tilespmem:s3], [sflag:$0x1] =	stream.linear.gather [hbm4b:s7+s3], $0x1400, $0x38;
	[tilespmem:$0x4380] =	vst v63  }
0x17: {  	_ =	swait.ge [sflag:s11], $0x1400  }
0x18: {  	[sflag:s11] =	ssyncset.done $0x0  }
0x19: {  	[sflag:s11] =	ssyncadd.s32 $0xFFFFEC00  }
0x1a: {  	s15 =	simm.s32 $0x0;
	[bflag:$0x0] =	sbarrier.arrive $0xFFFF  }
0x1b: {  	[spmem:s2] =	stream.indirect.scatter.add.f32 [tilespmem:s12], [sflag:$0x1], $0x10, s15, s13, $0xb8;
	[tilespmem:$0x4380] =	vst v63  }
0x1c: {  	_ =	swait.ge [sflag:s11], $0x800  }
0x1d: {  	s15 =	simm.s32 $0x200;
	[sflag:s11] =	ssyncset.done $0x0  }
.LBB2_2:
0x1e: {  	s16 =	sshra.s32 s15, $0x2;
	[sflag:s11] =	ssyncadd.s32 $0xFFFFF800;
	p0 =	sne.s32 s15, $0x4E00  }
0x1f: {  	[spmem:s2] =	stream.indirect.scatter.add.f32 [tilespmem:s12], [sflag:$0x1], $0x10, s16, s13, $0xb8;
	[tilespmem:$0x4380] =	vst v63  }
.Ltmp0:
0x20: {  	_ = 	snop;
	(pc) =	sbr.rel @p0 .LBB2_2-.Ltmp0, $4  }
0x21: {  	_ = 	snop  }
0x22: {  	s15 =	sadd.s32 $0x200, s15  }
0x23: {  	_ =	swait.ge [sflag:s11], $0x800  }
0x24: {  	[sflag:s11] =	ssyncset.done $0x0  }
0x25: {  	s14 =	sadd.s32 $0x1, s14  }
0x26: {  	[sflag:s11] =	ssyncadd.s32 $0xFFFFF800;
	p0 =	sne.s32 s14, s9  }
.Ltmp1:
0x27: {  	[bflag:$0x0] =	sbarrier.arrive $0xFFFF;
	(pc) =	sbr.rel @p0 .LBB2_1-.Ltmp1, $4  }
0x28: {  	[hbm:s8], [sflag:s6] =	dma.local [spmem:s10], $0x4F0  }
0x29: {  	_ =	swait.ge [sflag:s11], $0x4F0  }
0x2a: {  	[sflag:s11] =	ssyncset.done $0x0  }
0x2b: {  	[sflag:s11] =	ssyncadd.s32 $0xFFFFFB10  }
0x2c: {  	_ =	sfence.sel $0x180000  }
0x2d: {  	[bflag:$0x0] =	sbarrier.arrive $0xFFFF  }
0x2e: {  	p0 =	sne.s32 s1, $0x0;
	_ =	strace $0x90000047  }
0x2f: {  	s0 =	sadd.s32 @!p0 $0x100000, s0;
	[bflag:$0x2] =	sbarrier.arrive $0xFFFF  }
0x30: {  	[sflag:s0] =	ssyncadd.tile.s32 @!p0 $0x1;
	_ =	shalt  }
.Lfunc_end2:
_tile_overlayer_lowered:
.L_overlay_start_2:
0x31: {  	(tag) =	ssettag $0x2  }
0x32: {  	s0 =	rddreg [dreg:$0x0];
	s2 =	stileid.u32  }
0x33: {  	s1 =	rddreg [dreg:$0x1];
	p0 =	sne.s32 s2, $0x0  }
0x34: {  	s3 =	rddreg [dreg:$0x2];
	[bflag:$0x3] =	sbarrier.arrive $0xFFFF;
	s2 =	simm.s32 @!p0 $0x1C01  }
0x35: {  	[timem:s3], [sflag:s2] =	dma.local @!p0 [hbm:s0], s1  }
0x36: {  	s0 =	simm.s32 @!p0 $0x1  }
0x37: {  	_ =	swait.ge @!p0 [sflag:s0], s1  }
0x38: {  	s1 =	ssub.s32 @!p0 $0x0, s1;
	[sflag:s0] =	ssyncset.done @!p0 $0x0  }
0x39: {  	[sflag:s0] =	ssyncadd.s32 @!p0 s1  }
0x3a: {  	[bflag:$0x3] =	sbarrier.arrive $0xFFFF  }
0x3b: {  	_ =	shalt  }

</sc_bundles>
